<compile_context>
chip_gen: v7x
topology: tpu7x:2x2x1
jax: 0.10.2.dev20260603
libtpu: 0.0.44.dev20260713+nightly
codegen_flags: <defaults>
</compile_context>

<pallas_src>
import functools

import jax
import jax.numpy as jnp
from jax import lax
from jax.experimental import pallas as pl
from jax.experimental.pallas import tpu as pltpu
from jax.experimental.pallas import tpu_sc as plsc

N = 10000
E = 320000
D = 128
G = 16

NC = 2
NS = 16
NW = NC * NS

K = 128
CHUNKS = 80
EP = NW * CHUNKS * K
NPAD = 10240
ZR = NPAD // NS
ZC = ZR // K

BLK = 1000



def _deg_body(dst_hbm, zid_hbm, zeros_hbm, ones_hbm, out_hbm,
              dst_v, zid_v, zrows_v, ones_v, acc_sh):
    c = lax.axis_index("c")
    s = lax.axis_index("s")
    wid = c * NS + s
    pltpu.sync_copy(dst_hbm.at[wid], dst_v)
    pltpu.sync_copy(zid_hbm.at[s], zid_v)
    pltpu.sync_copy(zeros_hbm, zrows_v)
    pltpu.sync_copy(ones_hbm, ones_v)
    for r in range(ZC):
        pltpu.sync_copy(zrows_v, acc_sh.at[zid_v.at[r]])
    plsc.subcore_barrier()

    def body(j, carry):
        pltpu.sync_copy(ones_v, acc_sh.at[dst_v.at[j]], add=True)
        return carry

    lax.fori_loop(0, CHUNKS, body, 0)
    plsc.subcore_barrier()
    for r in range(ZC):
        pltpu.sync_copy(acc_sh.at[zid_v.at[r]], zrows_v)
        pltpu.sync_copy(zrows_v, out_hbm.at[pl.ds(c * NPAD + s * ZR + r * K, K)])


def _agg_body(h_hbm, src_hbm, dst_hbm, zid_hbm, zeros_hbm, out_hbm,
              src_v, dsti_v, zid_v, rows_a, rows_b,
              acc_sh, sem_ra, sem_rb, sem_ia, sem_ib):
    c = lax.axis_index("c")
    s = lax.axis_index("s")
    wid = c * NS + s
    pltpu.sync_copy(src_hbm.at[wid], src_v)
    pltpu.sync_copy(zid_hbm.at[s], zid_v)
    pltpu.sync_copy(zeros_hbm, rows_a)
    for r in range(ZC):
        pltpu.sync_copy(rows_a, acc_sh.at[zid_v.at[r]])
    plsc.subcore_barrier()

    pltpu.async_copy(h_hbm.at[src_v.at[0]], rows_a, sem_ra)
    pltpu.async_copy(dst_hbm.at[wid, 0], dsti_v.at[0], sem_ia)

    def body(t, carry):
        j0 = 2 * t
        pltpu.async_copy(h_hbm.at[src_v.at[j0 + 1]], rows_b, sem_rb)
        pltpu.async_copy(dst_hbm.at[wid, j0 + 1], dsti_v.at[1], sem_ib)
        pltpu.make_async_copy(h_hbm.at[src_v.at[0]], rows_a, sem_ra).wait()
        pltpu.make_async_copy(dst_hbm.at[wid, 0], dsti_v.at[0], sem_ia).wait()
        pltpu.sync_copy(rows_a, acc_sh.at[dsti_v.at[0]], add=True)
        j2 = (j0 + 2) % CHUNKS
        pltpu.async_copy(h_hbm.at[src_v.at[j2]], rows_a, sem_ra)
        pltpu.async_copy(dst_hbm.at[wid, j2], dsti_v.at[0], sem_ia)
        pltpu.make_async_copy(h_hbm.at[src_v.at[0]], rows_b, sem_rb).wait()
        pltpu.make_async_copy(dst_hbm.at[wid, 0], dsti_v.at[1], sem_ib).wait()
        pltpu.sync_copy(rows_b, acc_sh.at[dsti_v.at[1]], add=True)
        return carry

    lax.fori_loop(0, CHUNKS // 2, body, 0)
    pltpu.make_async_copy(h_hbm.at[src_v.at[0]], rows_a, sem_ra).wait()
    pltpu.make_async_copy(dst_hbm.at[wid, 0], dsti_v.at[0], sem_ia).wait()
    plsc.subcore_barrier()
    for r in range(ZC):
        pltpu.sync_copy(acc_sh.at[zid_v.at[r]], rows_a)
        pltpu.sync_copy(rows_a, out_hbm.at[pl.ds(c * NPAD + s * ZR + r * K, K)])


@functools.lru_cache(maxsize=1)
def _sc_kernels():
    mesh = plsc.VectorSubcoreMesh(core_axis_name="c", subcore_axis_name="s",
                                  num_cores=NC, num_subcores=NS)
    deg = pl.kernel(
        _deg_body,
        out_type=jax.ShapeDtypeStruct((NC * NPAD, D), jnp.float32),
        mesh=mesh,
        scratch_types=[
            pltpu.VMEM((CHUNKS, K), jnp.int32),
            pltpu.VMEM((ZC, K), jnp.int32),
            pltpu.VMEM((K, D), jnp.float32),
            pltpu.VMEM((K, D), jnp.float32),
            pltpu.VMEM_SHARED((NPAD, D), jnp.float32),
        ],
    )
    agg = pl.kernel(
        _agg_body,
        out_type=jax.ShapeDtypeStruct((NC * NPAD, D), jnp.float32),
        mesh=mesh,
        scratch_types=[
            pltpu.VMEM((CHUNKS, K), jnp.int32),
            pltpu.VMEM((2, K), jnp.int32),
            pltpu.VMEM((ZC, K), jnp.int32),
            pltpu.VMEM((K, D), jnp.float32),
            pltpu.VMEM((K, D), jnp.float32),
            pltpu.VMEM_SHARED((NPAD, D), jnp.float32),
            pltpu.SemaphoreType.DMA,
            pltpu.SemaphoreType.DMA,
            pltpu.SemaphoreType.DMA,
            pltpu.SemaphoreType.DMA,
        ],
    )
    return deg, agg



def _tc0_body(x, W1, h1):
    h1[...] = jnp.dot(x[...], W1[...], preferred_element_type=jnp.float32)


def _tc1_body(deg0, deg1, h, h1p, dinvc):
    deg = deg0[...][:, :1] + deg1[...][:, :1] + 1.0
    dinv = lax.rsqrt(deg)
    h1p[...] = h[...] * dinv
    dinvc[...] = dinv


def _tc2_body(a0, a1, hp, dinvc, b, W, out):
    dinv = dinvc[...]
    z = dinv * (a0[...] + a1[...] + hp[...]) + b[...]
    z = jnp.where(z >= 0, z, 0.01 * z)
    out[...] = jnp.dot(z, W[...], preferred_element_type=jnp.float32) * dinv


def _tc3_body(a0, a1, hp, dinvc, b, batch_r, Wfc, bfc, out, sums, cnt):
    i = pl.program_id(0)

    @pl.when(i == 0)
    def _():
        sums[...] = jnp.zeros_like(sums)
        cnt[...] = jnp.zeros_like(cnt)

    dinv = dinvc[...]
    z = dinv * (a0[...] + a1[...] + hp[...]) + b[...]
    z = jnp.where(z >= 0, z, 0.01 * z)
    seg = lax.broadcasted_iota(jnp.int32, (G, BLK), 0)
    m = (batch_r[...].reshape(1, BLK) == seg).astype(jnp.float32)
    sums[...] += jnp.dot(m, z, preferred_element_type=jnp.float32)
    cnt[...] += jnp.broadcast_to(jnp.sum(m, axis=1, keepdims=True), (G, D))

    @pl.when(i == pl.num_programs(0) - 1)
    def _():
        pooled = sums[...] / jnp.maximum(cnt[...], 1.0)
        out[...] = jnp.dot(pooled, Wfc[...], preferred_element_type=jnp.float32) + bfc[...]


def _row_spec(width):
    return pl.BlockSpec((BLK, width), lambda i: (i, 0))


def _full_spec(shape):
    return pl.BlockSpec(shape, lambda i: tuple(0 for _ in shape))


_tc0 = pl.pallas_call(
    _tc0_body,
    grid=(N // BLK,),
    in_specs=[_row_spec(D), _full_spec((D, D))],
    out_specs=_row_spec(D),
    out_shape=jax.ShapeDtypeStruct((N, D), jnp.float32),
)

_tc1 = pl.pallas_call(
    _tc1_body,
    grid=(N // BLK,),
    in_specs=[_row_spec(D), _row_spec(D), _row_spec(D)],
    out_specs=[_row_spec(D), _row_spec(1)],
    out_shape=[
        jax.ShapeDtypeStruct((N, D), jnp.float32),
        jax.ShapeDtypeStruct((N, 1), jnp.float32),
    ],
)

_tc2 = pl.pallas_call(
    _tc2_body,
    grid=(N // BLK,),
    in_specs=[_row_spec(D), _row_spec(D), _row_spec(D), _row_spec(1),
              _full_spec((1, D)), _full_spec((D, D))],
    out_specs=_row_spec(D),
    out_shape=jax.ShapeDtypeStruct((N, D), jnp.float32),
)

_tc3 = pl.pallas_call(
    _tc3_body,
    grid=(N // BLK,),
    in_specs=[_row_spec(D), _row_spec(D), _row_spec(D), _row_spec(1),
              _full_spec((1, D)), pl.BlockSpec((1, 1, BLK), lambda i: (i, 0, 0)),
              _full_spec((D, 1)), _full_spec((1, 1))],
    out_specs=_full_spec((G, 1)),
    out_shape=jax.ShapeDtypeStruct((G, 1), jnp.float32),
    scratch_shapes=[
        pltpu.VMEM((G, D), jnp.float32),
        pltpu.VMEM((G, D), jnp.float32),
    ],
)



def kernel(x, edge_index, batch, W1, b1, W2, b2, Wfc, bfc):
    src = edge_index[0]
    dst = edge_index[1]
    npad_e = EP - E
    pad_src = jnp.zeros((npad_e,), jnp.int32)
    pad_dst = N + (jnp.arange(npad_e, dtype=jnp.int32) % (NPAD - N))
    srcp = jnp.concatenate([src, pad_src]).reshape(NW, CHUNKS, K)
    dstp = jnp.concatenate([dst, pad_dst]).reshape(NW, CHUNKS, K)

    zid = (jnp.arange(NS * ZR, dtype=jnp.int32)).reshape(NS, ZC, K)
    zerosD = jnp.zeros((K, D), jnp.float32)
    onesD = jnp.ones((K, D), jnp.float32)

    deg_kernel, agg_kernel = _sc_kernels()
    h1 = _tc0(x, W1)
    degs = deg_kernel(dstp, zid, zerosD, onesD)
    h1p, dinvc = _tc1(degs[:NPAD], degs[NPAD:], h1)

    acc1 = agg_kernel(h1p, srcp, dstp, zid, zerosD)
    h2p = _tc2(acc1[:NPAD], acc1[NPAD:], h1p, dinvc, b1.reshape(1, D), W2)

    acc2 = agg_kernel(h2p, srcp, dstp, zid, zerosD)
    return _tc3(acc2[:NPAD], acc2[NPAD:], h2p, dinvc, b2.reshape(1, D),
                batch.reshape(N // BLK, 1, BLK), Wfc, bfc.reshape(1, 1))

# --- scband reference (transcript-rebuilt; emitter-appended) ---
"""Pipeline reference for scband-gcn-11501922419433 (READ-ONLY COPY).

The authoritative reference and input builder live on the scoring server;
editing this copy changes nothing except your own understanding.
"""

import jax, jax.numpy as jnp
import numpy as np

N = 10000   # nodes
E = 320000  # edges
D = 128     # in/hidden/out channels
G = 16      # graphs in batch


def gcn_conv(x, src, dst, W, b, num_nodes):
    # PyG-style GCNConv: add self-loops, symmetric deg^{-1/2} normalization,
    # linear transform, scatter-add aggregation, then bias.
    loop = jnp.arange(num_nodes, dtype=src.dtype)
    s = jnp.concatenate([src, loop])
    d = jnp.concatenate([dst, loop])
    deg = jnp.zeros((num_nodes,), x.dtype).at[d].add(1.0)
    dinv = jnp.where(deg > 0, jax.lax.rsqrt(jnp.maximum(deg, 1e-12)), 0.0)
    norm = dinv[s] * dinv[d]
    h = x @ W
    msg = h[s] * norm[:, None]
    out = jnp.zeros((num_nodes, W.shape[1]), x.dtype).at[d].add(msg)
    return out + b


def setup_inputs(seed: int = 0) -> dict:
    key = jax.random.key(seed)
    ks = jax.random.split(key, 10)
    x = jax.random.normal(ks[0], (N, D), dtype=jnp.float32)
    edge_index = jax.random.randint(ks[1], (2, E), 0, N, dtype=jnp.int32)
    batch = jnp.sort(jax.random.randint(ks[2], (N,), 0, G, dtype=jnp.int32))
    s = 1.0 / np.sqrt(D)
    W1 = jax.random.normal(ks[3], (D, D), dtype=jnp.float32) * s
    b1 = jnp.zeros((D,), dtype=jnp.float32)
    W2 = jax.random.normal(ks[4], (D, D), dtype=jnp.float32) * s
    b2 = jnp.zeros((D,), dtype=jnp.float32)
    Wfc = jax.random.normal(ks[5], (D, 1), dtype=jnp.float32) * s
    bfc = jnp.zeros((1,), dtype=jnp.float32)
    return {"x": x, "edge_index": edge_index, "batch": batch,
            "W1": W1, "b1": b1, "W2": W2, "b2": b2, "Wfc": Wfc, "bfc": bfc}


def reference(x, edge_index, batch, W1, b1, W2, b2, Wfc, bfc):
    src = edge_index[0]
    dst = edge_index[1]
    h = gcn_conv(x, src, dst, W1, b1, N)
    h = jax.nn.leaky_relu(h, negative_slope=0.01)
    h = gcn_conv(h, src, dst, W2, b2, N)
    h = jax.nn.leaky_relu(h, negative_slope=0.01)
    # global_mean_pool over graph ids in `batch`
    sums = jax.ops.segment_sum(h, batch, num_segments=G)
    counts = jax.ops.segment_sum(jnp.ones((N,), h.dtype), batch, num_segments=G)
    pooled = sums / jnp.clip(counts, 1.0)[:, None]
    return pooled @ Wfc + bfc

if __name__ == "__main__":
    import jax
    _d = setup_inputs()
    print(jax.jit(kernel)(*tuple(_d.values())))

</pallas_src>

<mosaic_0001>
#map = affine_map<(d0, d1) -> (0, 0, 0)>
#map1 = affine_map<(d0, d1) -> (0, 0)>
module attributes {stable_mosaic.version = 14 : i64} {
  func.func @_deg_body(%arg0: i32, %arg1: i32, %arg2: memref<32x80x128xi32, #tpu.memory_space<hbm>>, %arg3: memref<16x5x128xi32, #tpu.memory_space<hbm>>, %arg4: memref<128x128xf32, #tpu.memory_space<hbm>>, %arg5: memref<128x128xf32, #tpu.memory_space<hbm>>, %arg6: memref<20480x128xf32, #tpu.memory_space<hbm>>, %arg7: memref<80x128xi32, #tpu.memory_space<vmem>>, %arg8: memref<5x128xi32, #tpu.memory_space<vmem>>, %arg9: memref<128x128xf32, #tpu.memory_space<vmem>>, %arg10: memref<128x128xf32, #tpu.memory_space<vmem>>, %arg11: memref<10240x128xf32, #tpu.memory_space<vmem_shared>>) attributes {dimension_semantics = [#tpu.dimension_semantics<core_parallel>, #tpu.dimension_semantics<subcore_parallel>], iteration_bounds = array<i64: 2, 16>, scalar_prefetch = 0 : i64, scratch_operands = 5 : i64, tpu.core_type = #tpu.core_type<sc_vector_subcore>, window_params = [{transform_indices = #map}, {transform_indices = #map}, {transform_indices = #map1}, {transform_indices = #map1}, {transform_indices = #map1}]} {
    %mul3A = arith.constant 16 : i32
    %mul3A_0 = arith.muli %arg0, %mul3A : i32
    %add3A = arith.addi %mul3A_0, %arg1 : i32
    "tpu.region"() ({
      %run_scoped3A_51 = tpu.sem_alloc : memref<!tpu.dma_semaphore, #tpu.memory_space<semaphore_mem>>
      %dma_start3A = arith.constant 0 : i32
      %dma_start3A_52 = arith.constant 0 : i32
      %dma_start3A_53 = tpu.memref_slice %arg2[%add3A, %dma_start3A, %dma_start3A_52] : memref<32x80x128xi32, #tpu.memory_space<hbm>> -> memref<1x80x128xi32, #tpu.memory_space<hbm>>
      %dma_start3A_54 = tpu.memref_squeeze %dma_start3A_53 : memref<1x80x128xi32, #tpu.memory_space<hbm>> -> memref<80x128xi32, #tpu.memory_space<hbm>>
      %dma_start3A_55 = arith.constant 0 : i32
      %dma_start3A_56 = arith.constant 0 : i32
      %dma_start3A_57 = tpu.memref_slice %arg2[%add3A, %dma_start3A_55, %dma_start3A_56] : memref<32x80x128xi32, #tpu.memory_space<hbm>> -> memref<1x80x128xi32, #tpu.memory_space<hbm>>
      %dma_start3A_58 = tpu.memref_squeeze %dma_start3A_57 : memref<1x80x128xi32, #tpu.memory_space<hbm>> -> memref<80x128xi32, #tpu.memory_space<hbm>>
      tpu.enqueue_dma source(%dma_start3A_58 : memref<80x128xi32, #tpu.memory_space<hbm>>) target(%arg7 : memref<80x128xi32, #tpu.memory_space<vmem>>) target_semaphore(%run_scoped3A_51 : memref<!tpu.dma_semaphore, #tpu.memory_space<semaphore_mem>>)
      %dma_wait3A = arith.constant 0 : i32
      %dma_wait3A_59 = arith.constant 0 : i32
      %dma_wait3A_60 = tpu.memref_slice %arg2[%add3A, %dma_wait3A, %dma_wait3A_59] : memref<32x80x128xi32, #tpu.memory_space<hbm>> -> memref<1x80x128xi32, #tpu.memory_space<hbm>>
      %dma_wait3A_61 = tpu.memref_squeeze %dma_wait3A_60 : memref<1x80x128xi32, #tpu.memory_space<hbm>> -> memref<80x128xi32, #tpu.memory_space<hbm>>
      %dma_wait3A_62 = arith.constant 0 : i32
      %dma_wait3A_63 = arith.constant 0 : i32
      %dma_wait3A_64 = tpu.memref_slice %arg2[%add3A, %dma_wait3A_62, %dma_wait3A_63] : memref<32x80x128xi32, #tpu.memory_space<hbm>> -> memref<1x80x128xi32, #tpu.memory_space<hbm>>
      %dma_wait3A_65 = tpu.memref_squeeze %dma_wait3A_64 : memref<1x80x128xi32, #tpu.memory_space<hbm>> -> memref<80x128xi32, #tpu.memory_space<hbm>>
      tpu.wait_dma2 semaphore(%run_scoped3A_51 : memref<!tpu.dma_semaphore, #tpu.memory_space<semaphore_mem>>) src(%dma_wait3A_65 : memref<80x128xi32, #tpu.memory_space<hbm>>) dst(%arg7 : memref<80x128xi32, #tpu.memory_space<vmem>>)
      tpu.yield
    }) : () -> ()
    "tpu.region"() ({
      %run_scoped3A_51 = tpu.sem_alloc : memref<!tpu.dma_semaphore, #tpu.memory_space<semaphore_mem>>
      %dma_start3A = arith.constant 0 : i32
      %dma_start3A_52 = arith.constant 0 : i32
      %dma_start3A_53 = tpu.memref_slice %arg3[%arg1, %dma_start3A, %dma_start3A_52] : memref<16x5x128xi32, #tpu.memory_space<hbm>> -> memref<1x5x128xi32, #tpu.memory_space<hbm>>
      %dma_start3A_54 = tpu.memref_squeeze %dma_start3A_53 : memref<1x5x128xi32, #tpu.memory_space<hbm>> -> memref<5x128xi32, #tpu.memory_space<hbm>>
      %dma_start3A_55 = arith.constant 0 : i32
      %dma_start3A_56 = arith.constant 0 : i32
      %dma_start3A_57 = tpu.memref_slice %arg3[%arg1, %dma_start3A_55, %dma_start3A_56] : memref<16x5x128xi32, #tpu.memory_space<hbm>> -> memref<1x5x128xi32, #tpu.memory_space<hbm>>
      %dma_start3A_58 = tpu.memref_squeeze %dma_start3A_57 : memref<1x5x128xi32, #tpu.memory_space<hbm>> -> memref<5x128xi32, #tpu.memory_space<hbm>>
      tpu.enqueue_dma source(%dma_start3A_58 : memref<5x128xi32, #tpu.memory_space<hbm>>) target(%arg8 : memref<5x128xi32, #tpu.memory_space<vmem>>) target_semaphore(%run_scoped3A_51 : memref<!tpu.dma_semaphore, #tpu.memory_space<semaphore_mem>>)
      %dma_wait3A = arith.constant 0 : i32
      %dma_wait3A_59 = arith.constant 0 : i32
      %dma_wait3A_60 = tpu.memref_slice %arg3[%arg1, %dma_wait3A, %dma_wait3A_59] : memref<16x5x128xi32, #tpu.memory_space<hbm>> -> memref<1x5x128xi32, #tpu.memory_space<hbm>>
      %dma_wait3A_61 = tpu.memref_squeeze %dma_wait3A_60 : memref<1x5x128xi32, #tpu.memory_space<hbm>> -> memref<5x128xi32, #tpu.memory_space<hbm>>
      %dma_wait3A_62 = arith.constant 0 : i32
      %dma_wait3A_63 = arith.constant 0 : i32
      %dma_wait3A_64 = tpu.memref_slice %arg3[%arg1, %dma_wait3A_62, %dma_wait3A_63] : memref<16x5x128xi32, #tpu.memory_space<hbm>> -> memref<1x5x128xi32, #tpu.memory_space<hbm>>
      %dma_wait3A_65 = tpu.memref_squeeze %dma_wait3A_64 : memref<1x5x128xi32, #tpu.memory_space<hbm>> -> memref<5x128xi32, #tpu.memory_space<hbm>>
      tpu.wait_dma2 semaphore(%run_scoped3A_51 : memref<!tpu.dma_semaphore, #tpu.memory_space<semaphore_mem>>) src(%dma_wait3A_65 : memref<5x128xi32, #tpu.memory_space<hbm>>) dst(%arg8 : memref<5x128xi32, #tpu.memory_space<vmem>>)
      tpu.yield
    }) : () -> ()
    "tpu.region"() ({
      %run_scoped3A_51 = tpu.sem_alloc : memref<!tpu.dma_semaphore, #tpu.memory_space<semaphore_mem>>
      tpu.enqueue_dma source(%arg4 : memref<128x128xf32, #tpu.memory_space<hbm>>) target(%arg9 : memref<128x128xf32, #tpu.memory_space<vmem>>) target_semaphore(%run_scoped3A_51 : memref<!tpu.dma_semaphore, #tpu.memory_space<semaphore_mem>>)
      tpu.wait_dma2 semaphore(%run_scoped3A_51 : memref<!tpu.dma_semaphore, #tpu.memory_space<semaphore_mem>>) src(%arg4 : memref<128x128xf32, #tpu.memory_space<hbm>>) dst(%arg9 : memref<128x128xf32, #tpu.memory_space<vmem>>)
      tpu.yield
    }) : () -> ()
    "tpu.region"() ({
      %run_scoped3A_51 = tpu.sem_alloc : memref<!tpu.dma_semaphore, #tpu.memory_space<semaphore_mem>>
      tpu.enqueue_dma source(%arg5 : memref<128x128xf32, #tpu.memory_space<hbm>>) target(%arg10 : memref<128x128xf32, #tpu.memory_space<vmem>>) target_semaphore(%run_scoped3A_51 : memref<!tpu.dma_semaphore, #tpu.memory_space<semaphore_mem>>)
      tpu.wait_dma2 semaphore(%run_scoped3A_51 : memref<!tpu.dma_semaphore, #tpu.memory_space<semaphore_mem>>) src(%arg5 : memref<128x128xf32, #tpu.memory_space<hbm>>) dst(%arg10 : memref<128x128xf32, #tpu.memory_space<vmem>>)
      tpu.yield
    }) : () -> ()
    %run_scoped3A = arith.constant 0 : i32
    "tpu.region"() ({
      %run_scoped3A_51 = tpu.sem_alloc : memref<!tpu.dma_semaphore, #tpu.memory_space<semaphore_mem>>
      %dma_start3A = arith.constant 0 : i32
      %dma_start3A_52 = tpu.memref_slice %arg8[%run_scoped3A, %dma_start3A] : memref<5x128xi32, #tpu.memory_space<vmem>> -> memref<1x128xi32, #tpu.memory_space<vmem>>
      %dma_start3A_53 = tpu.memref_squeeze %dma_start3A_52 : memref<1x128xi32, #tpu.memory_space<vmem>> -> memref<128xi32, #tpu.memory_space<vmem>>
      %dma_start3A_54 = arith.constant 0 : i32
      %dma_start3A_55 = arith.constant 0 : i32
      %dma_start3A_56 = tpu.memref_slice %arg11[%dma_start3A_54, %dma_start3A_55] : memref<10240x128xf32, #tpu.memory_space<vmem_shared>> -> memref<10240x128xf32, #tpu.memory_space<vmem_shared>>
      tpu.enqueue_indirect_dma source(%arg9 : memref<128x128xf32, #tpu.memory_space<vmem>>) target(%dma_start3A_56 : memref<10240x128xf32, #tpu.memory_space<vmem_shared>>) offsets(%dma_start3A_53 : memref<128xi32, #tpu.memory_space<vmem>>) semaphore(%run_scoped3A_51 : memref<!tpu.dma_semaphore, #tpu.memory_space<semaphore_mem>>)
      %dma_wait3A = arith.constant 0 : i32
      %dma_wait3A_57 = tpu.memref_slice %arg8[%run_scoped3A, %dma_wait3A] : memref<5x128xi32, #tpu.memory_space<vmem>> -> memref<1x128xi32, #tpu.memory_space<vmem>>
      %dma_wait3A_58 = tpu.memref_squeeze %dma_wait3A_57 : memref<1x128xi32, #tpu.memory_space<vmem>> -> memref<128xi32, #tpu.memory_space<vmem>>
      %dma_wait3A_59 = arith.constant 0 : i32
      %dma_wait3A_60 = arith.constant 0 : i32
      %dma_wait3A_61 = tpu.memref_slice %arg11[%dma_wait3A_59, %dma_wait3A_60] : memref<10240x128xf32, #tpu.memory_space<vmem_shared>> -> memref<10240x128xf32, #tpu.memory_space<vmem_shared>>
      tpu.wait_indirect_dma semaphore(%run_scoped3A_51 : memref<!tpu.dma_semaphore, #tpu.memory_space<semaphore_mem>>) src(%arg9 : memref<128x128xf32, #tpu.memory_space<vmem>>) dst(%dma_wait3A_61 : memref<10240x128xf32, #tpu.memory_space<vmem_shared>>)
      tpu.yield
    }) : () -> ()
    %run_scoped3A_1 = arith.constant 1 : i32
    "tpu.region"() ({
      %run_scoped3A_51 = tpu.sem_alloc : memref<!tpu.dma_semaphore, #tpu.memory_space<semaphore_mem>>
      %dma_start3A = arith.constant 0 : i32
      %dma_start3A_52 = tpu.memref_slice %arg8[%run_scoped3A_1, %dma_start3A] : memref<5x128xi32, #tpu.memory_space<vmem>> -> memref<1x128xi32, #tpu.memory_space<vmem>>
      %dma_start3A_53 = tpu.memref_squeeze %dma_start3A_52 : memref<1x128xi32, #tpu.memory_space<vmem>> -> memref<128xi32, #tpu.memory_space<vmem>>
      %dma_start3A_54 = arith.constant 0 : i32
      %dma_start3A_55 = arith.constant 0 : i32
      %dma_start3A_56 = tpu.memref_slice %arg11[%dma_start3A_54, %dma_start3A_55] : memref<10240x128xf32, #tpu.memory_space<vmem_shared>> -> memref<10240x128xf32, #tpu.memory_space<vmem_shared>>
      tpu.enqueue_indirect_dma source(%arg9 : memref<128x128xf32, #tpu.memory_space<vmem>>) target(%dma_start3A_56 : memref<10240x128xf32, #tpu.memory_space<vmem_shared>>) offsets(%dma_start3A_53 : memref<128xi32, #tpu.memory_space<vmem>>) semaphore(%run_scoped3A_51 : memref<!tpu.dma_semaphore, #tpu.memory_space<semaphore_mem>>)
      %dma_wait3A = arith.constant 0 : i32
      %dma_wait3A_57 = tpu.memref_slice %arg8[%run_scoped3A_1, %dma_wait3A] : memref<5x128xi32, #tpu.memory_space<vmem>> -> memref<1x128xi32, #tpu.memory_space<vmem>>
      %dma_wait3A_58 = tpu.memref_squeeze %dma_wait3A_57 : memref<1x128xi32, #tpu.memory_space<vmem>> -> memref<128xi32, #tpu.memory_space<vmem>>
      %dma_wait3A_59 = arith.constant 0 : i32
      %dma_wait3A_60 = arith.constant 0 : i32
      %dma_wait3A_61 = tpu.memref_slice %arg11[%dma_wait3A_59, %dma_wait3A_60] : memref<10240x128xf32, #tpu.memory_space<vmem_shared>> -> memref<10240x128xf32, #tpu.memory_space<vmem_shared>>
      tpu.wait_indirect_dma semaphore(%run_scoped3A_51 : memref<!tpu.dma_semaphore, #tpu.memory_space<semaphore_mem>>) src(%arg9 : memref<128x128xf32, #tpu.memory_space<vmem>>) dst(%dma_wait3A_61 : memref<10240x128xf32, #tpu.memory_space<vmem_shared>>)
      tpu.yield
    }) : () -> ()
    %run_scoped3A_2 = arith.constant 2 : i32
    "tpu.region"() ({
      %run_scoped3A_51 = tpu.sem_alloc : memref<!tpu.dma_semaphore, #tpu.memory_space<semaphore_mem>>
      %dma_start3A = arith.constant 0 : i32
      %dma_start3A_52 = tpu.memref_slice %arg8[%run_scoped3A_2, %dma_start3A] : memref<5x128xi32, #tpu.memory_space<vmem>> -> memref<1x128xi32, #tpu.memory_space<vmem>>
      %dma_start3A_53 = tpu.memref_squeeze %dma_start3A_52 : memref<1x128xi32, #tpu.memory_space<vmem>> -> memref<128xi32, #tpu.memory_space<vmem>>
      %dma_start3A_54 = arith.constant 0 : i32
      %dma_start3A_55 = arith.constant 0 : i32
      %dma_start3A_56 = tpu.memref_slice %arg11[%dma_start3A_54, %dma_start3A_55] : memref<10240x128xf32, #tpu.memory_space<vmem_shared>> -> memref<10240x128xf32, #tpu.memory_space<vmem_shared>>
      tpu.enqueue_indirect_dma source(%arg9 : memref<128x128xf32, #tpu.memory_space<vmem>>) target(%dma_start3A_56 : memref<10240x128xf32, #tpu.memory_space<vmem_shared>>) offsets(%dma_start3A_53 : memref<128xi32, #tpu.memory_space<vmem>>) semaphore(%run_scoped3A_51 : memref<!tpu.dma_semaphore, #tpu.memory_space<semaphore_mem>>)
      %dma_wait3A = arith.constant 0 : i32
      %dma_wait3A_57 = tpu.memref_slice %arg8[%run_scoped3A_2, %dma_wait3A] : memref<5x128xi32, #tpu.memory_space<vmem>> -> memref<1x128xi32, #tpu.memory_space<vmem>>
      %dma_wait3A_58 = tpu.memref_squeeze %dma_wait3A_57 : memref<1x128xi32, #tpu.memory_space<vmem>> -> memref<128xi32, #tpu.memory_space<vmem>>
      %dma_wait3A_59 = arith.constant 0 : i32
      %dma_wait3A_60 = arith.constant 0 : i32
      %dma_wait3A_61 = tpu.memref_slice %arg11[%dma_wait3A_59, %dma_wait3A_60] : memref<10240x128xf32, #tpu.memory_space<vmem_shared>> -> memref<10240x128xf32, #tpu.memory_space<vmem_shared>>
      tpu.wait_indirect_dma semaphore(%run_scoped3A_51 : memref<!tpu.dma_semaphore, #tpu.memory_space<semaphore_mem>>) src(%arg9 : memref<128x128xf32, #tpu.memory_space<vmem>>) dst(%dma_wait3A_61 : memref<10240x128xf32, #tpu.memory_space<vmem_shared>>)
      tpu.yield
    }) : () -> ()
    %run_scoped3A_3 = arith.constant 3 : i32
    "tpu.region"() ({
      %run_scoped3A_51 = tpu.sem_alloc : memref<!tpu.dma_semaphore, #tpu.memory_space<semaphore_mem>>
      %dma_start3A = arith.constant 0 : i32
      %dma_start3A_52 = tpu.memref_slice %arg8[%run_scoped3A_3, %dma_start3A] : memref<5x128xi32, #tpu.memory_space<vmem>> -> memref<1x128xi32, #tpu.memory_space<vmem>>
      %dma_start3A_53 = tpu.memref_squeeze %dma_start3A_52 : memref<1x128xi32, #tpu.memory_space<vmem>> -> memref<128xi32, #tpu.memory_space<vmem>>
      %dma_start3A_54 = arith.constant 0 : i32
      %dma_start3A_55 = arith.constant 0 : i32
      %dma_start3A_56 = tpu.memref_slice %arg11[%dma_start3A_54, %dma_start3A_55] : memref<10240x128xf32, #tpu.memory_space<vmem_shared>> -> memref<10240x128xf32, #tpu.memory_space<vmem_shared>>
      tpu.enqueue_indirect_dma source(%arg9 : memref<128x128xf32, #tpu.memory_space<vmem>>) target(%dma_start3A_56 : memref<10240x128xf32, #tpu.memory_space<vmem_shared>>) offsets(%dma_start3A_53 : memref<128xi32, #tpu.memory_space<vmem>>) semaphore(%run_scoped3A_51 : memref<!tpu.dma_semaphore, #tpu.memory_space<semaphore_mem>>)
      %dma_wait3A = arith.constant 0 : i32
      %dma_wait3A_57 = tpu.memref_slice %arg8[%run_scoped3A_3, %dma_wait3A] : memref<5x128xi32, #tpu.memory_space<vmem>> -> memref<1x128xi32, #tpu.memory_space<vmem>>
      %dma_wait3A_58 = tpu.memref_squeeze %dma_wait3A_57 : memref<1x128xi32, #tpu.memory_space<vmem>> -> memref<128xi32, #tpu.memory_space<vmem>>
      %dma_wait3A_59 = arith.constant 0 : i32
      %dma_wait3A_60 = arith.constant 0 : i32
      %dma_wait3A_61 = tpu.memref_slice %arg11[%dma_wait3A_59, %dma_wait3A_60] : memref<10240x128xf32, #tpu.memory_space<vmem_shared>> -> memref<10240x128xf32, #tpu.memory_space<vmem_shared>>
      tpu.wait_indirect_dma semaphore(%run_scoped3A_51 : memref<!tpu.dma_semaphore, #tpu.memory_space<semaphore_mem>>) src(%arg9 : memref<128x128xf32, #tpu.memory_space<vmem>>) dst(%dma_wait3A_61 : memref<10240x128xf32, #tpu.memory_space<vmem_shared>>)
      tpu.yield
    }) : () -> ()
    %run_scoped3A_4 = arith.constant 4 : i32
    "tpu.region"() ({
      %run_scoped3A_51 = tpu.sem_alloc : memref<!tpu.dma_semaphore, #tpu.memory_space<semaphore_mem>>
      %dma_start3A = arith.constant 0 : i32
      %dma_start3A_52 = tpu.memref_slice %arg8[%run_scoped3A_4, %dma_start3A] : memref<5x128xi32, #tpu.memory_space<vmem>> -> memref<1x128xi32, #tpu.memory_space<vmem>>
      %dma_start3A_53 = tpu.memref_squeeze %dma_start3A_52 : memref<1x128xi32, #tpu.memory_space<vmem>> -> memref<128xi32, #tpu.memory_space<vmem>>
      %dma_start3A_54 = arith.constant 0 : i32
      %dma_start3A_55 = arith.constant 0 : i32
      %dma_start3A_56 = tpu.memref_slice %arg11[%dma_start3A_54, %dma_start3A_55] : memref<10240x128xf32, #tpu.memory_space<vmem_shared>> -> memref<10240x128xf32, #tpu.memory_space<vmem_shared>>
      tpu.enqueue_indirect_dma source(%arg9 : memref<128x128xf32, #tpu.memory_space<vmem>>) target(%dma_start3A_56 : memref<10240x128xf32, #tpu.memory_space<vmem_shared>>) offsets(%dma_start3A_53 : memref<128xi32, #tpu.memory_space<vmem>>) semaphore(%run_scoped3A_51 : memref<!tpu.dma_semaphore, #tpu.memory_space<semaphore_mem>>)
      %dma_wait3A = arith.constant 0 : i32
      %dma_wait3A_57 = tpu.memref_slice %arg8[%run_scoped3A_4, %dma_wait3A] : memref<5x128xi32, #tpu.memory_space<vmem>> -> memref<1x128xi32, #tpu.memory_space<vmem>>
      %dma_wait3A_58 = tpu.memref_squeeze %dma_wait3A_57 : memref<1x128xi32, #tpu.memory_space<vmem>> -> memref<128xi32, #tpu.memory_space<vmem>>
      %dma_wait3A_59 = arith.constant 0 : i32
      %dma_wait3A_60 = arith.constant 0 : i32
      %dma_wait3A_61 = tpu.memref_slice %arg11[%dma_wait3A_59, %dma_wait3A_60] : memref<10240x128xf32, #tpu.memory_space<vmem_shared>> -> memref<10240x128xf32, #tpu.memory_space<vmem_shared>>
      tpu.wait_indirect_dma semaphore(%run_scoped3A_51 : memref<!tpu.dma_semaphore, #tpu.memory_space<semaphore_mem>>) src(%arg9 : memref<128x128xf32, #tpu.memory_space<vmem>>) dst(%dma_wait3A_61 : memref<10240x128xf32, #tpu.memory_space<vmem_shared>>)
      tpu.yield
    }) : () -> ()
    %barrier3A = arith.constant 0 : index
    tpu.barrier barrier_id(%barrier3A)
    %scan3A = arith.constant 0 : i32
    %scan3A_5 = arith.constant 0 : i32
    %scan3A_6 = arith.constant 80 : i32
    %scan3A_7 = arith.addi %scan3A_5, %scan3A_6 : i32
    %scan3A_8 = arith.constant 1 : i32
    scf.for %scan3A_51 = %scan3A_5 to %scan3A_7 step %scan3A_8  : i32 {
      "tpu.region"() ({
        %run_scoped3A_52 = tpu.sem_alloc : memref<!tpu.dma_semaphore, #tpu.memory_space<semaphore_mem>>
        %dma_start3A = arith.constant 0 : i32
        %dma_start3A_53 = tpu.memref_slice %arg7[%scan3A_51, %dma_start3A] : memref<80x128xi32, #tpu.memory_space<vmem>> -> memref<1x128xi32, #tpu.memory_space<vmem>>
        %dma_start3A_54 = tpu.memref_squeeze %dma_start3A_53 : memref<1x128xi32, #tpu.memory_space<vmem>> -> memref<128xi32, #tpu.memory_space<vmem>>
        %dma_start3A_55 = arith.constant 0 : i32
        %dma_start3A_56 = arith.constant 0 : i32
        %dma_start3A_57 = tpu.memref_slice %arg11[%dma_start3A_55, %dma_start3A_56] : memref<10240x128xf32, #tpu.memory_space<vmem_shared>> -> memref<10240x128xf32, #tpu.memory_space<vmem_shared>>
        tpu.enqueue_indirect_dma source(%arg10 : memref<128x128xf32, #tpu.memory_space<vmem>>) target(%dma_start3A_57 : memref<10240x128xf32, #tpu.memory_space<vmem_shared>>) offsets(%dma_start3A_54 : memref<128xi32, #tpu.memory_space<vmem>>) semaphore(%run_scoped3A_52 : memref<!tpu.dma_semaphore, #tpu.memory_space<semaphore_mem>>) {add = true}
        %dma_wait3A = arith.constant 0 : i32
        %dma_wait3A_58 = tpu.memref_slice %arg7[%scan3A_51, %dma_wait3A] : memref<80x128xi32, #tpu.memory_space<vmem>> -> memref<1x128xi32, #tpu.memory_space<vmem>>
        %dma_wait3A_59 = tpu.memref_squeeze %dma_wait3A_58 : memref<1x128xi32, #tpu.memory_space<vmem>> -> memref<128xi32, #tpu.memory_space<vmem>>
        %dma_wait3A_60 = arith.constant 0 : i32
        %dma_wait3A_61 = arith.constant 0 : i32
        %dma_wait3A_62 = tpu.memref_slice %arg11[%dma_wait3A_60, %dma_wait3A_61] : memref<10240x128xf32, #tpu.memory_space<vmem_shared>> -> memref<10240x128xf32, #tpu.memory_space<vmem_shared>>
        tpu.wait_indirect_dma semaphore(%run_scoped3A_52 : memref<!tpu.dma_semaphore, #tpu.memory_space<semaphore_mem>>) src(%arg10 : memref<128x128xf32, #tpu.memory_space<vmem>>) dst(%dma_wait3A_62 : memref<10240x128xf32, #tpu.memory_space<vmem_shared>>)
        tpu.yield
      }) : () -> ()
    }
    %scan3A_9 = arith.constant 80 : i32
    %barrier3A_10 = arith.constant 0 : index
    tpu.barrier barrier_id(%barrier3A_10)
    %run_scoped3A_11 = arith.constant 0 : i32
    "tpu.region"() ({
      %run_scoped3A_51 = tpu.sem_alloc : memref<!tpu.dma_semaphore, #tpu.memory_space<semaphore_mem>>
      %dma_start3A = arith.constant 0 : i32
      %dma_start3A_52 = tpu.memref_slice %arg8[%run_scoped3A_11, %dma_start3A] : memref<5x128xi32, #tpu.memory_space<vmem>> -> memref<1x128xi32, #tpu.memory_space<vmem>>
      %dma_start3A_53 = tpu.memref_squeeze %dma_start3A_52 : memref<1x128xi32, #tpu.memory_space<vmem>> -> memref<128xi32, #tpu.memory_space<vmem>>
      %dma_start3A_54 = arith.constant 0 : i32
      %dma_start3A_55 = arith.constant 0 : i32
      %dma_start3A_56 = tpu.memref_slice %arg11[%dma_start3A_54, %dma_start3A_55] : memref<10240x128xf32, #tpu.memory_space<vmem_shared>> -> memref<10240x128xf32, #tpu.memory_space<vmem_shared>>
      tpu.enqueue_indirect_dma source(%dma_start3A_56 : memref<10240x128xf32, #tpu.memory_space<vmem_shared>>) target(%arg9 : memref<128x128xf32, #tpu.memory_space<vmem>>) offsets(%dma_start3A_53 : memref<128xi32, #tpu.memory_space<vmem>>) semaphore(%run_scoped3A_51 : memref<!tpu.dma_semaphore, #tpu.memory_space<semaphore_mem>>)
      %dma_wait3A = arith.constant 0 : i32
      %dma_wait3A_57 = tpu.memref_slice %arg8[%run_scoped3A_11, %dma_wait3A] : memref<5x128xi32, #tpu.memory_space<vmem>> -> memref<1x128xi32, #tpu.memory_space<vmem>>
      %dma_wait3A_58 = tpu.memref_squeeze %dma_wait3A_57 : memref<1x128xi32, #tpu.memory_space<vmem>> -> memref<128xi32, #tpu.memory_space<vmem>>
      %dma_wait3A_59 = arith.constant 0 : i32
      %dma_wait3A_60 = arith.constant 0 : i32
      %dma_wait3A_61 = tpu.memref_slice %arg11[%dma_wait3A_59, %dma_wait3A_60] : memref<10240x128xf32, #tpu.memory_space<vmem_shared>> -> memref<10240x128xf32, #tpu.memory_space<vmem_shared>>
      tpu.wait_indirect_dma semaphore(%run_scoped3A_51 : memref<!tpu.dma_semaphore, #tpu.memory_space<semaphore_mem>>) src(%dma_wait3A_61 : memref<10240x128xf32, #tpu.memory_space<vmem_shared>>) dst(%arg9 : memref<128x128xf32, #tpu.memory_space<vmem>>)
      tpu.yield
    }) : () -> ()
    %mul3A_12 = arith.constant 10240 : i32
    %mul3A_13 = arith.muli %arg0, %mul3A_12 : i32
    %mul3A_14 = arith.constant 640 : i32
    %mul3A_15 = arith.muli %arg1, %mul3A_14 : i32
    %add3A_16 = arith.addi %mul3A_13, %mul3A_15 : i32
    %add3A_17 = arith.constant 0 : i32
    %add3A_18 = arith.addi %add3A_16, %add3A_17 : i32
    "tpu.region"() ({
      %run_scoped3A_51 = tpu.sem_alloc : memref<!tpu.dma_semaphore, #tpu.memory_space<semaphore_mem>>
      %dma_start3A = arith.constant 0 : i32
      %dma_start3A_52 = tpu.memref_slice %arg6[%add3A_18, %dma_start3A] : memref<20480x128xf32, #tpu.memory_space<hbm>> -> memref<128x128xf32, #tpu.memory_space<hbm>>
      %dma_start3A_53 = arith.constant 0 : i32
      %dma_start3A_54 = tpu.memref_slice %arg6[%add3A_18, %dma_start3A_53] : memref<20480x128xf32, #tpu.memory_space<hbm>> -> memref<128x128xf32, #tpu.memory_space<hbm>>
      tpu.enqueue_dma source(%arg9 : memref<128x128xf32, #tpu.memory_space<vmem>>) target(%dma_start3A_54 : memref<128x128xf32, #tpu.memory_space<hbm>>) target_semaphore(%run_scoped3A_51 : memref<!tpu.dma_semaphore, #tpu.memory_space<semaphore_mem>>)
      %dma_wait3A = arith.constant 0 : i32
      %dma_wait3A_55 = tpu.memref_slice %arg6[%add3A_18, %dma_wait3A] : memref<20480x128xf32, #tpu.memory_space<hbm>> -> memref<128x128xf32, #tpu.memory_space<hbm>>
      %dma_wait3A_56 = arith.constant 0 : i32
      %dma_wait3A_57 = tpu.memref_slice %arg6[%add3A_18, %dma_wait3A_56] : memref<20480x128xf32, #tpu.memory_space<hbm>> -> memref<128x128xf32, #tpu.memory_space<hbm>>
      tpu.wait_dma2 semaphore(%run_scoped3A_51 : memref<!tpu.dma_semaphore, #tpu.memory_space<semaphore_mem>>) src(%arg9 : memref<128x128xf32, #tpu.memory_space<vmem>>) dst(%dma_wait3A_57 : memref<128x128xf32, #tpu.memory_space<hbm>>)
      tpu.yield
    }) : () -> ()
    %run_scoped3A_19 = arith.constant 1 : i32
    "tpu.region"() ({
      %run_scoped3A_51 = tpu.sem_alloc : memref<!tpu.dma_semaphore, #tpu.memory_space<semaphore_mem>>
      %dma_start3A = arith.constant 0 : i32
      %dma_start3A_52 = tpu.memref_slice %arg8[%run_scoped3A_19, %dma_start3A] : memref<5x128xi32, #tpu.memory_space<vmem>> -> memref<1x128xi32, #tpu.memory_space<vmem>>
      %dma_start3A_53 = tpu.memref_squeeze %dma_start3A_52 : memref<1x128xi32, #tpu.memory_space<vmem>> -> memref<128xi32, #tpu.memory_space<vmem>>
      %dma_start3A_54 = arith.constant 0 : i32
      %dma_start3A_55 = arith.constant 0 : i32
      %dma_start3A_56 = tpu.memref_slice %arg11[%dma_start3A_54, %dma_start3A_55] : memref<10240x128xf32, #tpu.memory_space<vmem_shared>> -> memref<10240x128xf32, #tpu.memory_space<vmem_shared>>
      tpu.enqueue_indirect_dma source(%dma_start3A_56 : memref<10240x128xf32, #tpu.memory_space<vmem_shared>>) target(%arg9 : memref<128x128xf32, #tpu.memory_space<vmem>>) offsets(%dma_start3A_53 : memref<128xi32, #tpu.memory_space<vmem>>) semaphore(%run_scoped3A_51 : memref<!tpu.dma_semaphore, #tpu.memory_space<semaphore_mem>>)
      %dma_wait3A = arith.constant 0 : i32
      %dma_wait3A_57 = tpu.memref_slice %arg8[%run_scoped3A_19, %dma_wait3A] : memref<5x128xi32, #tpu.memory_space<vmem>> -> memref<1x128xi32, #tpu.memory_space<vmem>>
      %dma_wait3A_58 = tpu.memref_squeeze %dma_wait3A_57 : memref<1x128xi32, #tpu.memory_space<vmem>> -> memref<128xi32, #tpu.memory_space<vmem>>
      %dma_wait3A_59 = arith.constant 0 : i32
      %dma_wait3A_60 = arith.constant 0 : i32
      %dma_wait3A_61 = tpu.memref_slice %arg11[%dma_wait3A_59, %dma_wait3A_60] : memref<10240x128xf32, #tpu.memory_space<vmem_shared>> -> memref<10240x128xf32, #tpu.memory_space<vmem_shared>>
      tpu.wait_indirect_dma semaphore(%run_scoped3A_51 : memref<!tpu.dma_semaphore, #tpu.memory_space<semaphore_mem>>) src(%dma_wait3A_61 : memref<10240x128xf32, #tpu.memory_space<vmem_shared>>) dst(%arg9 : memref<128x128xf32, #tpu.memory_space<vmem>>)
      tpu.yield
    }) : () -> ()
    %mul3A_20 = arith.constant 10240 : i32
    %mul3A_21 = arith.muli %arg0, %mul3A_20 : i32
    %mul3A_22 = arith.constant 640 : i32
    %mul3A_23 = arith.muli %arg1, %mul3A_22 : i32
    %add3A_24 = arith.addi %mul3A_21, %mul3A_23 : i32
    %add3A_25 = arith.constant 128 : i32
    %add3A_26 = arith.addi %add3A_24, %add3A_25 : i32
    "tpu.region"() ({
      %run_scoped3A_51 = tpu.sem_alloc : memref<!tpu.dma_semaphore, #tpu.memory_space<semaphore_mem>>
      %dma_start3A = arith.constant 0 : i32
      %dma_start3A_52 = tpu.memref_slice %arg6[%add3A_26, %dma_start3A] : memref<20480x128xf32, #tpu.memory_space<hbm>> -> memref<128x128xf32, #tpu.memory_space<hbm>>
      %dma_start3A_53 = arith.constant 0 : i32
      %dma_start3A_54 = tpu.memref_slice %arg6[%add3A_26, %dma_start3A_53] : memref<20480x128xf32, #tpu.memory_space<hbm>> -> memref<128x128xf32, #tpu.memory_space<hbm>>
      tpu.enqueue_dma source(%arg9 : memref<128x128xf32, #tpu.memory_space<vmem>>) target(%dma_start3A_54 : memref<128x128xf32, #tpu.memory_space<hbm>>) target_semaphore(%run_scoped3A_51 : memref<!tpu.dma_semaphore, #tpu.memory_space<semaphore_mem>>)
      %dma_wait3A = arith.constant 0 : i32
      %dma_wait3A_55 = tpu.memref_slice %arg6[%add3A_26, %dma_wait3A] : memref<20480x128xf32, #tpu.memory_space<hbm>> -> memref<128x128xf32, #tpu.memory_space<hbm>>
      %dma_wait3A_56 = arith.constant 0 : i32
      %dma_wait3A_57 = tpu.memref_slice %arg6[%add3A_26, %dma_wait3A_56] : memref<20480x128xf32, #tpu.memory_space<hbm>> -> memref<128x128xf32, #tpu.memory_space<hbm>>
      tpu.wait_dma2 semaphore(%run_scoped3A_51 : memref<!tpu.dma_semaphore, #tpu.memory_space<semaphore_mem>>) src(%arg9 : memref<128x128xf32, #tpu.memory_space<vmem>>) dst(%dma_wait3A_57 : memref<128x128xf32, #tpu.memory_space<hbm>>)
      tpu.yield
    }) : () -> ()
    %run_scoped3A_27 = arith.constant 2 : i32
    "tpu.region"() ({
      %run_scoped3A_51 = tpu.sem_alloc : memref<!tpu.dma_semaphore, #tpu.memory_space<semaphore_mem>>
      %dma_start3A = arith.constant 0 : i32
      %dma_start3A_52 = tpu.memref_slice %arg8[%run_scoped3A_27, %dma_start3A] : memref<5x128xi32, #tpu.memory_space<vmem>> -> memref<1x128xi32, #tpu.memory_space<vmem>>
      %dma_start3A_53 = tpu.memref_squeeze %dma_start3A_52 : memref<1x128xi32, #tpu.memory_space<vmem>> -> memref<128xi32, #tpu.memory_space<vmem>>
      %dma_start3A_54 = arith.constant 0 : i32
      %dma_start3A_55 = arith.constant 0 : i32
      %dma_start3A_56 = tpu.memref_slice %arg11[%dma_start3A_54, %dma_start3A_55] : memref<10240x128xf32, #tpu.memory_space<vmem_shared>> -> memref<10240x128xf32, #tpu.memory_space<vmem_shared>>
      tpu.enqueue_indirect_dma source(%dma_start3A_56 : memref<10240x128xf32, #tpu.memory_space<vmem_shared>>) target(%arg9 : memref<128x128xf32, #tpu.memory_space<vmem>>) offsets(%dma_start3A_53 : memref<128xi32, #tpu.memory_space<vmem>>) semaphore(%run_scoped3A_51 : memref<!tpu.dma_semaphore, #tpu.memory_space<semaphore_mem>>)
      %dma_wait3A = arith.constant 0 : i32
      %dma_wait3A_57 = tpu.memref_slice %arg8[%run_scoped3A_27, %dma_wait3A] : memref<5x128xi32, #tpu.memory_space<vmem>> -> memref<1x128xi32, #tpu.memory_space<vmem>>
      %dma_wait3A_58 = tpu.memref_squeeze %dma_wait3A_57 : memref<1x128xi32, #tpu.memory_space<vmem>> -> memref<128xi32, #tpu.memory_space<vmem>>
      %dma_wait3A_59 = arith.constant 0 : i32
      %dma_wait3A_60 = arith.constant 0 : i32
      %dma_wait3A_61 = tpu.memref_slice %arg11[%dma_wait3A_59, %dma_wait3A_60] : memref<10240x128xf32, #tpu.memory_space<vmem_shared>> -> memref<10240x128xf32, #tpu.memory_space<vmem_shared>>
      tpu.wait_indirect_dma semaphore(%run_scoped3A_51 : memref<!tpu.dma_semaphore, #tpu.memory_space<semaphore_mem>>) src(%dma_wait3A_61 : memref<10240x128xf32, #tpu.memory_space<vmem_shared>>) dst(%arg9 : memref<128x128xf32, #tpu.memory_space<vmem>>)
      tpu.yield
    }) : () -> ()
    %mul3A_28 = arith.constant 10240 : i32
    %mul3A_29 = arith.muli %arg0, %mul3A_28 : i32
    %mul3A_30 = arith.constant 640 : i32
    %mul3A_31 = arith.muli %arg1, %mul3A_30 : i32
    %add3A_32 = arith.addi %mul3A_29, %mul3A_31 : i32
    %add3A_33 = arith.constant 256 : i32
    %add3A_34 = arith.addi %add3A_32, %add3A_33 : i32
    "tpu.region"() ({
      %run_scoped3A_51 = tpu.sem_alloc : memref<!tpu.dma_semaphore, #tpu.memory_space<semaphore_mem>>
      %dma_start3A = arith.constant 0 : i32
      %dma_start3A_52 = tpu.memref_slice %arg6[%add3A_34, %dma_start3A] : memref<20480x128xf32, #tpu.memory_space<hbm>> -> memref<128x128xf32, #tpu.memory_space<hbm>>
      %dma_start3A_53 = arith.constant 0 : i32
      %dma_start3A_54 = tpu.memref_slice %arg6[%add3A_34, %dma_start3A_53] : memref<20480x128xf32, #tpu.memory_space<hbm>> -> memref<128x128xf32, #tpu.memory_space<hbm>>
      tpu.enqueue_dma source(%arg9 : memref<128x128xf32, #tpu.memory_space<vmem>>) target(%dma_start3A_54 : memref<128x128xf32, #tpu.memory_space<hbm>>) target_semaphore(%run_scoped3A_51 : memref<!tpu.dma_semaphore, #tpu.memory_space<semaphore_mem>>)
      %dma_wait3A = arith.constant 0 : i32
      %dma_wait3A_55 = tpu.memref_slice %arg6[%add3A_34, %dma_wait3A] : memref<20480x128xf32, #tpu.memory_space<hbm>> -> memref<128x128xf32, #tpu.memory_space<hbm>>
      %dma_wait3A_56 = arith.constant 0 : i32
      %dma_wait3A_57 = tpu.memref_slice %arg6[%add3A_34, %dma_wait3A_56] : memref<20480x128xf32, #tpu.memory_space<hbm>> -> memref<128x128xf32, #tpu.memory_space<hbm>>
      tpu.wait_dma2 semaphore(%run_scoped3A_51 : memref<!tpu.dma_semaphore, #tpu.memory_space<semaphore_mem>>) src(%arg9 : memref<128x128xf32, #tpu.memory_space<vmem>>) dst(%dma_wait3A_57 : memref<128x128xf32, #tpu.memory_space<hbm>>)
      tpu.yield
    }) : () -> ()
    %run_scoped3A_35 = arith.constant 3 : i32
    "tpu.region"() ({
      %run_scoped3A_51 = tpu.sem_alloc : memref<!tpu.dma_semaphore, #tpu.memory_space<semaphore_mem>>
      %dma_start3A = arith.constant 0 : i32
      %dma_start3A_52 = tpu.memref_slice %arg8[%run_scoped3A_35, %dma_start3A] : memref<5x128xi32, #tpu.memory_space<vmem>> -> memref<1x128xi32, #tpu.memory_space<vmem>>
      %dma_start3A_53 = tpu.memref_squeeze %dma_start3A_52 : memref<1x128xi32, #tpu.memory_space<vmem>> -> memref<128xi32, #tpu.memory_space<vmem>>
      %dma_start3A_54 = arith.constant 0 : i32
      %dma_start3A_55 = arith.constant 0 : i32
      %dma_start3A_56 = tpu.memref_slice %arg11[%dma_start3A_54, %dma_start3A_55] : memref<10240x128xf32, #tpu.memory_space<vmem_shared>> -> memref<10240x128xf32, #tpu.memory_space<vmem_shared>>
      tpu.enqueue_indirect_dma source(%dma_start3A_56 : memref<10240x128xf32, #tpu.memory_space<vmem_shared>>) target(%arg9 : memref<128x128xf32, #tpu.memory_space<vmem>>) offsets(%dma_start3A_53 : memref<128xi32, #tpu.memory_space<vmem>>) semaphore(%run_scoped3A_51 : memref<!tpu.dma_semaphore, #tpu.memory_space<semaphore_mem>>)
      %dma_wait3A = arith.constant 0 : i32
      %dma_wait3A_57 = tpu.memref_slice %arg8[%run_scoped3A_35, %dma_wait3A] : memref<5x128xi32, #tpu.memory_space<vmem>> -> memref<1x128xi32, #tpu.memory_space<vmem>>
      %dma_wait3A_58 = tpu.memref_squeeze %dma_wait3A_57 : memref<1x128xi32, #tpu.memory_space<vmem>> -> memref<128xi32, #tpu.memory_space<vmem>>
      %dma_wait3A_59 = arith.constant 0 : i32
      %dma_wait3A_60 = arith.constant 0 : i32
      %dma_wait3A_61 = tpu.memref_slice %arg11[%dma_wait3A_59, %dma_wait3A_60] : memref<10240x128xf32, #tpu.memory_space<vmem_shared>> -> memref<10240x128xf32, #tpu.memory_space<vmem_shared>>
      tpu.wait_indirect_dma semaphore(%run_scoped3A_51 : memref<!tpu.dma_semaphore, #tpu.memory_space<semaphore_mem>>) src(%dma_wait3A_61 : memref<10240x128xf32, #tpu.memory_space<vmem_shared>>) dst(%arg9 : memref<128x128xf32, #tpu.memory_space<vmem>>)
      tpu.yield
    }) : () -> ()
    %mul3A_36 = arith.constant 10240 : i32
    %mul3A_37 = arith.muli %arg0, %mul3A_36 : i32
    %mul3A_38 = arith.constant 640 : i32
    %mul3A_39 = arith.muli %arg1, %mul3A_38 : i32
    %add3A_40 = arith.addi %mul3A_37, %mul3A_39 : i32
    %add3A_41 = arith.constant 384 : i32
    %add3A_42 = arith.addi %add3A_40, %add3A_41 : i32
    "tpu.region"() ({
      %run_scoped3A_51 = tpu.sem_alloc : memref<!tpu.dma_semaphore, #tpu.memory_space<semaphore_mem>>
      %dma_start3A = arith.constant 0 : i32
      %dma_start3A_52 = tpu.memref_slice %arg6[%add3A_42, %dma_start3A] : memref<20480x128xf32, #tpu.memory_space<hbm>> -> memref<128x128xf32, #tpu.memory_space<hbm>>
      %dma_start3A_53 = arith.constant 0 : i32
      %dma_start3A_54 = tpu.memref_slice %arg6[%add3A_42, %dma_start3A_53] : memref<20480x128xf32, #tpu.memory_space<hbm>> -> memref<128x128xf32, #tpu.memory_space<hbm>>
      tpu.enqueue_dma source(%arg9 : memref<128x128xf32, #tpu.memory_space<vmem>>) target(%dma_start3A_54 : memref<128x128xf32, #tpu.memory_space<hbm>>) target_semaphore(%run_scoped3A_51 : memref<!tpu.dma_semaphore, #tpu.memory_space<semaphore_mem>>)
      %dma_wait3A = arith.constant 0 : i32
      %dma_wait3A_55 = tpu.memref_slice %arg6[%add3A_42, %dma_wait3A] : memref<20480x128xf32, #tpu.memory_space<hbm>> -> memref<128x128xf32, #tpu.memory_space<hbm>>
      %dma_wait3A_56 = arith.constant 0 : i32
      %dma_wait3A_57 = tpu.memref_slice %arg6[%add3A_42, %dma_wait3A_56] : memref<20480x128xf32, #tpu.memory_space<hbm>> -> memref<128x128xf32, #tpu.memory_space<hbm>>
      tpu.wait_dma2 semaphore(%run_scoped3A_51 : memref<!tpu.dma_semaphore, #tpu.memory_space<semaphore_mem>>) src(%arg9 : memref<128x128xf32, #tpu.memory_space<vmem>>) dst(%dma_wait3A_57 : memref<128x128xf32, #tpu.memory_space<hbm>>)
      tpu.yield
    }) : () -> ()
    %run_scoped3A_43 = arith.constant 4 : i32
    "tpu.region"() ({
      %run_scoped3A_51 = tpu.sem_alloc : memref<!tpu.dma_semaphore, #tpu.memory_space<semaphore_mem>>
      %dma_start3A = arith.constant 0 : i32
      %dma_start3A_52 = tpu.memref_slice %arg8[%run_scoped3A_43, %dma_start3A] : memref<5x128xi32, #tpu.memory_space<vmem>> -> memref<1x128xi32, #tpu.memory_space<vmem>>
      %dma_start3A_53 = tpu.memref_squeeze %dma_start3A_52 : memref<1x128xi32, #tpu.memory_space<vmem>> -> memref<128xi32, #tpu.memory_space<vmem>>
      %dma_start3A_54 = arith.constant 0 : i32
      %dma_start3A_55 = arith.constant 0 : i32
      %dma_start3A_56 = tpu.memref_slice %arg11[%dma_start3A_54, %dma_start3A_55] : memref<10240x128xf32, #tpu.memory_space<vmem_shared>> -> memref<10240x128xf32, #tpu.memory_space<vmem_shared>>
      tpu.enqueue_indirect_dma source(%dma_start3A_56 : memref<10240x128xf32, #tpu.memory_space<vmem_shared>>) target(%arg9 : memref<128x128xf32, #tpu.memory_space<vmem>>) offsets(%dma_start3A_53 : memref<128xi32, #tpu.memory_space<vmem>>) semaphore(%run_scoped3A_51 : memref<!tpu.dma_semaphore, #tpu.memory_space<semaphore_mem>>)
      %dma_wait3A = arith.constant 0 : i32
      %dma_wait3A_57 = tpu.memref_slice %arg8[%run_scoped3A_43, %dma_wait3A] : memref<5x128xi32, #tpu.memory_space<vmem>> -> memref<1x128xi32, #tpu.memory_space<vmem>>
      %dma_wait3A_58 = tpu.memref_squeeze %dma_wait3A_57 : memref<1x128xi32, #tpu.memory_space<vmem>> -> memref<128xi32, #tpu.memory_space<vmem>>
      %dma_wait3A_59 = arith.constant 0 : i32
      %dma_wait3A_60 = arith.constant 0 : i32
      %dma_wait3A_61 = tpu.memref_slice %arg11[%dma_wait3A_59, %dma_wait3A_60] : memref<10240x128xf32, #tpu.memory_space<vmem_shared>> -> memref<10240x128xf32, #tpu.memory_space<vmem_shared>>
      tpu.wait_indirect_dma semaphore(%run_scoped3A_51 : memref<!tpu.dma_semaphore, #tpu.memory_space<semaphore_mem>>) src(%dma_wait3A_61 : memref<10240x128xf32, #tpu.memory_space<vmem_shared>>) dst(%arg9 : memref<128x128xf32, #tpu.memory_space<vmem>>)
      tpu.yield
    }) : () -> ()
    %mul3A_44 = arith.constant 10240 : i32
    %mul3A_45 = arith.muli %arg0, %mul3A_44 : i32
    %mul3A_46 = arith.constant 640 : i32
    %mul3A_47 = arith.muli %arg1, %mul3A_46 : i32
    %add3A_48 = arith.addi %mul3A_45, %mul3A_47 : i32
    %add3A_49 = arith.constant 512 : i32
    %add3A_50 = arith.addi %add3A_48, %add3A_49 : i32
    "tpu.region"() ({
      %run_scoped3A_51 = tpu.sem_alloc : memref<!tpu.dma_semaphore, #tpu.memory_space<semaphore_mem>>
      %dma_start3A = arith.constant 0 : i32
      %dma_start3A_52 = tpu.memref_slice %arg6[%add3A_50, %dma_start3A] : memref<20480x128xf32, #tpu.memory_space<hbm>> -> memref<128x128xf32, #tpu.memory_space<hbm>>
      %dma_start3A_53 = arith.constant 0 : i32
      %dma_start3A_54 = tpu.memref_slice %arg6[%add3A_50, %dma_start3A_53] : memref<20480x128xf32, #tpu.memory_space<hbm>> -> memref<128x128xf32, #tpu.memory_space<hbm>>
      tpu.enqueue_dma source(%arg9 : memref<128x128xf32, #tpu.memory_space<vmem>>) target(%dma_start3A_54 : memref<128x128xf32, #tpu.memory_space<hbm>>) target_semaphore(%run_scoped3A_51 : memref<!tpu.dma_semaphore, #tpu.memory_space<semaphore_mem>>)
      %dma_wait3A = arith.constant 0 : i32
      %dma_wait3A_55 = tpu.memref_slice %arg6[%add3A_50, %dma_wait3A] : memref<20480x128xf32, #tpu.memory_space<hbm>> -> memref<128x128xf32, #tpu.memory_space<hbm>>
      %dma_wait3A_56 = arith.constant 0 : i32
      %dma_wait3A_57 = tpu.memref_slice %arg6[%add3A_50, %dma_wait3A_56] : memref<20480x128xf32, #tpu.memory_space<hbm>> -> memref<128x128xf32, #tpu.memory_space<hbm>>
      tpu.wait_dma2 semaphore(%run_scoped3A_51 : memref<!tpu.dma_semaphore, #tpu.memory_space<semaphore_mem>>) src(%arg9 : memref<128x128xf32, #tpu.memory_space<vmem>>) dst(%dma_wait3A_57 : memref<128x128xf32, #tpu.memory_space<hbm>>)
      tpu.yield
    }) : () -> ()
    return
  }
}

#map = affine_map<(d0, d1) -> (0, 0)>
#map1 = affine_map<(d0, d1) -> (0, 0, 0)>
module attributes {stable_mosaic.version = 14 : i64} {
  func.func @_agg_body(%arg0: i32, %arg1: i32, %arg2: memref<10000x128xf32, #tpu.memory_space<hbm>>, %arg3: memref<32x80x128xi32, #tpu.memory_space<hbm>>, %arg4: memref<32x80x128xi32, #tpu.memory_space<hbm>>, %arg5: memref<16x5x128xi32, #tpu.memory_space<hbm>>, %arg6: memref<128x128xf32, #tpu.memory_space<hbm>>, %arg7: memref<20480x128xf32, #tpu.memory_space<hbm>>, %arg8: memref<80x128xi32, #tpu.memory_space<vmem>>, %arg9: memref<2x128xi32, #tpu.memory_space<vmem>>, %arg10: memref<5x128xi32, #tpu.memory_space<vmem>>, %arg11: memref<128x128xf32, #tpu.memory_space<vmem>>, %arg12: memref<128x128xf32, #tpu.memory_space<vmem>>, %arg13: memref<10240x128xf32, #tpu.memory_space<vmem_shared>>, %arg14: memref<!tpu.dma_semaphore, #tpu.memory_space<semaphore_mem>>, %arg15: memref<!tpu.dma_semaphore, #tpu.memory_space<semaphore_mem>>, %arg16: memref<!tpu.dma_semaphore, #tpu.memory_space<semaphore_mem>>, %arg17: memref<!tpu.dma_semaphore, #tpu.memory_space<semaphore_mem>>) attributes {dimension_semantics = [#tpu.dimension_semantics<core_parallel>, #tpu.dimension_semantics<subcore_parallel>], iteration_bounds = array<i64: 2, 16>, scalar_prefetch = 0 : i64, scratch_operands = 10 : i64, tpu.core_type = #tpu.core_type<sc_vector_subcore>, window_params = [{transform_indices = #map}, {transform_indices = #map1}, {transform_indices = #map1}, {transform_indices = #map1}, {transform_indices = #map}, {transform_indices = #map}]} {
    %mul3A = arith.constant 16 : i32
    %mul3A_0 = arith.muli %arg0, %mul3A : i32
    %add3A = arith.addi %mul3A_0, %arg1 : i32
    "tpu.region"() ({
      %run_scoped3A_91 = tpu.sem_alloc : memref<!tpu.dma_semaphore, #tpu.memory_space<semaphore_mem>>
      %dma_start3A_92 = arith.constant 0 : i32
      %dma_start3A_93 = arith.constant 0 : i32
      %dma_start3A_94 = tpu.memref_slice %arg3[%add3A, %dma_start3A_92, %dma_start3A_93] : memref<32x80x128xi32, #tpu.memory_space<hbm>> -> memref<1x80x128xi32, #tpu.memory_space<hbm>>
      %dma_start3A_95 = tpu.memref_squeeze %dma_start3A_94 : memref<1x80x128xi32, #tpu.memory_space<hbm>> -> memref<80x128xi32, #tpu.memory_space<hbm>>
      %dma_start3A_96 = arith.constant 0 : i32
      %dma_start3A_97 = arith.constant 0 : i32
      %dma_start3A_98 = tpu.memref_slice %arg3[%add3A, %dma_start3A_96, %dma_start3A_97] : memref<32x80x128xi32, #tpu.memory_space<hbm>> -> memref<1x80x128xi32, #tpu.memory_space<hbm>>
      %dma_start3A_99 = tpu.memref_squeeze %dma_start3A_98 : memref<1x80x128xi32, #tpu.memory_space<hbm>> -> memref<80x128xi32, #tpu.memory_space<hbm>>
      tpu.enqueue_dma source(%dma_start3A_99 : memref<80x128xi32, #tpu.memory_space<hbm>>) target(%arg8 : memref<80x128xi32, #tpu.memory_space<vmem>>) target_semaphore(%run_scoped3A_91 : memref<!tpu.dma_semaphore, #tpu.memory_space<semaphore_mem>>)
      %dma_wait3A_100 = arith.constant 0 : i32
      %dma_wait3A_101 = arith.constant 0 : i32
      %dma_wait3A_102 = tpu.memref_slice %arg3[%add3A, %dma_wait3A_100, %dma_wait3A_101] : memref<32x80x128xi32, #tpu.memory_space<hbm>> -> memref<1x80x128xi32, #tpu.memory_space<hbm>>
      %dma_wait3A_103 = tpu.memref_squeeze %dma_wait3A_102 : memref<1x80x128xi32, #tpu.memory_space<hbm>> -> memref<80x128xi32, #tpu.memory_space<hbm>>
      %dma_wait3A_104 = arith.constant 0 : i32
      %dma_wait3A_105 = arith.constant 0 : i32
      %dma_wait3A_106 = tpu.memref_slice %arg3[%add3A, %dma_wait3A_104, %dma_wait3A_105] : memref<32x80x128xi32, #tpu.memory_space<hbm>> -> memref<1x80x128xi32, #tpu.memory_space<hbm>>
      %dma_wait3A_107 = tpu.memref_squeeze %dma_wait3A_106 : memref<1x80x128xi32, #tpu.memory_space<hbm>> -> memref<80x128xi32, #tpu.memory_space<hbm>>
      tpu.wait_dma2 semaphore(%run_scoped3A_91 : memref<!tpu.dma_semaphore, #tpu.memory_space<semaphore_mem>>) src(%dma_wait3A_107 : memref<80x128xi32, #tpu.memory_space<hbm>>) dst(%arg8 : memref<80x128xi32, #tpu.memory_space<vmem>>)
      tpu.yield
    }) : () -> ()
    "tpu.region"() ({
      %run_scoped3A_91 = tpu.sem_alloc : memref<!tpu.dma_semaphore, #tpu.memory_space<semaphore_mem>>
      %dma_start3A_92 = arith.constant 0 : i32
      %dma_start3A_93 = arith.constant 0 : i32
      %dma_start3A_94 = tpu.memref_slice %arg5[%arg1, %dma_start3A_92, %dma_start3A_93] : memref<16x5x128xi32, #tpu.memory_space<hbm>> -> memref<1x5x128xi32, #tpu.memory_space<hbm>>
      %dma_start3A_95 = tpu.memref_squeeze %dma_start3A_94 : memref<1x5x128xi32, #tpu.memory_space<hbm>> -> memref<5x128xi32, #tpu.memory_space<hbm>>
      %dma_start3A_96 = arith.constant 0 : i32
      %dma_start3A_97 = arith.constant 0 : i32
      %dma_start3A_98 = tpu.memref_slice %arg5[%arg1, %dma_start3A_96, %dma_start3A_97] : memref<16x5x128xi32, #tpu.memory_space<hbm>> -> memref<1x5x128xi32, #tpu.memory_space<hbm>>
      %dma_start3A_99 = tpu.memref_squeeze %dma_start3A_98 : memref<1x5x128xi32, #tpu.memory_space<hbm>> -> memref<5x128xi32, #tpu.memory_space<hbm>>
      tpu.enqueue_dma source(%dma_start3A_99 : memref<5x128xi32, #tpu.memory_space<hbm>>) target(%arg10 : memref<5x128xi32, #tpu.memory_space<vmem>>) target_semaphore(%run_scoped3A_91 : memref<!tpu.dma_semaphore, #tpu.memory_space<semaphore_mem>>)
      %dma_wait3A_100 = arith.constant 0 : i32
      %dma_wait3A_101 = arith.constant 0 : i32
      %dma_wait3A_102 = tpu.memref_slice %arg5[%arg1, %dma_wait3A_100, %dma_wait3A_101] : memref<16x5x128xi32, #tpu.memory_space<hbm>> -> memref<1x5x128xi32, #tpu.memory_space<hbm>>
      %dma_wait3A_103 = tpu.memref_squeeze %dma_wait3A_102 : memref<1x5x128xi32, #tpu.memory_space<hbm>> -> memref<5x128xi32, #tpu.memory_space<hbm>>
      %dma_wait3A_104 = arith.constant 0 : i32
      %dma_wait3A_105 = arith.constant 0 : i32
      %dma_wait3A_106 = tpu.memref_slice %arg5[%arg1, %dma_wait3A_104, %dma_wait3A_105] : memref<16x5x128xi32, #tpu.memory_space<hbm>> -> memref<1x5x128xi32, #tpu.memory_space<hbm>>
      %dma_wait3A_107 = tpu.memref_squeeze %dma_wait3A_106 : memref<1x5x128xi32, #tpu.memory_space<hbm>> -> memref<5x128xi32, #tpu.memory_space<hbm>>
      tpu.wait_dma2 semaphore(%run_scoped3A_91 : memref<!tpu.dma_semaphore, #tpu.memory_space<semaphore_mem>>) src(%dma_wait3A_107 : memref<5x128xi32, #tpu.memory_space<hbm>>) dst(%arg10 : memref<5x128xi32, #tpu.memory_space<vmem>>)
      tpu.yield
    }) : () -> ()
    "tpu.region"() ({
      %run_scoped3A_91 = tpu.sem_alloc : memref<!tpu.dma_semaphore, #tpu.memory_space<semaphore_mem>>
      tpu.enqueue_dma source(%arg6 : memref<128x128xf32, #tpu.memory_space<hbm>>) target(%arg11 : memref<128x128xf32, #tpu.memory_space<vmem>>) target_semaphore(%run_scoped3A_91 : memref<!tpu.dma_semaphore, #tpu.memory_space<semaphore_mem>>)
      tpu.wait_dma2 semaphore(%run_scoped3A_91 : memref<!tpu.dma_semaphore, #tpu.memory_space<semaphore_mem>>) src(%arg6 : memref<128x128xf32, #tpu.memory_space<hbm>>) dst(%arg11 : memref<128x128xf32, #tpu.memory_space<vmem>>)
      tpu.yield
    }) : () -> ()
    %run_scoped3A = arith.constant 0 : i32
    "tpu.region"() ({
      %run_scoped3A_91 = tpu.sem_alloc : memref<!tpu.dma_semaphore, #tpu.memory_space<semaphore_mem>>
      %dma_start3A_92 = arith.constant 0 : i32
      %dma_start3A_93 = tpu.memref_slice %arg10[%run_scoped3A, %dma_start3A_92] : memref<5x128xi32, #tpu.memory_space<vmem>> -> memref<1x128xi32, #tpu.memory_space<vmem>>
      %dma_start3A_94 = tpu.memref_squeeze %dma_start3A_93 : memref<1x128xi32, #tpu.memory_space<vmem>> -> memref<128xi32, #tpu.memory_space<vmem>>
      %dma_start3A_95 = arith.constant 0 : i32
      %dma_start3A_96 = arith.constant 0 : i32
      %dma_start3A_97 = tpu.memref_slice %arg13[%dma_start3A_95, %dma_start3A_96] : memref<10240x128xf32, #tpu.memory_space<vmem_shared>> -> memref<10240x128xf32, #tpu.memory_space<vmem_shared>>
      tpu.enqueue_indirect_dma source(%arg11 : memref<128x128xf32, #tpu.memory_space<vmem>>) target(%dma_start3A_97 : memref<10240x128xf32, #tpu.memory_space<vmem_shared>>) offsets(%dma_start3A_94 : memref<128xi32, #tpu.memory_space<vmem>>) semaphore(%run_scoped3A_91 : memref<!tpu.dma_semaphore, #tpu.memory_space<semaphore_mem>>)
      %dma_wait3A_98 = arith.constant 0 : i32
      %dma_wait3A_99 = tpu.memref_slice %arg10[%run_scoped3A, %dma_wait3A_98] : memref<5x128xi32, #tpu.memory_space<vmem>> -> memref<1x128xi32, #tpu.memory_space<vmem>>
      %dma_wait3A_100 = tpu.memref_squeeze %dma_wait3A_99 : memref<1x128xi32, #tpu.memory_space<vmem>> -> memref<128xi32, #tpu.memory_space<vmem>>
      %dma_wait3A_101 = arith.constant 0 : i32
      %dma_wait3A_102 = arith.constant 0 : i32
      %dma_wait3A_103 = tpu.memref_slice %arg13[%dma_wait3A_101, %dma_wait3A_102] : memref<10240x128xf32, #tpu.memory_space<vmem_shared>> -> memref<10240x128xf32, #tpu.memory_space<vmem_shared>>
      tpu.wait_indirect_dma semaphore(%run_scoped3A_91 : memref<!tpu.dma_semaphore, #tpu.memory_space<semaphore_mem>>) src(%arg11 : memref<128x128xf32, #tpu.memory_space<vmem>>) dst(%dma_wait3A_103 : memref<10240x128xf32, #tpu.memory_space<vmem_shared>>)
      tpu.yield
    }) : () -> ()
    %run_scoped3A_1 = arith.constant 1 : i32
    "tpu.region"() ({
      %run_scoped3A_91 = tpu.sem_alloc : memref<!tpu.dma_semaphore, #tpu.memory_space<semaphore_mem>>
      %dma_start3A_92 = arith.constant 0 : i32
      %dma_start3A_93 = tpu.memref_slice %arg10[%run_scoped3A_1, %dma_start3A_92] : memref<5x128xi32, #tpu.memory_space<vmem>> -> memref<1x128xi32, #tpu.memory_space<vmem>>
      %dma_start3A_94 = tpu.memref_squeeze %dma_start3A_93 : memref<1x128xi32, #tpu.memory_space<vmem>> -> memref<128xi32, #tpu.memory_space<vmem>>
      %dma_start3A_95 = arith.constant 0 : i32
      %dma_start3A_96 = arith.constant 0 : i32
      %dma_start3A_97 = tpu.memref_slice %arg13[%dma_start3A_95, %dma_start3A_96] : memref<10240x128xf32, #tpu.memory_space<vmem_shared>> -> memref<10240x128xf32, #tpu.memory_space<vmem_shared>>
      tpu.enqueue_indirect_dma source(%arg11 : memref<128x128xf32, #tpu.memory_space<vmem>>) target(%dma_start3A_97 : memref<10240x128xf32, #tpu.memory_space<vmem_shared>>) offsets(%dma_start3A_94 : memref<128xi32, #tpu.memory_space<vmem>>) semaphore(%run_scoped3A_91 : memref<!tpu.dma_semaphore, #tpu.memory_space<semaphore_mem>>)
      %dma_wait3A_98 = arith.constant 0 : i32
      %dma_wait3A_99 = tpu.memref_slice %arg10[%run_scoped3A_1, %dma_wait3A_98] : memref<5x128xi32, #tpu.memory_space<vmem>> -> memref<1x128xi32, #tpu.memory_space<vmem>>
      %dma_wait3A_100 = tpu.memref_squeeze %dma_wait3A_99 : memref<1x128xi32, #tpu.memory_space<vmem>> -> memref<128xi32, #tpu.memory_space<vmem>>
      %dma_wait3A_101 = arith.constant 0 : i32
      %dma_wait3A_102 = arith.constant 0 : i32
      %dma_wait3A_103 = tpu.memref_slice %arg13[%dma_wait3A_101, %dma_wait3A_102] : memref<10240x128xf32, #tpu.memory_space<vmem_shared>> -> memref<10240x128xf32, #tpu.memory_space<vmem_shared>>
      tpu.wait_indirect_dma semaphore(%run_scoped3A_91 : memref<!tpu.dma_semaphore, #tpu.memory_space<semaphore_mem>>) src(%arg11 : memref<128x128xf32, #tpu.memory_space<vmem>>) dst(%dma_wait3A_103 : memref<10240x128xf32, #tpu.memory_space<vmem_shared>>)
      tpu.yield
    }) : () -> ()
    %run_scoped3A_2 = arith.constant 2 : i32
    "tpu.region"() ({
      %run_scoped3A_91 = tpu.sem_alloc : memref<!tpu.dma_semaphore, #tpu.memory_space<semaphore_mem>>
      %dma_start3A_92 = arith.constant 0 : i32
      %dma_start3A_93 = tpu.memref_slice %arg10[%run_scoped3A_2, %dma_start3A_92] : memref<5x128xi32, #tpu.memory_space<vmem>> -> memref<1x128xi32, #tpu.memory_space<vmem>>
      %dma_start3A_94 = tpu.memref_squeeze %dma_start3A_93 : memref<1x128xi32, #tpu.memory_space<vmem>> -> memref<128xi32, #tpu.memory_space<vmem>>
      %dma_start3A_95 = arith.constant 0 : i32
      %dma_start3A_96 = arith.constant 0 : i32
      %dma_start3A_97 = tpu.memref_slice %arg13[%dma_start3A_95, %dma_start3A_96] : memref<10240x128xf32, #tpu.memory_space<vmem_shared>> -> memref<10240x128xf32, #tpu.memory_space<vmem_shared>>
      tpu.enqueue_indirect_dma source(%arg11 : memref<128x128xf32, #tpu.memory_space<vmem>>) target(%dma_start3A_97 : memref<10240x128xf32, #tpu.memory_space<vmem_shared>>) offsets(%dma_start3A_94 : memref<128xi32, #tpu.memory_space<vmem>>) semaphore(%run_scoped3A_91 : memref<!tpu.dma_semaphore, #tpu.memory_space<semaphore_mem>>)
      %dma_wait3A_98 = arith.constant 0 : i32
      %dma_wait3A_99 = tpu.memref_slice %arg10[%run_scoped3A_2, %dma_wait3A_98] : memref<5x128xi32, #tpu.memory_space<vmem>> -> memref<1x128xi32, #tpu.memory_space<vmem>>
      %dma_wait3A_100 = tpu.memref_squeeze %dma_wait3A_99 : memref<1x128xi32, #tpu.memory_space<vmem>> -> memref<128xi32, #tpu.memory_space<vmem>>
      %dma_wait3A_101 = arith.constant 0 : i32
      %dma_wait3A_102 = arith.constant 0 : i32
      %dma_wait3A_103 = tpu.memref_slice %arg13[%dma_wait3A_101, %dma_wait3A_102] : memref<10240x128xf32, #tpu.memory_space<vmem_shared>> -> memref<10240x128xf32, #tpu.memory_space<vmem_shared>>
      tpu.wait_indirect_dma semaphore(%run_scoped3A_91 : memref<!tpu.dma_semaphore, #tpu.memory_space<semaphore_mem>>) src(%arg11 : memref<128x128xf32, #tpu.memory_space<vmem>>) dst(%dma_wait3A_103 : memref<10240x128xf32, #tpu.memory_space<vmem_shared>>)
      tpu.yield
    }) : () -> ()
    %run_scoped3A_3 = arith.constant 3 : i32
    "tpu.region"() ({
      %run_scoped3A_91 = tpu.sem_alloc : memref<!tpu.dma_semaphore, #tpu.memory_space<semaphore_mem>>
      %dma_start3A_92 = arith.constant 0 : i32
      %dma_start3A_93 = tpu.memref_slice %arg10[%run_scoped3A_3, %dma_start3A_92] : memref<5x128xi32, #tpu.memory_space<vmem>> -> memref<1x128xi32, #tpu.memory_space<vmem>>
      %dma_start3A_94 = tpu.memref_squeeze %dma_start3A_93 : memref<1x128xi32, #tpu.memory_space<vmem>> -> memref<128xi32, #tpu.memory_space<vmem>>
      %dma_start3A_95 = arith.constant 0 : i32
      %dma_start3A_96 = arith.constant 0 : i32
      %dma_start3A_97 = tpu.memref_slice %arg13[%dma_start3A_95, %dma_start3A_96] : memref<10240x128xf32, #tpu.memory_space<vmem_shared>> -> memref<10240x128xf32, #tpu.memory_space<vmem_shared>>
      tpu.enqueue_indirect_dma source(%arg11 : memref<128x128xf32, #tpu.memory_space<vmem>>) target(%dma_start3A_97 : memref<10240x128xf32, #tpu.memory_space<vmem_shared>>) offsets(%dma_start3A_94 : memref<128xi32, #tpu.memory_space<vmem>>) semaphore(%run_scoped3A_91 : memref<!tpu.dma_semaphore, #tpu.memory_space<semaphore_mem>>)
      %dma_wait3A_98 = arith.constant 0 : i32
      %dma_wait3A_99 = tpu.memref_slice %arg10[%run_scoped3A_3, %dma_wait3A_98] : memref<5x128xi32, #tpu.memory_space<vmem>> -> memref<1x128xi32, #tpu.memory_space<vmem>>
      %dma_wait3A_100 = tpu.memref_squeeze %dma_wait3A_99 : memref<1x128xi32, #tpu.memory_space<vmem>> -> memref<128xi32, #tpu.memory_space<vmem>>
      %dma_wait3A_101 = arith.constant 0 : i32
      %dma_wait3A_102 = arith.constant 0 : i32
      %dma_wait3A_103 = tpu.memref_slice %arg13[%dma_wait3A_101, %dma_wait3A_102] : memref<10240x128xf32, #tpu.memory_space<vmem_shared>> -> memref<10240x128xf32, #tpu.memory_space<vmem_shared>>
      tpu.wait_indirect_dma semaphore(%run_scoped3A_91 : memref<!tpu.dma_semaphore, #tpu.memory_space<semaphore_mem>>) src(%arg11 : memref<128x128xf32, #tpu.memory_space<vmem>>) dst(%dma_wait3A_103 : memref<10240x128xf32, #tpu.memory_space<vmem_shared>>)
      tpu.yield
    }) : () -> ()
    %run_scoped3A_4 = arith.constant 4 : i32
    "tpu.region"() ({
      %run_scoped3A_91 = tpu.sem_alloc : memref<!tpu.dma_semaphore, #tpu.memory_space<semaphore_mem>>
      %dma_start3A_92 = arith.constant 0 : i32
      %dma_start3A_93 = tpu.memref_slice %arg10[%run_scoped3A_4, %dma_start3A_92] : memref<5x128xi32, #tpu.memory_space<vmem>> -> memref<1x128xi32, #tpu.memory_space<vmem>>
      %dma_start3A_94 = tpu.memref_squeeze %dma_start3A_93 : memref<1x128xi32, #tpu.memory_space<vmem>> -> memref<128xi32, #tpu.memory_space<vmem>>
      %dma_start3A_95 = arith.constant 0 : i32
      %dma_start3A_96 = arith.constant 0 : i32
      %dma_start3A_97 = tpu.memref_slice %arg13[%dma_start3A_95, %dma_start3A_96] : memref<10240x128xf32, #tpu.memory_space<vmem_shared>> -> memref<10240x128xf32, #tpu.memory_space<vmem_shared>>
      tpu.enqueue_indirect_dma source(%arg11 : memref<128x128xf32, #tpu.memory_space<vmem>>) target(%dma_start3A_97 : memref<10240x128xf32, #tpu.memory_space<vmem_shared>>) offsets(%dma_start3A_94 : memref<128xi32, #tpu.memory_space<vmem>>) semaphore(%run_scoped3A_91 : memref<!tpu.dma_semaphore, #tpu.memory_space<semaphore_mem>>)
      %dma_wait3A_98 = arith.constant 0 : i32
      %dma_wait3A_99 = tpu.memref_slice %arg10[%run_scoped3A_4, %dma_wait3A_98] : memref<5x128xi32, #tpu.memory_space<vmem>> -> memref<1x128xi32, #tpu.memory_space<vmem>>
      %dma_wait3A_100 = tpu.memref_squeeze %dma_wait3A_99 : memref<1x128xi32, #tpu.memory_space<vmem>> -> memref<128xi32, #tpu.memory_space<vmem>>
      %dma_wait3A_101 = arith.constant 0 : i32
      %dma_wait3A_102 = arith.constant 0 : i32
      %dma_wait3A_103 = tpu.memref_slice %arg13[%dma_wait3A_101, %dma_wait3A_102] : memref<10240x128xf32, #tpu.memory_space<vmem_shared>> -> memref<10240x128xf32, #tpu.memory_space<vmem_shared>>
      tpu.wait_indirect_dma semaphore(%run_scoped3A_91 : memref<!tpu.dma_semaphore, #tpu.memory_space<semaphore_mem>>) src(%arg11 : memref<128x128xf32, #tpu.memory_space<vmem>>) dst(%dma_wait3A_103 : memref<10240x128xf32, #tpu.memory_space<vmem_shared>>)
      tpu.yield
    }) : () -> ()
    %barrier3A = arith.constant 0 : index
    tpu.barrier barrier_id(%barrier3A)
    %dma_start3A = arith.constant 0 : i32
    %dma_start3A_5 = arith.constant 0 : i32
    %dma_start3A_6 = tpu.memref_slice %arg8[%dma_start3A, %dma_start3A_5] : memref<80x128xi32, #tpu.memory_space<vmem>> -> memref<1x128xi32, #tpu.memory_space<vmem>>
    %dma_start3A_7 = tpu.memref_squeeze %dma_start3A_6 : memref<1x128xi32, #tpu.memory_space<vmem>> -> memref<128xi32, #tpu.memory_space<vmem>>
    %dma_start3A_8 = arith.constant 0 : i32
    %dma_start3A_9 = arith.constant 0 : i32
    %dma_start3A_10 = tpu.memref_slice %arg2[%dma_start3A_8, %dma_start3A_9] : memref<10000x128xf32, #tpu.memory_space<hbm>> -> memref<10000x128xf32, #tpu.memory_space<hbm>>
    tpu.enqueue_indirect_dma source(%dma_start3A_10 : memref<10000x128xf32, #tpu.memory_space<hbm>>) target(%arg11 : memref<128x128xf32, #tpu.memory_space<vmem>>) offsets(%dma_start3A_7 : memref<128xi32, #tpu.memory_space<vmem>>) semaphore(%arg14 : memref<!tpu.dma_semaphore, #tpu.memory_space<semaphore_mem>>)
    %dma_start3A_11 = arith.constant 0 : i32
    %dma_start3A_12 = arith.constant 0 : i32
    %dma_start3A_13 = arith.constant 0 : i32
    %dma_start3A_14 = tpu.memref_slice %arg9[%dma_start3A_12, %dma_start3A_13] : memref<2x128xi32, #tpu.memory_space<vmem>> -> memref<1x128xi32, #tpu.memory_space<vmem>>
    %dma_start3A_15 = tpu.memref_squeeze %dma_start3A_14 : memref<1x128xi32, #tpu.memory_space<vmem>> -> memref<128xi32, #tpu.memory_space<vmem>>
    %dma_start3A_16 = arith.constant 0 : i32
    %dma_start3A_17 = tpu.memref_slice %arg4[%add3A, %dma_start3A_11, %dma_start3A_16] : memref<32x80x128xi32, #tpu.memory_space<hbm>> -> memref<1x1x128xi32, #tpu.memory_space<hbm>>
    %dma_start3A_18 = tpu.memref_squeeze %dma_start3A_17 : memref<1x1x128xi32, #tpu.memory_space<hbm>> -> memref<128xi32, #tpu.memory_space<hbm>>
    %dma_start3A_19 = arith.constant 0 : i32
    %dma_start3A_20 = tpu.memref_slice %arg9[%dma_start3A_12, %dma_start3A_19] : memref<2x128xi32, #tpu.memory_space<vmem>> -> memref<1x128xi32, #tpu.memory_space<vmem>>
    %dma_start3A_21 = tpu.memref_squeeze %dma_start3A_20 : memref<1x128xi32, #tpu.memory_space<vmem>> -> memref<128xi32, #tpu.memory_space<vmem>>
    %dma_start3A_22 = arith.constant 0 : i32
    %dma_start3A_23 = tpu.memref_slice %arg4[%add3A, %dma_start3A_11, %dma_start3A_22] : memref<32x80x128xi32, #tpu.memory_space<hbm>> -> memref<1x1x128xi32, #tpu.memory_space<hbm>>
    %dma_start3A_24 = tpu.memref_squeeze %dma_start3A_23 : memref<1x1x128xi32, #tpu.memory_space<hbm>> -> memref<128xi32, #tpu.memory_space<hbm>>
    tpu.enqueue_dma source(%dma_start3A_24 : memref<128xi32, #tpu.memory_space<hbm>>) target(%dma_start3A_21 : memref<128xi32, #tpu.memory_space<vmem>>) target_semaphore(%arg16 : memref<!tpu.dma_semaphore, #tpu.memory_space<semaphore_mem>>)
    %scan3A = arith.constant 0 : i32
    %scan3A_25 = arith.constant 0 : i32
    %scan3A_26 = arith.constant 40 : i32
    %scan3A_27 = arith.addi %scan3A_25, %scan3A_26 : i32
    %scan3A_28 = arith.constant 1 : i32
    scf.for %scan3A_91 = %scan3A_25 to %scan3A_27 step %scan3A_28  : i32 {
      %mul3A_92 = arith.constant 2 : i32
      %mul3A_93 = arith.muli %mul3A_92, %scan3A_91 : i32
      %add3A_94 = arith.constant 1 : i32
      %add3A_95 = arith.addi %mul3A_93, %add3A_94 : i32
      %dma_start3A_96 = arith.constant 0 : i32
      %dma_start3A_97 = tpu.memref_slice %arg8[%add3A_95, %dma_start3A_96] : memref<80x128xi32, #tpu.memory_space<vmem>> -> memref<1x128xi32, #tpu.memory_space<vmem>>
      %dma_start3A_98 = tpu.memref_squeeze %dma_start3A_97 : memref<1x128xi32, #tpu.memory_space<vmem>> -> memref<128xi32, #tpu.memory_space<vmem>>
      %dma_start3A_99 = arith.constant 0 : i32
      %dma_start3A_100 = arith.constant 0 : i32
      %dma_start3A_101 = tpu.memref_slice %arg2[%dma_start3A_99, %dma_start3A_100] : memref<10000x128xf32, #tpu.memory_space<hbm>> -> memref<10000x128xf32, #tpu.memory_space<hbm>>
      tpu.enqueue_indirect_dma source(%dma_start3A_101 : memref<10000x128xf32, #tpu.memory_space<hbm>>) target(%arg12 : memref<128x128xf32, #tpu.memory_space<vmem>>) offsets(%dma_start3A_98 : memref<128xi32, #tpu.memory_space<vmem>>) semaphore(%arg15 : memref<!tpu.dma_semaphore, #tpu.memory_space<semaphore_mem>>)
      %add3A_102 = arith.constant 1 : i32
      %add3A_103 = arith.addi %mul3A_93, %add3A_102 : i32
      %dma_start3A_104 = arith.constant 1 : i32
      %dma_start3A_105 = arith.constant 0 : i32
      %dma_start3A_106 = tpu.memref_slice %arg9[%dma_start3A_104, %dma_start3A_105] : memref<2x128xi32, #tpu.memory_space<vmem>> -> memref<1x128xi32, #tpu.memory_space<vmem>>
      %dma_start3A_107 = tpu.memref_squeeze %dma_start3A_106 : memref<1x128xi32, #tpu.memory_space<vmem>> -> memref<128xi32, #tpu.memory_space<vmem>>
      %dma_start3A_108 = arith.constant 0 : i32
      %dma_start3A_109 = tpu.memref_slice %arg4[%add3A, %add3A_103, %dma_start3A_108] : memref<32x80x128xi32, #tpu.memory_space<hbm>> -> memref<1x1x128xi32, #tpu.memory_space<hbm>>
      %dma_start3A_110 = tpu.memref_squeeze %dma_start3A_109 : memref<1x1x128xi32, #tpu.memory_space<hbm>> -> memref<128xi32, #tpu.memory_space<hbm>>
      %dma_start3A_111 = arith.constant 0 : i32
      %dma_start3A_112 = tpu.memref_slice %arg9[%dma_start3A_104, %dma_start3A_111] : memref<2x128xi32, #tpu.memory_space<vmem>> -> memref<1x128xi32, #tpu.memory_space<vmem>>
      %dma_start3A_113 = tpu.memref_squeeze %dma_start3A_112 : memref<1x128xi32, #tpu.memory_space<vmem>> -> memref<128xi32, #tpu.memory_space<vmem>>
      %dma_start3A_114 = arith.constant 0 : i32
      %dma_start3A_115 = tpu.memref_slice %arg4[%add3A, %add3A_103, %dma_start3A_114] : memref<32x80x128xi32, #tpu.memory_space<hbm>> -> memref<1x1x128xi32, #tpu.memory_space<hbm>>
      %dma_start3A_116 = tpu.memref_squeeze %dma_start3A_115 : memref<1x1x128xi32, #tpu.memory_space<hbm>> -> memref<128xi32, #tpu.memory_space<hbm>>
      tpu.enqueue_dma source(%dma_start3A_116 : memref<128xi32, #tpu.memory_space<hbm>>) target(%dma_start3A_113 : memref<128xi32, #tpu.memory_space<vmem>>) target_semaphore(%arg17 : memref<!tpu.dma_semaphore, #tpu.memory_space<semaphore_mem>>)
      %dma_wait3A_117 = arith.constant 0 : i32
      %dma_wait3A_118 = arith.constant 0 : i32
      %dma_wait3A_119 = tpu.memref_slice %arg8[%dma_wait3A_117, %dma_wait3A_118] : memref<80x128xi32, #tpu.memory_space<vmem>> -> memref<1x128xi32, #tpu.memory_space<vmem>>
      %dma_wait3A_120 = tpu.memref_squeeze %dma_wait3A_119 : memref<1x128xi32, #tpu.memory_space<vmem>> -> memref<128xi32, #tpu.memory_space<vmem>>
      %dma_wait3A_121 = arith.constant 0 : i32
      %dma_wait3A_122 = arith.constant 0 : i32
      %dma_wait3A_123 = tpu.memref_slice %arg2[%dma_wait3A_121, %dma_wait3A_122] : memref<10000x128xf32, #tpu.memory_space<hbm>> -> memref<10000x128xf32, #tpu.memory_space<hbm>>
      tpu.wait_indirect_dma semaphore(%arg14 : memref<!tpu.dma_semaphore, #tpu.memory_space<semaphore_mem>>) src(%dma_wait3A_123 : memref<10000x128xf32, #tpu.memory_space<hbm>>) dst(%arg11 : memref<128x128xf32, #tpu.memory_space<vmem>>)
      %dma_wait3A_124 = arith.constant 0 : i32
      %dma_wait3A_125 = arith.constant 0 : i32
      %dma_wait3A_126 = arith.constant 0 : i32
      %dma_wait3A_127 = tpu.memref_slice %arg9[%dma_wait3A_125, %dma_wait3A_126] : memref<2x128xi32, #tpu.memory_space<vmem>> -> memref<1x128xi32, #tpu.memory_space<vmem>>
      %dma_wait3A_128 = tpu.memref_squeeze %dma_wait3A_127 : memref<1x128xi32, #tpu.memory_space<vmem>> -> memref<128xi32, #tpu.memory_space<vmem>>
      %dma_wait3A_129 = arith.constant 0 : i32
      %dma_wait3A_130 = tpu.memref_slice %arg4[%add3A, %dma_wait3A_124, %dma_wait3A_129] : memref<32x80x128xi32, #tpu.memory_space<hbm>> -> memref<1x1x128xi32, #tpu.memory_space<hbm>>
      %dma_wait3A_131 = tpu.memref_squeeze %dma_wait3A_130 : memref<1x1x128xi32, #tpu.memory_space<hbm>> -> memref<128xi32, #tpu.memory_space<hbm>>
      %dma_wait3A_132 = arith.constant 0 : i32
      %dma_wait3A_133 = tpu.memref_slice %arg9[%dma_wait3A_125, %dma_wait3A_132] : memref<2x128xi32, #tpu.memory_space<vmem>> -> memref<1x128xi32, #tpu.memory_space<vmem>>
      %dma_wait3A_134 = tpu.memref_squeeze %dma_wait3A_133 : memref<1x128xi32, #tpu.memory_space<vmem>> -> memref<128xi32, #tpu.memory_space<vmem>>
      %dma_wait3A_135 = arith.constant 0 : i32
      %dma_wait3A_136 = tpu.memref_slice %arg4[%add3A, %dma_wait3A_124, %dma_wait3A_135] : memref<32x80x128xi32, #tpu.memory_space<hbm>> -> memref<1x1x128xi32, #tpu.memory_space<hbm>>
      %dma_wait3A_137 = tpu.memref_squeeze %dma_wait3A_136 : memref<1x1x128xi32, #tpu.memory_space<hbm>> -> memref<128xi32, #tpu.memory_space<hbm>>
      tpu.wait_dma2 semaphore(%arg16 : memref<!tpu.dma_semaphore, #tpu.memory_space<semaphore_mem>>) src(%dma_wait3A_137 : memref<128xi32, #tpu.memory_space<hbm>>) dst(%dma_wait3A_134 : memref<128xi32, #tpu.memory_space<vmem>>)
      %run_scoped3A_138 = arith.constant 0 : i32
      "tpu.region"() ({
        %run_scoped3A_191 = tpu.sem_alloc : memref<!tpu.dma_semaphore, #tpu.memory_space<semaphore_mem>>
        %dma_start3A_192 = arith.constant 0 : i32
        %dma_start3A_193 = tpu.memref_slice %arg9[%run_scoped3A_138, %dma_start3A_192] : memref<2x128xi32, #tpu.memory_space<vmem>> -> memref<1x128xi32, #tpu.memory_space<vmem>>
        %dma_start3A_194 = tpu.memref_squeeze %dma_start3A_193 : memref<1x128xi32, #tpu.memory_space<vmem>> -> memref<128xi32, #tpu.memory_space<vmem>>
        %dma_start3A_195 = arith.constant 0 : i32
        %dma_start3A_196 = arith.constant 0 : i32
        %dma_start3A_197 = tpu.memref_slice %arg13[%dma_start3A_195, %dma_start3A_196] : memref<10240x128xf32, #tpu.memory_space<vmem_shared>> -> memref<10240x128xf32, #tpu.memory_space<vmem_shared>>
        tpu.enqueue_indirect_dma source(%arg11 : memref<128x128xf32, #tpu.memory_space<vmem>>) target(%dma_start3A_197 : memref<10240x128xf32, #tpu.memory_space<vmem_shared>>) offsets(%dma_start3A_194 : memref<128xi32, #tpu.memory_space<vmem>>) semaphore(%run_scoped3A_191 : memref<!tpu.dma_semaphore, #tpu.memory_space<semaphore_mem>>) {add = true}
        %dma_wait3A_198 = arith.constant 0 : i32
        %dma_wait3A_199 = tpu.memref_slice %arg9[%run_scoped3A_138, %dma_wait3A_198] : memref<2x128xi32, #tpu.memory_space<vmem>> -> memref<1x128xi32, #tpu.memory_space<vmem>>
        %dma_wait3A_200 = tpu.memref_squeeze %dma_wait3A_199 : memref<1x128xi32, #tpu.memory_space<vmem>> -> memref<128xi32, #tpu.memory_space<vmem>>
        %dma_wait3A_201 = arith.constant 0 : i32
        %dma_wait3A_202 = arith.constant 0 : i32
        %dma_wait3A_203 = tpu.memref_slice %arg13[%dma_wait3A_201, %dma_wait3A_202] : memref<10240x128xf32, #tpu.memory_space<vmem_shared>> -> memref<10240x128xf32, #tpu.memory_space<vmem_shared>>
        tpu.wait_indirect_dma semaphore(%run_scoped3A_191 : memref<!tpu.dma_semaphore, #tpu.memory_space<semaphore_mem>>) src(%arg11 : memref<128x128xf32, #tpu.memory_space<vmem>>) dst(%dma_wait3A_203 : memref<10240x128xf32, #tpu.memory_space<vmem_shared>>)
        tpu.yield
      }) : () -> ()
      %add3A_139 = arith.constant 2 : i32
      %add3A_140 = arith.addi %mul3A_93, %add3A_139 : i32
      %jit3A = arith.constant 80 : i32
      %eq3A = arith.constant 0 : i32
      %eq3A_141 = arith.cmpi eq, %jit3A, %eq3A : i32
      %jit3A_142 = arith.constant 1 : i32
      %select_n3A = arith.select %eq3A_141, %jit3A_142, %jit3A : i32
      %rem3A = arith.remsi %add3A_140, %select_n3A : i32
      %ne3A = arith.constant 0 : i32
      %ne3A_143 = arith.cmpi ne, %rem3A, %ne3A : i32
      %lt3A = arith.constant 0 : i32
      %lt3A_144 = arith.cmpi slt, %rem3A, %lt3A : i32
      %lt3A_145 = arith.constant 0 : i32
      %lt3A_146 = arith.cmpi slt, %select_n3A, %lt3A_145 : i32
      %ne3A_147 = arith.xori %lt3A_144, %lt3A_146 : i1
      %and3A = arith.andi %ne3A_147, %ne3A_143 : i1
      %add3A_148 = arith.addi %rem3A, %select_n3A : i32
      %select_n3A_149 = arith.select %and3A, %add3A_148, %rem3A : i32
      %dma_start3A_150 = arith.constant 0 : i32
      %dma_start3A_151 = tpu.memref_slice %arg8[%select_n3A_149, %dma_start3A_150] : memref<80x128xi32, #tpu.memory_space<vmem>> -> memref<1x128xi32, #tpu.memory_space<vmem>>
      %dma_start3A_152 = tpu.memref_squeeze %dma_start3A_151 : memref<1x128xi32, #tpu.memory_space<vmem>> -> memref<128xi32, #tpu.memory_space<vmem>>
      %dma_start3A_153 = arith.constant 0 : i32
      %dma_start3A_154 = arith.constant 0 : i32
      %dma_start3A_155 = tpu.memref_slice %arg2[%dma_start3A_153, %dma_start3A_154] : memref<10000x128xf32, #tpu.memory_space<hbm>> -> memref<10000x128xf32, #tpu.memory_space<hbm>>
      tpu.enqueue_indirect_dma source(%dma_start3A_155 : memref<10000x128xf32, #tpu.memory_space<hbm>>) target(%arg11 : memref<128x128xf32, #tpu.memory_space<vmem>>) offsets(%dma_start3A_152 : memref<128xi32, #tpu.memory_space<vmem>>) semaphore(%arg14 : memref<!tpu.dma_semaphore, #tpu.memory_space<semaphore_mem>>)
      %dma_start3A_156 = arith.constant 0 : i32
      %dma_start3A_157 = arith.constant 0 : i32
      %dma_start3A_158 = tpu.memref_slice %arg9[%dma_start3A_156, %dma_start3A_157] : memref<2x128xi32, #tpu.memory_space<vmem>> -> memref<1x128xi32, #tpu.memory_space<vmem>>
      %dma_start3A_159 = tpu.memref_squeeze %dma_start3A_158 : memref<1x128xi32, #tpu.memory_space<vmem>> -> memref<128xi32, #tpu.memory_space<vmem>>
      %dma_start3A_160 = arith.constant 0 : i32
      %dma_start3A_161 = tpu.memref_slice %arg4[%add3A, %select_n3A_149, %dma_start3A_160] : memref<32x80x128xi32, #tpu.memory_space<hbm>> -> memref<1x1x128xi32, #tpu.memory_space<hbm>>
      %dma_start3A_162 = tpu.memref_squeeze %dma_start3A_161 : memref<1x1x128xi32, #tpu.memory_space<hbm>> -> memref<128xi32, #tpu.memory_space<hbm>>
      %dma_start3A_163 = arith.constant 0 : i32
      %dma_start3A_164 = tpu.memref_slice %arg9[%dma_start3A_156, %dma_start3A_163] : memref<2x128xi32, #tpu.memory_space<vmem>> -> memref<1x128xi32, #tpu.memory_space<vmem>>
      %dma_start3A_165 = tpu.memref_squeeze %dma_start3A_164 : memref<1x128xi32, #tpu.memory_space<vmem>> -> memref<128xi32, #tpu.memory_space<vmem>>
      %dma_start3A_166 = arith.constant 0 : i32
      %dma_start3A_167 = tpu.memref_slice %arg4[%add3A, %select_n3A_149, %dma_start3A_166] : memref<32x80x128xi32, #tpu.memory_space<hbm>> -> memref<1x1x128xi32, #tpu.memory_space<hbm>>
      %dma_start3A_168 = tpu.memref_squeeze %dma_start3A_167 : memref<1x1x128xi32, #tpu.memory_space<hbm>> -> memref<128xi32, #tpu.memory_space<hbm>>
      tpu.enqueue_dma source(%dma_start3A_168 : memref<128xi32, #tpu.memory_space<hbm>>) target(%dma_start3A_165 : memref<128xi32, #tpu.memory_space<vmem>>) target_semaphore(%arg16 : memref<!tpu.dma_semaphore, #tpu.memory_space<semaphore_mem>>)
      %dma_wait3A_169 = arith.constant 0 : i32
      %dma_wait3A_170 = arith.constant 0 : i32
      %dma_wait3A_171 = tpu.memref_slice %arg8[%dma_wait3A_169, %dma_wait3A_170] : memref<80x128xi32, #tpu.memory_space<vmem>> -> memref<1x128xi32, #tpu.memory_space<vmem>>
      %dma_wait3A_172 = tpu.memref_squeeze %dma_wait3A_171 : memref<1x128xi32, #tpu.memory_space<vmem>> -> memref<128xi32, #tpu.memory_space<vmem>>
      %dma_wait3A_173 = arith.constant 0 : i32
      %dma_wait3A_174 = arith.constant 0 : i32
      %dma_wait3A_175 = tpu.memref_slice %arg2[%dma_wait3A_173, %dma_wait3A_174] : memref<10000x128xf32, #tpu.memory_space<hbm>> -> memref<10000x128xf32, #tpu.memory_space<hbm>>
      tpu.wait_indirect_dma semaphore(%arg15 : memref<!tpu.dma_semaphore, #tpu.memory_space<semaphore_mem>>) src(%dma_wait3A_175 : memref<10000x128xf32, #tpu.memory_space<hbm>>) dst(%arg12 : memref<128x128xf32, #tpu.memory_space<vmem>>)
      %dma_wait3A_176 = arith.constant 0 : i32
      %dma_wait3A_177 = arith.constant 1 : i32
      %dma_wait3A_178 = arith.constant 0 : i32
      %dma_wait3A_179 = tpu.memref_slice %arg9[%dma_wait3A_177, %dma_wait3A_178] : memref<2x128xi32, #tpu.memory_space<vmem>> -> memref<1x128xi32, #tpu.memory_space<vmem>>
      %dma_wait3A_180 = tpu.memref_squeeze %dma_wait3A_179 : memref<1x128xi32, #tpu.memory_space<vmem>> -> memref<128xi32, #tpu.memory_space<vmem>>
      %dma_wait3A_181 = arith.constant 0 : i32
      %dma_wait3A_182 = tpu.memref_slice %arg4[%add3A, %dma_wait3A_176, %dma_wait3A_181] : memref<32x80x128xi32, #tpu.memory_space<hbm>> -> memref<1x1x128xi32, #tpu.memory_space<hbm>>
      %dma_wait3A_183 = tpu.memref_squeeze %dma_wait3A_182 : memref<1x1x128xi32, #tpu.memory_space<hbm>> -> memref<128xi32, #tpu.memory_space<hbm>>
      %dma_wait3A_184 = arith.constant 0 : i32
      %dma_wait3A_185 = tpu.memref_slice %arg9[%dma_wait3A_177, %dma_wait3A_184] : memref<2x128xi32, #tpu.memory_space<vmem>> -> memref<1x128xi32, #tpu.memory_space<vmem>>
      %dma_wait3A_186 = tpu.memref_squeeze %dma_wait3A_185 : memref<1x128xi32, #tpu.memory_space<vmem>> -> memref<128xi32, #tpu.memory_space<vmem>>
      %dma_wait3A_187 = arith.constant 0 : i32
      %dma_wait3A_188 = tpu.memref_slice %arg4[%add3A, %dma_wait3A_176, %dma_wait3A_187] : memref<32x80x128xi32, #tpu.memory_space<hbm>> -> memref<1x1x128xi32, #tpu.memory_space<hbm>>
      %dma_wait3A_189 = tpu.memref_squeeze %dma_wait3A_188 : memref<1x1x128xi32, #tpu.memory_space<hbm>> -> memref<128xi32, #tpu.memory_space<hbm>>
      tpu.wait_dma2 semaphore(%arg17 : memref<!tpu.dma_semaphore, #tpu.memory_space<semaphore_mem>>) src(%dma_wait3A_189 : memref<128xi32, #tpu.memory_space<hbm>>) dst(%dma_wait3A_186 : memref<128xi32, #tpu.memory_space<vmem>>)
      %run_scoped3A_190 = arith.constant 1 : i32
      "tpu.region"() ({
        %run_scoped3A_191 = tpu.sem_alloc : memref<!tpu.dma_semaphore, #tpu.memory_space<semaphore_mem>>
        %dma_start3A_192 = arith.constant 0 : i32
        %dma_start3A_193 = tpu.memref_slice %arg9[%run_scoped3A_190, %dma_start3A_192] : memref<2x128xi32, #tpu.memory_space<vmem>> -> memref<1x128xi32, #tpu.memory_space<vmem>>
        %dma_start3A_194 = tpu.memref_squeeze %dma_start3A_193 : memref<1x128xi32, #tpu.memory_space<vmem>> -> memref<128xi32, #tpu.memory_space<vmem>>
        %dma_start3A_195 = arith.constant 0 : i32
        %dma_start3A_196 = arith.constant 0 : i32
        %dma_start3A_197 = tpu.memref_slice %arg13[%dma_start3A_195, %dma_start3A_196] : memref<10240x128xf32, #tpu.memory_space<vmem_shared>> -> memref<10240x128xf32, #tpu.memory_space<vmem_shared>>
        tpu.enqueue_indirect_dma source(%arg12 : memref<128x128xf32, #tpu.memory_space<vmem>>) target(%dma_start3A_197 : memref<10240x128xf32, #tpu.memory_space<vmem_shared>>) offsets(%dma_start3A_194 : memref<128xi32, #tpu.memory_space<vmem>>) semaphore(%run_scoped3A_191 : memref<!tpu.dma_semaphore, #tpu.memory_space<semaphore_mem>>) {add = true}
        %dma_wait3A_198 = arith.constant 0 : i32
        %dma_wait3A_199 = tpu.memref_slice %arg9[%run_scoped3A_190, %dma_wait3A_198] : memref<2x128xi32, #tpu.memory_space<vmem>> -> memref<1x128xi32, #tpu.memory_space<vmem>>
        %dma_wait3A_200 = tpu.memref_squeeze %dma_wait3A_199 : memref<1x128xi32, #tpu.memory_space<vmem>> -> memref<128xi32, #tpu.memory_space<vmem>>
        %dma_wait3A_201 = arith.constant 0 : i32
        %dma_wait3A_202 = arith.constant 0 : i32
        %dma_wait3A_203 = tpu.memref_slice %arg13[%dma_wait3A_201, %dma_wait3A_202] : memref<10240x128xf32, #tpu.memory_space<vmem_shared>> -> memref<10240x128xf32, #tpu.memory_space<vmem_shared>>
        tpu.wait_indirect_dma semaphore(%run_scoped3A_191 : memref<!tpu.dma_semaphore, #tpu.memory_space<semaphore_mem>>) src(%arg12 : memref<128x128xf32, #tpu.memory_space<vmem>>) dst(%dma_wait3A_203 : memref<10240x128xf32, #tpu.memory_space<vmem_shared>>)
        tpu.yield
      }) : () -> ()
    }
    %scan3A_29 = arith.constant 40 : i32
    %dma_wait3A = arith.constant 0 : i32
    %dma_wait3A_30 = arith.constant 0 : i32
    %dma_wait3A_31 = tpu.memref_slice %arg8[%dma_wait3A, %dma_wait3A_30] : memref<80x128xi32, #tpu.memory_space<vmem>> -> memref<1x128xi32, #tpu.memory_space<vmem>>
    %dma_wait3A_32 = tpu.memref_squeeze %dma_wait3A_31 : memref<1x128xi32, #tpu.memory_space<vmem>> -> memref<128xi32, #tpu.memory_space<vmem>>
    %dma_wait3A_33 = arith.constant 0 : i32
    %dma_wait3A_34 = arith.constant 0 : i32
    %dma_wait3A_35 = tpu.memref_slice %arg2[%dma_wait3A_33, %dma_wait3A_34] : memref<10000x128xf32, #tpu.memory_space<hbm>> -> memref<10000x128xf32, #tpu.memory_space<hbm>>
    tpu.wait_indirect_dma semaphore(%arg14 : memref<!tpu.dma_semaphore, #tpu.memory_space<semaphore_mem>>) src(%dma_wait3A_35 : memref<10000x128xf32, #tpu.memory_space<hbm>>) dst(%arg11 : memref<128x128xf32, #tpu.memory_space<vmem>>)
    %dma_wait3A_36 = arith.constant 0 : i32
    %dma_wait3A_37 = arith.constant 0 : i32
    %dma_wait3A_38 = arith.constant 0 : i32
    %dma_wait3A_39 = tpu.memref_slice %arg9[%dma_wait3A_37, %dma_wait3A_38] : memref<2x128xi32, #tpu.memory_space<vmem>> -> memref<1x128xi32, #tpu.memory_space<vmem>>
    %dma_wait3A_40 = tpu.memref_squeeze %dma_wait3A_39 : memref<1x128xi32, #tpu.memory_space<vmem>> -> memref<128xi32, #tpu.memory_space<vmem>>
    %dma_wait3A_41 = arith.constant 0 : i32
    %dma_wait3A_42 = tpu.memref_slice %arg4[%add3A, %dma_wait3A_36, %dma_wait3A_41] : memref<32x80x128xi32, #tpu.memory_space<hbm>> -> memref<1x1x128xi32, #tpu.memory_space<hbm>>
    %dma_wait3A_43 = tpu.memref_squeeze %dma_wait3A_42 : memref<1x1x128xi32, #tpu.memory_space<hbm>> -> memref<128xi32, #tpu.memory_space<hbm>>
    %dma_wait3A_44 = arith.constant 0 : i32
    %dma_wait3A_45 = tpu.memref_slice %arg9[%dma_wait3A_37, %dma_wait3A_44] : memref<2x128xi32, #tpu.memory_space<vmem>> -> memref<1x128xi32, #tpu.memory_space<vmem>>
    %dma_wait3A_46 = tpu.memref_squeeze %dma_wait3A_45 : memref<1x128xi32, #tpu.memory_space<vmem>> -> memref<128xi32, #tpu.memory_space<vmem>>
    %dma_wait3A_47 = arith.constant 0 : i32
    %dma_wait3A_48 = tpu.memref_slice %arg4[%add3A, %dma_wait3A_36, %dma_wait3A_47] : memref<32x80x128xi32, #tpu.memory_space<hbm>> -> memref<1x1x128xi32, #tpu.memory_space<hbm>>
    %dma_wait3A_49 = tpu.memref_squeeze %dma_wait3A_48 : memref<1x1x128xi32, #tpu.memory_space<hbm>> -> memref<128xi32, #tpu.memory_space<hbm>>
    tpu.wait_dma2 semaphore(%arg16 : memref<!tpu.dma_semaphore, #tpu.memory_space<semaphore_mem>>) src(%dma_wait3A_49 : memref<128xi32, #tpu.memory_space<hbm>>) dst(%dma_wait3A_46 : memref<128xi32, #tpu.memory_space<vmem>>)
    %barrier3A_50 = arith.constant 0 : index
    tpu.barrier barrier_id(%barrier3A_50)
    %run_scoped3A_51 = arith.constant 0 : i32
    "tpu.region"() ({
      %run_scoped3A_91 = tpu.sem_alloc : memref<!tpu.dma_semaphore, #tpu.memory_space<semaphore_mem>>
      %dma_start3A_92 = arith.constant 0 : i32
      %dma_start3A_93 = tpu.memref_slice %arg10[%run_scoped3A_51, %dma_start3A_92] : memref<5x128xi32, #tpu.memory_space<vmem>> -> memref<1x128xi32, #tpu.memory_space<vmem>>
      %dma_start3A_94 = tpu.memref_squeeze %dma_start3A_93 : memref<1x128xi32, #tpu.memory_space<vmem>> -> memref<128xi32, #tpu.memory_space<vmem>>
      %dma_start3A_95 = arith.constant 0 : i32
      %dma_start3A_96 = arith.constant 0 : i32
      %dma_start3A_97 = tpu.memref_slice %arg13[%dma_start3A_95, %dma_start3A_96] : memref<10240x128xf32, #tpu.memory_space<vmem_shared>> -> memref<10240x128xf32, #tpu.memory_space<vmem_shared>>
      tpu.enqueue_indirect_dma source(%dma_start3A_97 : memref<10240x128xf32, #tpu.memory_space<vmem_shared>>) target(%arg11 : memref<128x128xf32, #tpu.memory_space<vmem>>) offsets(%dma_start3A_94 : memref<128xi32, #tpu.memory_space<vmem>>) semaphore(%run_scoped3A_91 : memref<!tpu.dma_semaphore, #tpu.memory_space<semaphore_mem>>)
      %dma_wait3A_98 = arith.constant 0 : i32
      %dma_wait3A_99 = tpu.memref_slice %arg10[%run_scoped3A_51, %dma_wait3A_98] : memref<5x128xi32, #tpu.memory_space<vmem>> -> memref<1x128xi32, #tpu.memory_space<vmem>>
      %dma_wait3A_100 = tpu.memref_squeeze %dma_wait3A_99 : memref<1x128xi32, #tpu.memory_space<vmem>> -> memref<128xi32, #tpu.memory_space<vmem>>
      %dma_wait3A_101 = arith.constant 0 : i32
      %dma_wait3A_102 = arith.constant 0 : i32
      %dma_wait3A_103 = tpu.memref_slice %arg13[%dma_wait3A_101, %dma_wait3A_102] : memref<10240x128xf32, #tpu.memory_space<vmem_shared>> -> memref<10240x128xf32, #tpu.memory_space<vmem_shared>>
      tpu.wait_indirect_dma semaphore(%run_scoped3A_91 : memref<!tpu.dma_semaphore, #tpu.memory_space<semaphore_mem>>) src(%dma_wait3A_103 : memref<10240x128xf32, #tpu.memory_space<vmem_shared>>) dst(%arg11 : memref<128x128xf32, #tpu.memory_space<vmem>>)
      tpu.yield
    }) : () -> ()
    %mul3A_52 = arith.constant 10240 : i32
    %mul3A_53 = arith.muli %arg0, %mul3A_52 : i32
    %mul3A_54 = arith.constant 640 : i32
    %mul3A_55 = arith.muli %arg1, %mul3A_54 : i32
    %add3A_56 = arith.addi %mul3A_53, %mul3A_55 : i32
    %add3A_57 = arith.constant 0 : i32
    %add3A_58 = arith.addi %add3A_56, %add3A_57 : i32
    "tpu.region"() ({
      %run_scoped3A_91 = tpu.sem_alloc : memref<!tpu.dma_semaphore, #tpu.memory_space<semaphore_mem>>
      %dma_start3A_92 = arith.constant 0 : i32
      %dma_start3A_93 = tpu.memref_slice %arg7[%add3A_58, %dma_start3A_92] : memref<20480x128xf32, #tpu.memory_space<hbm>> -> memref<128x128xf32, #tpu.memory_space<hbm>>
      %dma_start3A_94 = arith.constant 0 : i32
      %dma_start3A_95 = tpu.memref_slice %arg7[%add3A_58, %dma_start3A_94] : memref<20480x128xf32, #tpu.memory_space<hbm>> -> memref<128x128xf32, #tpu.memory_space<hbm>>
      tpu.enqueue_dma source(%arg11 : memref<128x128xf32, #tpu.memory_space<vmem>>) target(%dma_start3A_95 : memref<128x128xf32, #tpu.memory_space<hbm>>) target_semaphore(%run_scoped3A_91 : memref<!tpu.dma_semaphore, #tpu.memory_space<semaphore_mem>>)
      %dma_wait3A_96 = arith.constant 0 : i32
      %dma_wait3A_97 = tpu.memref_slice %arg7[%add3A_58, %dma_wait3A_96] : memref<20480x128xf32, #tpu.memory_space<hbm>> -> memref<128x128xf32, #tpu.memory_space<hbm>>
      %dma_wait3A_98 = arith.constant 0 : i32
      %dma_wait3A_99 = tpu.memref_slice %arg7[%add3A_58, %dma_wait3A_98] : memref<20480x128xf32, #tpu.memory_space<hbm>> -> memref<128x128xf32, #tpu.memory_space<hbm>>
      tpu.wait_dma2 semaphore(%run_scoped3A_91 : memref<!tpu.dma_semaphore, #tpu.memory_space<semaphore_mem>>) src(%arg11 : memref<128x128xf32, #tpu.memory_space<vmem>>) dst(%dma_wait3A_99 : memref<128x128xf32, #tpu.memory_space<hbm>>)
      tpu.yield
    }) : () -> ()
    %run_scoped3A_59 = arith.constant 1 : i32
    "tpu.region"() ({
      %run_scoped3A_91 = tpu.sem_alloc : memref<!tpu.dma_semaphore, #tpu.memory_space<semaphore_mem>>
      %dma_start3A_92 = arith.constant 0 : i32
      %dma_start3A_93 = tpu.memref_slice %arg10[%run_scoped3A_59, %dma_start3A_92] : memref<5x128xi32, #tpu.memory_space<vmem>> -> memref<1x128xi32, #tpu.memory_space<vmem>>
      %dma_start3A_94 = tpu.memref_squeeze %dma_start3A_93 : memref<1x128xi32, #tpu.memory_space<vmem>> -> memref<128xi32, #tpu.memory_space<vmem>>
      %dma_start3A_95 = arith.constant 0 : i32
      %dma_start3A_96 = arith.constant 0 : i32
      %dma_start3A_97 = tpu.memref_slice %arg13[%dma_start3A_95, %dma_start3A_96] : memref<10240x128xf32, #tpu.memory_space<vmem_shared>> -> memref<10240x128xf32, #tpu.memory_space<vmem_shared>>
      tpu.enqueue_indirect_dma source(%dma_start3A_97 : memref<10240x128xf32, #tpu.memory_space<vmem_shared>>) target(%arg11 : memref<128x128xf32, #tpu.memory_space<vmem>>) offsets(%dma_start3A_94 : memref<128xi32, #tpu.memory_space<vmem>>) semaphore(%run_scoped3A_91 : memref<!tpu.dma_semaphore, #tpu.memory_space<semaphore_mem>>)
      %dma_wait3A_98 = arith.constant 0 : i32
      %dma_wait3A_99 = tpu.memref_slice %arg10[%run_scoped3A_59, %dma_wait3A_98] : memref<5x128xi32, #tpu.memory_space<vmem>> -> memref<1x128xi32, #tpu.memory_space<vmem>>
      %dma_wait3A_100 = tpu.memref_squeeze %dma_wait3A_99 : memref<1x128xi32, #tpu.memory_space<vmem>> -> memref<128xi32, #tpu.memory_space<vmem>>
      %dma_wait3A_101 = arith.constant 0 : i32
      %dma_wait3A_102 = arith.constant 0 : i32
      %dma_wait3A_103 = tpu.memref_slice %arg13[%dma_wait3A_101, %dma_wait3A_102] : memref<10240x128xf32, #tpu.memory_space<vmem_shared>> -> memref<10240x128xf32, #tpu.memory_space<vmem_shared>>
      tpu.wait_indirect_dma semaphore(%run_scoped3A_91 : memref<!tpu.dma_semaphore, #tpu.memory_space<semaphore_mem>>) src(%dma_wait3A_103 : memref<10240x128xf32, #tpu.memory_space<vmem_shared>>) dst(%arg11 : memref<128x128xf32, #tpu.memory_space<vmem>>)
      tpu.yield
    }) : () -> ()
    %mul3A_60 = arith.constant 10240 : i32
    %mul3A_61 = arith.muli %arg0, %mul3A_60 : i32
    %mul3A_62 = arith.constant 640 : i32
    %mul3A_63 = arith.muli %arg1, %mul3A_62 : i32
    %add3A_64 = arith.addi %mul3A_61, %mul3A_63 : i32
    %add3A_65 = arith.constant 128 : i32
    %add3A_66 = arith.addi %add3A_64, %add3A_65 : i32
    "tpu.region"() ({
      %run_scoped3A_91 = tpu.sem_alloc : memref<!tpu.dma_semaphore, #tpu.memory_space<semaphore_mem>>
      %dma_start3A_92 = arith.constant 0 : i32
      %dma_start3A_93 = tpu.memref_slice %arg7[%add3A_66, %dma_start3A_92] : memref<20480x128xf32, #tpu.memory_space<hbm>> -> memref<128x128xf32, #tpu.memory_space<hbm>>
      %dma_start3A_94 = arith.constant 0 : i32
      %dma_start3A_95 = tpu.memref_slice %arg7[%add3A_66, %dma_start3A_94] : memref<20480x128xf32, #tpu.memory_space<hbm>> -> memref<128x128xf32, #tpu.memory_space<hbm>>
      tpu.enqueue_dma source(%arg11 : memref<128x128xf32, #tpu.memory_space<vmem>>) target(%dma_start3A_95 : memref<128x128xf32, #tpu.memory_space<hbm>>) target_semaphore(%run_scoped3A_91 : memref<!tpu.dma_semaphore, #tpu.memory_space<semaphore_mem>>)
      %dma_wait3A_96 = arith.constant 0 : i32
      %dma_wait3A_97 = tpu.memref_slice %arg7[%add3A_66, %dma_wait3A_96] : memref<20480x128xf32, #tpu.memory_space<hbm>> -> memref<128x128xf32, #tpu.memory_space<hbm>>
      %dma_wait3A_98 = arith.constant 0 : i32
      %dma_wait3A_99 = tpu.memref_slice %arg7[%add3A_66, %dma_wait3A_98] : memref<20480x128xf32, #tpu.memory_space<hbm>> -> memref<128x128xf32, #tpu.memory_space<hbm>>
      tpu.wait_dma2 semaphore(%run_scoped3A_91 : memref<!tpu.dma_semaphore, #tpu.memory_space<semaphore_mem>>) src(%arg11 : memref<128x128xf32, #tpu.memory_space<vmem>>) dst(%dma_wait3A_99 : memref<128x128xf32, #tpu.memory_space<hbm>>)
      tpu.yield
    }) : () -> ()
    %run_scoped3A_67 = arith.constant 2 : i32
    "tpu.region"() ({
      %run_scoped3A_91 = tpu.sem_alloc : memref<!tpu.dma_semaphore, #tpu.memory_space<semaphore_mem>>
      %dma_start3A_92 = arith.constant 0 : i32
      %dma_start3A_93 = tpu.memref_slice %arg10[%run_scoped3A_67, %dma_start3A_92] : memref<5x128xi32, #tpu.memory_space<vmem>> -> memref<1x128xi32, #tpu.memory_space<vmem>>
      %dma_start3A_94 = tpu.memref_squeeze %dma_start3A_93 : memref<1x128xi32, #tpu.memory_space<vmem>> -> memref<128xi32, #tpu.memory_space<vmem>>
      %dma_start3A_95 = arith.constant 0 : i32
      %dma_start3A_96 = arith.constant 0 : i32
      %dma_start3A_97 = tpu.memref_slice %arg13[%dma_start3A_95, %dma_start3A_96] : memref<10240x128xf32, #tpu.memory_space<vmem_shared>> -> memref<10240x128xf32, #tpu.memory_space<vmem_shared>>
      tpu.enqueue_indirect_dma source(%dma_start3A_97 : memref<10240x128xf32, #tpu.memory_space<vmem_shared>>) target(%arg11 : memref<128x128xf32, #tpu.memory_space<vmem>>) offsets(%dma_start3A_94 : memref<128xi32, #tpu.memory_space<vmem>>) semaphore(%run_scoped3A_91 : memref<!tpu.dma_semaphore, #tpu.memory_space<semaphore_mem>>)
      %dma_wait3A_98 = arith.constant 0 : i32
      %dma_wait3A_99 = tpu.memref_slice %arg10[%run_scoped3A_67, %dma_wait3A_98] : memref<5x128xi32, #tpu.memory_space<vmem>> -> memref<1x128xi32, #tpu.memory_space<vmem>>
      %dma_wait3A_100 = tpu.memref_squeeze %dma_wait3A_99 : memref<1x128xi32, #tpu.memory_space<vmem>> -> memref<128xi32, #tpu.memory_space<vmem>>
      %dma_wait3A_101 = arith.constant 0 : i32
      %dma_wait3A_102 = arith.constant 0 : i32
      %dma_wait3A_103 = tpu.memref_slice %arg13[%dma_wait3A_101, %dma_wait3A_102] : memref<10240x128xf32, #tpu.memory_space<vmem_shared>> -> memref<10240x128xf32, #tpu.memory_space<vmem_shared>>
      tpu.wait_indirect_dma semaphore(%run_scoped3A_91 : memref<!tpu.dma_semaphore, #tpu.memory_space<semaphore_mem>>) src(%dma_wait3A_103 : memref<10240x128xf32, #tpu.memory_space<vmem_shared>>) dst(%arg11 : memref<128x128xf32, #tpu.memory_space<vmem>>)
      tpu.yield
    }) : () -> ()
    %mul3A_68 = arith.constant 10240 : i32
    %mul3A_69 = arith.muli %arg0, %mul3A_68 : i32
    %mul3A_70 = arith.constant 640 : i32
    %mul3A_71 = arith.muli %arg1, %mul3A_70 : i32
    %add3A_72 = arith.addi %mul3A_69, %mul3A_71 : i32
    %add3A_73 = arith.constant 256 : i32
    %add3A_74 = arith.addi %add3A_72, %add3A_73 : i32
    "tpu.region"() ({
      %run_scoped3A_91 = tpu.sem_alloc : memref<!tpu.dma_semaphore, #tpu.memory_space<semaphore_mem>>
      %dma_start3A_92 = arith.constant 0 : i32
      %dma_start3A_93 = tpu.memref_slice %arg7[%add3A_74, %dma_start3A_92] : memref<20480x128xf32, #tpu.memory_space<hbm>> -> memref<128x128xf32, #tpu.memory_space<hbm>>
      %dma_start3A_94 = arith.constant 0 : i32
      %dma_start3A_95 = tpu.memref_slice %arg7[%add3A_74, %dma_start3A_94] : memref<20480x128xf32, #tpu.memory_space<hbm>> -> memref<128x128xf32, #tpu.memory_space<hbm>>
      tpu.enqueue_dma source(%arg11 : memref<128x128xf32, #tpu.memory_space<vmem>>) target(%dma_start3A_95 : memref<128x128xf32, #tpu.memory_space<hbm>>) target_semaphore(%run_scoped3A_91 : memref<!tpu.dma_semaphore, #tpu.memory_space<semaphore_mem>>)
      %dma_wait3A_96 = arith.constant 0 : i32
      %dma_wait3A_97 = tpu.memref_slice %arg7[%add3A_74, %dma_wait3A_96] : memref<20480x128xf32, #tpu.memory_space<hbm>> -> memref<128x128xf32, #tpu.memory_space<hbm>>
      %dma_wait3A_98 = arith.constant 0 : i32
      %dma_wait3A_99 = tpu.memref_slice %arg7[%add3A_74, %dma_wait3A_98] : memref<20480x128xf32, #tpu.memory_space<hbm>> -> memref<128x128xf32, #tpu.memory_space<hbm>>
      tpu.wait_dma2 semaphore(%run_scoped3A_91 : memref<!tpu.dma_semaphore, #tpu.memory_space<semaphore_mem>>) src(%arg11 : memref<128x128xf32, #tpu.memory_space<vmem>>) dst(%dma_wait3A_99 : memref<128x128xf32, #tpu.memory_space<hbm>>)
      tpu.yield
    }) : () -> ()
    %run_scoped3A_75 = arith.constant 3 : i32
    "tpu.region"() ({
      %run_scoped3A_91 = tpu.sem_alloc : memref<!tpu.dma_semaphore, #tpu.memory_space<semaphore_mem>>
      %dma_start3A_92 = arith.constant 0 : i32
      %dma_start3A_93 = tpu.memref_slice %arg10[%run_scoped3A_75, %dma_start3A_92] : memref<5x128xi32, #tpu.memory_space<vmem>> -> memref<1x128xi32, #tpu.memory_space<vmem>>
      %dma_start3A_94 = tpu.memref_squeeze %dma_start3A_93 : memref<1x128xi32, #tpu.memory_space<vmem>> -> memref<128xi32, #tpu.memory_space<vmem>>
      %dma_start3A_95 = arith.constant 0 : i32
      %dma_start3A_96 = arith.constant 0 : i32
      %dma_start3A_97 = tpu.memref_slice %arg13[%dma_start3A_95, %dma_start3A_96] : memref<10240x128xf32, #tpu.memory_space<vmem_shared>> -> memref<10240x128xf32, #tpu.memory_space<vmem_shared>>
      tpu.enqueue_indirect_dma source(%dma_start3A_97 : memref<10240x128xf32, #tpu.memory_space<vmem_shared>>) target(%arg11 : memref<128x128xf32, #tpu.memory_space<vmem>>) offsets(%dma_start3A_94 : memref<128xi32, #tpu.memory_space<vmem>>) semaphore(%run_scoped3A_91 : memref<!tpu.dma_semaphore, #tpu.memory_space<semaphore_mem>>)
      %dma_wait3A_98 = arith.constant 0 : i32
      %dma_wait3A_99 = tpu.memref_slice %arg10[%run_scoped3A_75, %dma_wait3A_98] : memref<5x128xi32, #tpu.memory_space<vmem>> -> memref<1x128xi32, #tpu.memory_space<vmem>>
      %dma_wait3A_100 = tpu.memref_squeeze %dma_wait3A_99 : memref<1x128xi32, #tpu.memory_space<vmem>> -> memref<128xi32, #tpu.memory_space<vmem>>
      %dma_wait3A_101 = arith.constant 0 : i32
      %dma_wait3A_102 = arith.constant 0 : i32
      %dma_wait3A_103 = tpu.memref_slice %arg13[%dma_wait3A_101, %dma_wait3A_102] : memref<10240x128xf32, #tpu.memory_space<vmem_shared>> -> memref<10240x128xf32, #tpu.memory_space<vmem_shared>>
      tpu.wait_indirect_dma semaphore(%run_scoped3A_91 : memref<!tpu.dma_semaphore, #tpu.memory_space<semaphore_mem>>) src(%dma_wait3A_103 : memref<10240x128xf32, #tpu.memory_space<vmem_shared>>) dst(%arg11 : memref<128x128xf32, #tpu.memory_space<vmem>>)
      tpu.yield
    }) : () -> ()
    %mul3A_76 = arith.constant 10240 : i32
    %mul3A_77 = arith.muli %arg0, %mul3A_76 : i32
    %mul3A_78 = arith.constant 640 : i32
    %mul3A_79 = arith.muli %arg1, %mul3A_78 : i32
    %add3A_80 = arith.addi %mul3A_77, %mul3A_79 : i32
    %add3A_81 = arith.constant 384 : i32
    %add3A_82 = arith.addi %add3A_80, %add3A_81 : i32
    "tpu.region"() ({
      %run_scoped3A_91 = tpu.sem_alloc : memref<!tpu.dma_semaphore, #tpu.memory_space<semaphore_mem>>
      %dma_start3A_92 = arith.constant 0 : i32
      %dma_start3A_93 = tpu.memref_slice %arg7[%add3A_82, %dma_start3A_92] : memref<20480x128xf32, #tpu.memory_space<hbm>> -> memref<128x128xf32, #tpu.memory_space<hbm>>
      %dma_start3A_94 = arith.constant 0 : i32
      %dma_start3A_95 = tpu.memref_slice %arg7[%add3A_82, %dma_start3A_94] : memref<20480x128xf32, #tpu.memory_space<hbm>> -> memref<128x128xf32, #tpu.memory_space<hbm>>
      tpu.enqueue_dma source(%arg11 : memref<128x128xf32, #tpu.memory_space<vmem>>) target(%dma_start3A_95 : memref<128x128xf32, #tpu.memory_space<hbm>>) target_semaphore(%run_scoped3A_91 : memref<!tpu.dma_semaphore, #tpu.memory_space<semaphore_mem>>)
      %dma_wait3A_96 = arith.constant 0 : i32
      %dma_wait3A_97 = tpu.memref_slice %arg7[%add3A_82, %dma_wait3A_96] : memref<20480x128xf32, #tpu.memory_space<hbm>> -> memref<128x128xf32, #tpu.memory_space<hbm>>
      %dma_wait3A_98 = arith.constant 0 : i32
      %dma_wait3A_99 = tpu.memref_slice %arg7[%add3A_82, %dma_wait3A_98] : memref<20480x128xf32, #tpu.memory_space<hbm>> -> memref<128x128xf32, #tpu.memory_space<hbm>>
      tpu.wait_dma2 semaphore(%run_scoped3A_91 : memref<!tpu.dma_semaphore, #tpu.memory_space<semaphore_mem>>) src(%arg11 : memref<128x128xf32, #tpu.memory_space<vmem>>) dst(%dma_wait3A_99 : memref<128x128xf32, #tpu.memory_space<hbm>>)
      tpu.yield
    }) : () -> ()
    %run_scoped3A_83 = arith.constant 4 : i32
    "tpu.region"() ({
      %run_scoped3A_91 = tpu.sem_alloc : memref<!tpu.dma_semaphore, #tpu.memory_space<semaphore_mem>>
      %dma_start3A_92 = arith.constant 0 : i32
      %dma_start3A_93 = tpu.memref_slice %arg10[%run_scoped3A_83, %dma_start3A_92] : memref<5x128xi32, #tpu.memory_space<vmem>> -> memref<1x128xi32, #tpu.memory_space<vmem>>
      %dma_start3A_94 = tpu.memref_squeeze %dma_start3A_93 : memref<1x128xi32, #tpu.memory_space<vmem>> -> memref<128xi32, #tpu.memory_space<vmem>>
      %dma_start3A_95 = arith.constant 0 : i32
      %dma_start3A_96 = arith.constant 0 : i32
      %dma_start3A_97 = tpu.memref_slice %arg13[%dma_start3A_95, %dma_start3A_96] : memref<10240x128xf32, #tpu.memory_space<vmem_shared>> -> memref<10240x128xf32, #tpu.memory_space<vmem_shared>>
      tpu.enqueue_indirect_dma source(%dma_start3A_97 : memref<10240x128xf32, #tpu.memory_space<vmem_shared>>) target(%arg11 : memref<128x128xf32, #tpu.memory_space<vmem>>) offsets(%dma_start3A_94 : memref<128xi32, #tpu.memory_space<vmem>>) semaphore(%run_scoped3A_91 : memref<!tpu.dma_semaphore, #tpu.memory_space<semaphore_mem>>)
      %dma_wait3A_98 = arith.constant 0 : i32
      %dma_wait3A_99 = tpu.memref_slice %arg10[%run_scoped3A_83, %dma_wait3A_98] : memref<5x128xi32, #tpu.memory_space<vmem>> -> memref<1x128xi32, #tpu.memory_space<vmem>>
      %dma_wait3A_100 = tpu.memref_squeeze %dma_wait3A_99 : memref<1x128xi32, #tpu.memory_space<vmem>> -> memref<128xi32, #tpu.memory_space<vmem>>
      %dma_wait3A_101 = arith.constant 0 : i32
      %dma_wait3A_102 = arith.constant 0 : i32
      %dma_wait3A_103 = tpu.memref_slice %arg13[%dma_wait3A_101, %dma_wait3A_102] : memref<10240x128xf32, #tpu.memory_space<vmem_shared>> -> memref<10240x128xf32, #tpu.memory_space<vmem_shared>>
      tpu.wait_indirect_dma semaphore(%run_scoped3A_91 : memref<!tpu.dma_semaphore, #tpu.memory_space<semaphore_mem>>) src(%dma_wait3A_103 : memref<10240x128xf32, #tpu.memory_space<vmem_shared>>) dst(%arg11 : memref<128x128xf32, #tpu.memory_space<vmem>>)
      tpu.yield
    }) : () -> ()
    %mul3A_84 = arith.constant 10240 : i32
    %mul3A_85 = arith.muli %arg0, %mul3A_84 : i32
    %mul3A_86 = arith.constant 640 : i32
    %mul3A_87 = arith.muli %arg1, %mul3A_86 : i32
    %add3A_88 = arith.addi %mul3A_85, %mul3A_87 : i32
    %add3A_89 = arith.constant 512 : i32
    %add3A_90 = arith.addi %add3A_88, %add3A_89 : i32
    "tpu.region"() ({
      %run_scoped3A_91 = tpu.sem_alloc : memref<!tpu.dma_semaphore, #tpu.memory_space<semaphore_mem>>
      %dma_start3A_92 = arith.constant 0 : i32
      %dma_start3A_93 = tpu.memref_slice %arg7[%add3A_90, %dma_start3A_92] : memref<20480x128xf32, #tpu.memory_space<hbm>> -> memref<128x128xf32, #tpu.memory_space<hbm>>
      %dma_start3A_94 = arith.constant 0 : i32
      %dma_start3A_95 = tpu.memref_slice %arg7[%add3A_90, %dma_start3A_94] : memref<20480x128xf32, #tpu.memory_space<hbm>> -> memref<128x128xf32, #tpu.memory_space<hbm>>
      tpu.enqueue_dma source(%arg11 : memref<128x128xf32, #tpu.memory_space<vmem>>) target(%dma_start3A_95 : memref<128x128xf32, #tpu.memory_space<hbm>>) target_semaphore(%run_scoped3A_91 : memref<!tpu.dma_semaphore, #tpu.memory_space<semaphore_mem>>)
      %dma_wait3A_96 = arith.constant 0 : i32
      %dma_wait3A_97 = tpu.memref_slice %arg7[%add3A_90, %dma_wait3A_96] : memref<20480x128xf32, #tpu.memory_space<hbm>> -> memref<128x128xf32, #tpu.memory_space<hbm>>
      %dma_wait3A_98 = arith.constant 0 : i32
      %dma_wait3A_99 = tpu.memref_slice %arg7[%add3A_90, %dma_wait3A_98] : memref<20480x128xf32, #tpu.memory_space<hbm>> -> memref<128x128xf32, #tpu.memory_space<hbm>>
      tpu.wait_dma2 semaphore(%run_scoped3A_91 : memref<!tpu.dma_semaphore, #tpu.memory_space<semaphore_mem>>) src(%arg11 : memref<128x128xf32, #tpu.memory_space<vmem>>) dst(%dma_wait3A_99 : memref<128x128xf32, #tpu.memory_space<hbm>>)
      tpu.yield
    }) : () -> ()
    return
  }
}

#map = affine_map<(d0, d1) -> (0, 0)>
#map1 = affine_map<(d0, d1) -> (0, 0, 0)>
module attributes {stable_mosaic.version = 14 : i64} {
  func.func @_agg_body(%arg0: i32, %arg1: i32, %arg2: memref<10000x128xf32, #tpu.memory_space<hbm>>, %arg3: memref<32x80x128xi32, #tpu.memory_space<hbm>>, %arg4: memref<32x80x128xi32, #tpu.memory_space<hbm>>, %arg5: memref<16x5x128xi32, #tpu.memory_space<hbm>>, %arg6: memref<128x128xf32, #tpu.memory_space<hbm>>, %arg7: memref<20480x128xf32, #tpu.memory_space<hbm>>, %arg8: memref<80x128xi32, #tpu.memory_space<vmem>>, %arg9: memref<2x128xi32, #tpu.memory_space<vmem>>, %arg10: memref<5x128xi32, #tpu.memory_space<vmem>>, %arg11: memref<128x128xf32, #tpu.memory_space<vmem>>, %arg12: memref<128x128xf32, #tpu.memory_space<vmem>>, %arg13: memref<10240x128xf32, #tpu.memory_space<vmem_shared>>, %arg14: memref<!tpu.dma_semaphore, #tpu.memory_space<semaphore_mem>>, %arg15: memref<!tpu.dma_semaphore, #tpu.memory_space<semaphore_mem>>, %arg16: memref<!tpu.dma_semaphore, #tpu.memory_space<semaphore_mem>>, %arg17: memref<!tpu.dma_semaphore, #tpu.memory_space<semaphore_mem>>) attributes {dimension_semantics = [#tpu.dimension_semantics<core_parallel>, #tpu.dimension_semantics<subcore_parallel>], iteration_bounds = array<i64: 2, 16>, scalar_prefetch = 0 : i64, scratch_operands = 10 : i64, tpu.core_type = #tpu.core_type<sc_vector_subcore>, window_params = [{transform_indices = #map}, {transform_indices = #map1}, {transform_indices = #map1}, {transform_indices = #map1}, {transform_indices = #map}, {transform_indices = #map}]} {
    %mul3A = arith.constant 16 : i32
    %mul3A_0 = arith.muli %arg0, %mul3A : i32
    %add3A = arith.addi %mul3A_0, %arg1 : i32
    "tpu.region"() ({
      %run_scoped3A_91 = tpu.sem_alloc : memref<!tpu.dma_semaphore, #tpu.memory_space<semaphore_mem>>
      %dma_start3A_92 = arith.constant 0 : i32
      %dma_start3A_93 = arith.constant 0 : i32
      %dma_start3A_94 = tpu.memref_slice %arg3[%add3A, %dma_start3A_92, %dma_start3A_93] : memref<32x80x128xi32, #tpu.memory_space<hbm>> -> memref<1x80x128xi32, #tpu.memory_space<hbm>>
      %dma_start3A_95 = tpu.memref_squeeze %dma_start3A_94 : memref<1x80x128xi32, #tpu.memory_space<hbm>> -> memref<80x128xi32, #tpu.memory_space<hbm>>
      %dma_start3A_96 = arith.constant 0 : i32
      %dma_start3A_97 = arith.constant 0 : i32
      %dma_start3A_98 = tpu.memref_slice %arg3[%add3A, %dma_start3A_96, %dma_start3A_97] : memref<32x80x128xi32, #tpu.memory_space<hbm>> -> memref<1x80x128xi32, #tpu.memory_space<hbm>>
      %dma_start3A_99 = tpu.memref_squeeze %dma_start3A_98 : memref<1x80x128xi32, #tpu.memory_space<hbm>> -> memref<80x128xi32, #tpu.memory_space<hbm>>
      tpu.enqueue_dma source(%dma_start3A_99 : memref<80x128xi32, #tpu.memory_space<hbm>>) target(%arg8 : memref<80x128xi32, #tpu.memory_space<vmem>>) target_semaphore(%run_scoped3A_91 : memref<!tpu.dma_semaphore, #tpu.memory_space<semaphore_mem>>)
      %dma_wait3A_100 = arith.constant 0 : i32
      %dma_wait3A_101 = arith.constant 0 : i32
      %dma_wait3A_102 = tpu.memref_slice %arg3[%add3A, %dma_wait3A_100, %dma_wait3A_101] : memref<32x80x128xi32, #tpu.memory_space<hbm>> -> memref<1x80x128xi32, #tpu.memory_space<hbm>>
      %dma_wait3A_103 = tpu.memref_squeeze %dma_wait3A_102 : memref<1x80x128xi32, #tpu.memory_space<hbm>> -> memref<80x128xi32, #tpu.memory_space<hbm>>
      %dma_wait3A_104 = arith.constant 0 : i32
      %dma_wait3A_105 = arith.constant 0 : i32
      %dma_wait3A_106 = tpu.memref_slice %arg3[%add3A, %dma_wait3A_104, %dma_wait3A_105] : memref<32x80x128xi32, #tpu.memory_space<hbm>> -> memref<1x80x128xi32, #tpu.memory_space<hbm>>
      %dma_wait3A_107 = tpu.memref_squeeze %dma_wait3A_106 : memref<1x80x128xi32, #tpu.memory_space<hbm>> -> memref<80x128xi32, #tpu.memory_space<hbm>>
      tpu.wait_dma2 semaphore(%run_scoped3A_91 : memref<!tpu.dma_semaphore, #tpu.memory_space<semaphore_mem>>) src(%dma_wait3A_107 : memref<80x128xi32, #tpu.memory_space<hbm>>) dst(%arg8 : memref<80x128xi32, #tpu.memory_space<vmem>>)
      tpu.yield
    }) : () -> ()
    "tpu.region"() ({
      %run_scoped3A_91 = tpu.sem_alloc : memref<!tpu.dma_semaphore, #tpu.memory_space<semaphore_mem>>
      %dma_start3A_92 = arith.constant 0 : i32
      %dma_start3A_93 = arith.constant 0 : i32
      %dma_start3A_94 = tpu.memref_slice %arg5[%arg1, %dma_start3A_92, %dma_start3A_93] : memref<16x5x128xi32, #tpu.memory_space<hbm>> -> memref<1x5x128xi32, #tpu.memory_space<hbm>>
      %dma_start3A_95 = tpu.memref_squeeze %dma_start3A_94 : memref<1x5x128xi32, #tpu.memory_space<hbm>> -> memref<5x128xi32, #tpu.memory_space<hbm>>
      %dma_start3A_96 = arith.constant 0 : i32
      %dma_start3A_97 = arith.constant 0 : i32
      %dma_start3A_98 = tpu.memref_slice %arg5[%arg1, %dma_start3A_96, %dma_start3A_97] : memref<16x5x128xi32, #tpu.memory_space<hbm>> -> memref<1x5x128xi32, #tpu.memory_space<hbm>>
      %dma_start3A_99 = tpu.memref_squeeze %dma_start3A_98 : memref<1x5x128xi32, #tpu.memory_space<hbm>> -> memref<5x128xi32, #tpu.memory_space<hbm>>
      tpu.enqueue_dma source(%dma_start3A_99 : memref<5x128xi32, #tpu.memory_space<hbm>>) target(%arg10 : memref<5x128xi32, #tpu.memory_space<vmem>>) target_semaphore(%run_scoped3A_91 : memref<!tpu.dma_semaphore, #tpu.memory_space<semaphore_mem>>)
      %dma_wait3A_100 = arith.constant 0 : i32
      %dma_wait3A_101 = arith.constant 0 : i32
      %dma_wait3A_102 = tpu.memref_slice %arg5[%arg1, %dma_wait3A_100, %dma_wait3A_101] : memref<16x5x128xi32, #tpu.memory_space<hbm>> -> memref<1x5x128xi32, #tpu.memory_space<hbm>>
      %dma_wait3A_103 = tpu.memref_squeeze %dma_wait3A_102 : memref<1x5x128xi32, #tpu.memory_space<hbm>> -> memref<5x128xi32, #tpu.memory_space<hbm>>
      %dma_wait3A_104 = arith.constant 0 : i32
      %dma_wait3A_105 = arith.constant 0 : i32
      %dma_wait3A_106 = tpu.memref_slice %arg5[%arg1, %dma_wait3A_104, %dma_wait3A_105] : memref<16x5x128xi32, #tpu.memory_space<hbm>> -> memref<1x5x128xi32, #tpu.memory_space<hbm>>
      %dma_wait3A_107 = tpu.memref_squeeze %dma_wait3A_106 : memref<1x5x128xi32, #tpu.memory_space<hbm>> -> memref<5x128xi32, #tpu.memory_space<hbm>>
      tpu.wait_dma2 semaphore(%run_scoped3A_91 : memref<!tpu.dma_semaphore, #tpu.memory_space<semaphore_mem>>) src(%dma_wait3A_107 : memref<5x128xi32, #tpu.memory_space<hbm>>) dst(%arg10 : memref<5x128xi32, #tpu.memory_space<vmem>>)
      tpu.yield
    }) : () -> ()
    "tpu.region"() ({
      %run_scoped3A_91 = tpu.sem_alloc : memref<!tpu.dma_semaphore, #tpu.memory_space<semaphore_mem>>
      tpu.enqueue_dma source(%arg6 : memref<128x128xf32, #tpu.memory_space<hbm>>) target(%arg11 : memref<128x128xf32, #tpu.memory_space<vmem>>) target_semaphore(%run_scoped3A_91 : memref<!tpu.dma_semaphore, #tpu.memory_space<semaphore_mem>>)
      tpu.wait_dma2 semaphore(%run_scoped3A_91 : memref<!tpu.dma_semaphore, #tpu.memory_space<semaphore_mem>>) src(%arg6 : memref<128x128xf32, #tpu.memory_space<hbm>>) dst(%arg11 : memref<128x128xf32, #tpu.memory_space<vmem>>)
      tpu.yield
    }) : () -> ()
    %run_scoped3A = arith.constant 0 : i32
    "tpu.region"() ({
      %run_scoped3A_91 = tpu.sem_alloc : memref<!tpu.dma_semaphore, #tpu.memory_space<semaphore_mem>>
      %dma_start3A_92 = arith.constant 0 : i32
      %dma_start3A_93 = tpu.memref_slice %arg10[%run_scoped3A, %dma_start3A_92] : memref<5x128xi32, #tpu.memory_space<vmem>> -> memref<1x128xi32, #tpu.memory_space<vmem>>
      %dma_start3A_94 = tpu.memref_squeeze %dma_start3A_93 : memref<1x128xi32, #tpu.memory_space<vmem>> -> memref<128xi32, #tpu.memory_space<vmem>>
      %dma_start3A_95 = arith.constant 0 : i32
      %dma_start3A_96 = arith.constant 0 : i32
      %dma_start3A_97 = tpu.memref_slice %arg13[%dma_start3A_95, %dma_start3A_96] : memref<10240x128xf32, #tpu.memory_space<vmem_shared>> -> memref<10240x128xf32, #tpu.memory_space<vmem_shared>>
      tpu.enqueue_indirect_dma source(%arg11 : memref<128x128xf32, #tpu.memory_space<vmem>>) target(%dma_start3A_97 : memref<10240x128xf32, #tpu.memory_space<vmem_shared>>) offsets(%dma_start3A_94 : memref<128xi32, #tpu.memory_space<vmem>>) semaphore(%run_scoped3A_91 : memref<!tpu.dma_semaphore, #tpu.memory_space<semaphore_mem>>)
      %dma_wait3A_98 = arith.constant 0 : i32
      %dma_wait3A_99 = tpu.memref_slice %arg10[%run_scoped3A, %dma_wait3A_98] : memref<5x128xi32, #tpu.memory_space<vmem>> -> memref<1x128xi32, #tpu.memory_space<vmem>>
      %dma_wait3A_100 = tpu.memref_squeeze %dma_wait3A_99 : memref<1x128xi32, #tpu.memory_space<vmem>> -> memref<128xi32, #tpu.memory_space<vmem>>
      %dma_wait3A_101 = arith.constant 0 : i32
      %dma_wait3A_102 = arith.constant 0 : i32
      %dma_wait3A_103 = tpu.memref_slice %arg13[%dma_wait3A_101, %dma_wait3A_102] : memref<10240x128xf32, #tpu.memory_space<vmem_shared>> -> memref<10240x128xf32, #tpu.memory_space<vmem_shared>>
      tpu.wait_indirect_dma semaphore(%run_scoped3A_91 : memref<!tpu.dma_semaphore, #tpu.memory_space<semaphore_mem>>) src(%arg11 : memref<128x128xf32, #tpu.memory_space<vmem>>) dst(%dma_wait3A_103 : memref<10240x128xf32, #tpu.memory_space<vmem_shared>>)
      tpu.yield
    }) : () -> ()
    %run_scoped3A_1 = arith.constant 1 : i32
    "tpu.region"() ({
      %run_scoped3A_91 = tpu.sem_alloc : memref<!tpu.dma_semaphore, #tpu.memory_space<semaphore_mem>>
      %dma_start3A_92 = arith.constant 0 : i32
      %dma_start3A_93 = tpu.memref_slice %arg10[%run_scoped3A_1, %dma_start3A_92] : memref<5x128xi32, #tpu.memory_space<vmem>> -> memref<1x128xi32, #tpu.memory_space<vmem>>
      %dma_start3A_94 = tpu.memref_squeeze %dma_start3A_93 : memref<1x128xi32, #tpu.memory_space<vmem>> -> memref<128xi32, #tpu.memory_space<vmem>>
      %dma_start3A_95 = arith.constant 0 : i32
      %dma_start3A_96 = arith.constant 0 : i32
      %dma_start3A_97 = tpu.memref_slice %arg13[%dma_start3A_95, %dma_start3A_96] : memref<10240x128xf32, #tpu.memory_space<vmem_shared>> -> memref<10240x128xf32, #tpu.memory_space<vmem_shared>>
      tpu.enqueue_indirect_dma source(%arg11 : memref<128x128xf32, #tpu.memory_space<vmem>>) target(%dma_start3A_97 : memref<10240x128xf32, #tpu.memory_space<vmem_shared>>) offsets(%dma_start3A_94 : memref<128xi32, #tpu.memory_space<vmem>>) semaphore(%run_scoped3A_91 : memref<!tpu.dma_semaphore, #tpu.memory_space<semaphore_mem>>)
      %dma_wait3A_98 = arith.constant 0 : i32
      %dma_wait3A_99 = tpu.memref_slice %arg10[%run_scoped3A_1, %dma_wait3A_98] : memref<5x128xi32, #tpu.memory_space<vmem>> -> memref<1x128xi32, #tpu.memory_space<vmem>>
      %dma_wait3A_100 = tpu.memref_squeeze %dma_wait3A_99 : memref<1x128xi32, #tpu.memory_space<vmem>> -> memref<128xi32, #tpu.memory_space<vmem>>
      %dma_wait3A_101 = arith.constant 0 : i32
      %dma_wait3A_102 = arith.constant 0 : i32
      %dma_wait3A_103 = tpu.memref_slice %arg13[%dma_wait3A_101, %dma_wait3A_102] : memref<10240x128xf32, #tpu.memory_space<vmem_shared>> -> memref<10240x128xf32, #tpu.memory_space<vmem_shared>>
      tpu.wait_indirect_dma semaphore(%run_scoped3A_91 : memref<!tpu.dma_semaphore, #tpu.memory_space<semaphore_mem>>) src(%arg11 : memref<128x128xf32, #tpu.memory_space<vmem>>) dst(%dma_wait3A_103 : memref<10240x128xf32, #tpu.memory_space<vmem_shared>>)
      tpu.yield
    }) : () -> ()
    %run_scoped3A_2 = arith.constant 2 : i32
    "tpu.region"() ({
      %run_scoped3A_91 = tpu.sem_alloc : memref<!tpu.dma_semaphore, #tpu.memory_space<semaphore_mem>>
      %dma_start3A_92 = arith.constant 0 : i32
      %dma_start3A_93 = tpu.memref_slice %arg10[%run_scoped3A_2, %dma_start3A_92] : memref<5x128xi32, #tpu.memory_space<vmem>> -> memref<1x128xi32, #tpu.memory_space<vmem>>
      %dma_start3A_94 = tpu.memref_squeeze %dma_start3A_93 : memref<1x128xi32, #tpu.memory_space<vmem>> -> memref<128xi32, #tpu.memory_space<vmem>>
      %dma_start3A_95 = arith.constant 0 : i32
      %dma_start3A_96 = arith.constant 0 : i32
      %dma_start3A_97 = tpu.memref_slice %arg13[%dma_start3A_95, %dma_start3A_96] : memref<10240x128xf32, #tpu.memory_space<vmem_shared>> -> memref<10240x128xf32, #tpu.memory_space<vmem_shared>>
      tpu.enqueue_indirect_dma source(%arg11 : memref<128x128xf32, #tpu.memory_space<vmem>>) target(%dma_start3A_97 : memref<10240x128xf32, #tpu.memory_space<vmem_shared>>) offsets(%dma_start3A_94 : memref<128xi32, #tpu.memory_space<vmem>>) semaphore(%run_scoped3A_91 : memref<!tpu.dma_semaphore, #tpu.memory_space<semaphore_mem>>)
      %dma_wait3A_98 = arith.constant 0 : i32
      %dma_wait3A_99 = tpu.memref_slice %arg10[%run_scoped3A_2, %dma_wait3A_98] : memref<5x128xi32, #tpu.memory_space<vmem>> -> memref<1x128xi32, #tpu.memory_space<vmem>>
      %dma_wait3A_100 = tpu.memref_squeeze %dma_wait3A_99 : memref<1x128xi32, #tpu.memory_space<vmem>> -> memref<128xi32, #tpu.memory_space<vmem>>
      %dma_wait3A_101 = arith.constant 0 : i32
      %dma_wait3A_102 = arith.constant 0 : i32
      %dma_wait3A_103 = tpu.memref_slice %arg13[%dma_wait3A_101, %dma_wait3A_102] : memref<10240x128xf32, #tpu.memory_space<vmem_shared>> -> memref<10240x128xf32, #tpu.memory_space<vmem_shared>>
      tpu.wait_indirect_dma semaphore(%run_scoped3A_91 : memref<!tpu.dma_semaphore, #tpu.memory_space<semaphore_mem>>) src(%arg11 : memref<128x128xf32, #tpu.memory_space<vmem>>) dst(%dma_wait3A_103 : memref<10240x128xf32, #tpu.memory_space<vmem_shared>>)
      tpu.yield
    }) : () -> ()
    %run_scoped3A_3 = arith.constant 3 : i32
    "tpu.region"() ({
      %run_scoped3A_91 = tpu.sem_alloc : memref<!tpu.dma_semaphore, #tpu.memory_space<semaphore_mem>>
      %dma_start3A_92 = arith.constant 0 : i32
      %dma_start3A_93 = tpu.memref_slice %arg10[%run_scoped3A_3, %dma_start3A_92] : memref<5x128xi32, #tpu.memory_space<vmem>> -> memref<1x128xi32, #tpu.memory_space<vmem>>
      %dma_start3A_94 = tpu.memref_squeeze %dma_start3A_93 : memref<1x128xi32, #tpu.memory_space<vmem>> -> memref<128xi32, #tpu.memory_space<vmem>>
      %dma_start3A_95 = arith.constant 0 : i32
      %dma_start3A_96 = arith.constant 0 : i32
      %dma_start3A_97 = tpu.memref_slice %arg13[%dma_start3A_95, %dma_start3A_96] : memref<10240x128xf32, #tpu.memory_space<vmem_shared>> -> memref<10240x128xf32, #tpu.memory_space<vmem_shared>>
      tpu.enqueue_indirect_dma source(%arg11 : memref<128x128xf32, #tpu.memory_space<vmem>>) target(%dma_start3A_97 : memref<10240x128xf32, #tpu.memory_space<vmem_shared>>) offsets(%dma_start3A_94 : memref<128xi32, #tpu.memory_space<vmem>>) semaphore(%run_scoped3A_91 : memref<!tpu.dma_semaphore, #tpu.memory_space<semaphore_mem>>)
      %dma_wait3A_98 = arith.constant 0 : i32
      %dma_wait3A_99 = tpu.memref_slice %arg10[%run_scoped3A_3, %dma_wait3A_98] : memref<5x128xi32, #tpu.memory_space<vmem>> -> memref<1x128xi32, #tpu.memory_space<vmem>>
      %dma_wait3A_100 = tpu.memref_squeeze %dma_wait3A_99 : memref<1x128xi32, #tpu.memory_space<vmem>> -> memref<128xi32, #tpu.memory_space<vmem>>
      %dma_wait3A_101 = arith.constant 0 : i32
      %dma_wait3A_102 = arith.constant 0 : i32
      %dma_wait3A_103 = tpu.memref_slice %arg13[%dma_wait3A_101, %dma_wait3A_102] : memref<10240x128xf32, #tpu.memory_space<vmem_shared>> -> memref<10240x128xf32, #tpu.memory_space<vmem_shared>>
      tpu.wait_indirect_dma semaphore(%run_scoped3A_91 : memref<!tpu.dma_semaphore, #tpu.memory_space<semaphore_mem>>) src(%arg11 : memref<128x128xf32, #tpu.memory_space<vmem>>) dst(%dma_wait3A_103 : memref<10240x128xf32, #tpu.memory_space<vmem_shared>>)
      tpu.yield
    }) : () -> ()
    %run_scoped3A_4 = arith.constant 4 : i32
    "tpu.region"() ({
      %run_scoped3A_91 = tpu.sem_alloc : memref<!tpu.dma_semaphore, #tpu.memory_space<semaphore_mem>>
      %dma_start3A_92 = arith.constant 0 : i32
      %dma_start3A_93 = tpu.memref_slice %arg10[%run_scoped3A_4, %dma_start3A_92] : memref<5x128xi32, #tpu.memory_space<vmem>> -> memref<1x128xi32, #tpu.memory_space<vmem>>
      %dma_start3A_94 = tpu.memref_squeeze %dma_start3A_93 : memref<1x128xi32, #tpu.memory_space<vmem>> -> memref<128xi32, #tpu.memory_space<vmem>>
      %dma_start3A_95 = arith.constant 0 : i32
      %dma_start3A_96 = arith.constant 0 : i32
      %dma_start3A_97 = tpu.memref_slice %arg13[%dma_start3A_95, %dma_start3A_96] : memref<10240x128xf32, #tpu.memory_space<vmem_shared>> -> memref<10240x128xf32, #tpu.memory_space<vmem_shared>>
      tpu.enqueue_indirect_dma source(%arg11 : memref<128x128xf32, #tpu.memory_space<vmem>>) target(%dma_start3A_97 : memref<10240x128xf32, #tpu.memory_space<vmem_shared>>) offsets(%dma_start3A_94 : memref<128xi32, #tpu.memory_space<vmem>>) semaphore(%run_scoped3A_91 : memref<!tpu.dma_semaphore, #tpu.memory_space<semaphore_mem>>)
      %dma_wait3A_98 = arith.constant 0 : i32
      %dma_wait3A_99 = tpu.memref_slice %arg10[%run_scoped3A_4, %dma_wait3A_98] : memref<5x128xi32, #tpu.memory_space<vmem>> -> memref<1x128xi32, #tpu.memory_space<vmem>>
      %dma_wait3A_100 = tpu.memref_squeeze %dma_wait3A_99 : memref<1x128xi32, #tpu.memory_space<vmem>> -> memref<128xi32, #tpu.memory_space<vmem>>
      %dma_wait3A_101 = arith.constant 0 : i32
      %dma_wait3A_102 = arith.constant 0 : i32
      %dma_wait3A_103 = tpu.memref_slice %arg13[%dma_wait3A_101, %dma_wait3A_102] : memref<10240x128xf32, #tpu.memory_space<vmem_shared>> -> memref<10240x128xf32, #tpu.memory_space<vmem_shared>>
      tpu.wait_indirect_dma semaphore(%run_scoped3A_91 : memref<!tpu.dma_semaphore, #tpu.memory_space<semaphore_mem>>) src(%arg11 : memref<128x128xf32, #tpu.memory_space<vmem>>) dst(%dma_wait3A_103 : memref<10240x128xf32, #tpu.memory_space<vmem_shared>>)
      tpu.yield
    }) : () -> ()
    %barrier3A = arith.constant 0 : index
    tpu.barrier barrier_id(%barrier3A)
    %dma_start3A = arith.constant 0 : i32
    %dma_start3A_5 = arith.constant 0 : i32
    %dma_start3A_6 = tpu.memref_slice %arg8[%dma_start3A, %dma_start3A_5] : memref<80x128xi32, #tpu.memory_space<vmem>> -> memref<1x128xi32, #tpu.memory_space<vmem>>
    %dma_start3A_7 = tpu.memref_squeeze %dma_start3A_6 : memref<1x128xi32, #tpu.memory_space<vmem>> -> memref<128xi32, #tpu.memory_space<vmem>>
    %dma_start3A_8 = arith.constant 0 : i32
    %dma_start3A_9 = arith.constant 0 : i32
    %dma_start3A_10 = tpu.memref_slice %arg2[%dma_start3A_8, %dma_start3A_9] : memref<10000x128xf32, #tpu.memory_space<hbm>> -> memref<10000x128xf32, #tpu.memory_space<hbm>>
    tpu.enqueue_indirect_dma source(%dma_start3A_10 : memref<10000x128xf32, #tpu.memory_space<hbm>>) target(%arg11 : memref<128x128xf32, #tpu.memory_space<vmem>>) offsets(%dma_start3A_7 : memref<128xi32, #tpu.memory_space<vmem>>) semaphore(%arg14 : memref<!tpu.dma_semaphore, #tpu.memory_space<semaphore_mem>>)
    %dma_start3A_11 = arith.constant 0 : i32
    %dma_start3A_12 = arith.constant 0 : i32
    %dma_start3A_13 = arith.constant 0 : i32
    %dma_start3A_14 = tpu.memref_slice %arg9[%dma_start3A_12, %dma_start3A_13] : memref<2x128xi32, #tpu.memory_space<vmem>> -> memref<1x128xi32, #tpu.memory_space<vmem>>
    %dma_start3A_15 = tpu.memref_squeeze %dma_start3A_14 : memref<1x128xi32, #tpu.memory_space<vmem>> -> memref<128xi32, #tpu.memory_space<vmem>>
    %dma_start3A_16 = arith.constant 0 : i32
    %dma_start3A_17 = tpu.memref_slice %arg4[%add3A, %dma_start3A_11, %dma_start3A_16] : memref<32x80x128xi32, #tpu.memory_space<hbm>> -> memref<1x1x128xi32, #tpu.memory_space<hbm>>
    %dma_start3A_18 = tpu.memref_squeeze %dma_start3A_17 : memref<1x1x128xi32, #tpu.memory_space<hbm>> -> memref<128xi32, #tpu.memory_space<hbm>>
    %dma_start3A_19 = arith.constant 0 : i32
    %dma_start3A_20 = tpu.memref_slice %arg9[%dma_start3A_12, %dma_start3A_19] : memref<2x128xi32, #tpu.memory_space<vmem>> -> memref<1x128xi32, #tpu.memory_space<vmem>>
    %dma_start3A_21 = tpu.memref_squeeze %dma_start3A_20 : memref<1x128xi32, #tpu.memory_space<vmem>> -> memref<128xi32, #tpu.memory_space<vmem>>
    %dma_start3A_22 = arith.constant 0 : i32
    %dma_start3A_23 = tpu.memref_slice %arg4[%add3A, %dma_start3A_11, %dma_start3A_22] : memref<32x80x128xi32, #tpu.memory_space<hbm>> -> memref<1x1x128xi32, #tpu.memory_space<hbm>>
    %dma_start3A_24 = tpu.memref_squeeze %dma_start3A_23 : memref<1x1x128xi32, #tpu.memory_space<hbm>> -> memref<128xi32, #tpu.memory_space<hbm>>
    tpu.enqueue_dma source(%dma_start3A_24 : memref<128xi32, #tpu.memory_space<hbm>>) target(%dma_start3A_21 : memref<128xi32, #tpu.memory_space<vmem>>) target_semaphore(%arg16 : memref<!tpu.dma_semaphore, #tpu.memory_space<semaphore_mem>>)
    %scan3A = arith.constant 0 : i32
    %scan3A_25 = arith.constant 0 : i32
    %scan3A_26 = arith.constant 40 : i32
    %scan3A_27 = arith.addi %scan3A_25, %scan3A_26 : i32
    %scan3A_28 = arith.constant 1 : i32
    scf.for %scan3A_91 = %scan3A_25 to %scan3A_27 step %scan3A_28  : i32 {
      %mul3A_92 = arith.constant 2 : i32
      %mul3A_93 = arith.muli %mul3A_92, %scan3A_91 : i32
      %add3A_94 = arith.constant 1 : i32
      %add3A_95 = arith.addi %mul3A_93, %add3A_94 : i32
      %dma_start3A_96 = arith.constant 0 : i32
      %dma_start3A_97 = tpu.memref_slice %arg8[%add3A_95, %dma_start3A_96] : memref<80x128xi32, #tpu.memory_space<vmem>> -> memref<1x128xi32, #tpu.memory_space<vmem>>
      %dma_start3A_98 = tpu.memref_squeeze %dma_start3A_97 : memref<1x128xi32, #tpu.memory_space<vmem>> -> memref<128xi32, #tpu.memory_space<vmem>>
      %dma_start3A_99 = arith.constant 0 : i32
      %dma_start3A_100 = arith.constant 0 : i32
      %dma_start3A_101 = tpu.memref_slice %arg2[%dma_start3A_99, %dma_start3A_100] : memref<10000x128xf32, #tpu.memory_space<hbm>> -> memref<10000x128xf32, #tpu.memory_space<hbm>>
      tpu.enqueue_indirect_dma source(%dma_start3A_101 : memref<10000x128xf32, #tpu.memory_space<hbm>>) target(%arg12 : memref<128x128xf32, #tpu.memory_space<vmem>>) offsets(%dma_start3A_98 : memref<128xi32, #tpu.memory_space<vmem>>) semaphore(%arg15 : memref<!tpu.dma_semaphore, #tpu.memory_space<semaphore_mem>>)
      %add3A_102 = arith.constant 1 : i32
      %add3A_103 = arith.addi %mul3A_93, %add3A_102 : i32
      %dma_start3A_104 = arith.constant 1 : i32
      %dma_start3A_105 = arith.constant 0 : i32
      %dma_start3A_106 = tpu.memref_slice %arg9[%dma_start3A_104, %dma_start3A_105] : memref<2x128xi32, #tpu.memory_space<vmem>> -> memref<1x128xi32, #tpu.memory_space<vmem>>
      %dma_start3A_107 = tpu.memref_squeeze %dma_start3A_106 : memref<1x128xi32, #tpu.memory_space<vmem>> -> memref<128xi32, #tpu.memory_space<vmem>>
      %dma_start3A_108 = arith.constant 0 : i32
      %dma_start3A_109 = tpu.memref_slice %arg4[%add3A, %add3A_103, %dma_start3A_108] : memref<32x80x128xi32, #tpu.memory_space<hbm>> -> memref<1x1x128xi32, #tpu.memory_space<hbm>>
      %dma_start3A_110 = tpu.memref_squeeze %dma_start3A_109 : memref<1x1x128xi32, #tpu.memory_space<hbm>> -> memref<128xi32, #tpu.memory_space<hbm>>
      %dma_start3A_111 = arith.constant 0 : i32
      %dma_start3A_112 = tpu.memref_slice %arg9[%dma_start3A_104, %dma_start3A_111] : memref<2x128xi32, #tpu.memory_space<vmem>> -> memref<1x128xi32, #tpu.memory_space<vmem>>
      %dma_start3A_113 = tpu.memref_squeeze %dma_start3A_112 : memref<1x128xi32, #tpu.memory_space<vmem>> -> memref<128xi32, #tpu.memory_space<vmem>>
      %dma_start3A_114 = arith.constant 0 : i32
      %dma_start3A_115 = tpu.memref_slice %arg4[%add3A, %add3A_103, %dma_start3A_114] : memref<32x80x128xi32, #tpu.memory_space<hbm>> -> memref<1x1x128xi32, #tpu.memory_space<hbm>>
      %dma_start3A_116 = tpu.memref_squeeze %dma_start3A_115 : memref<1x1x128xi32, #tpu.memory_space<hbm>> -> memref<128xi32, #tpu.memory_space<hbm>>
      tpu.enqueue_dma source(%dma_start3A_116 : memref<128xi32, #tpu.memory_space<hbm>>) target(%dma_start3A_113 : memref<128xi32, #tpu.memory_space<vmem>>) target_semaphore(%arg17 : memref<!tpu.dma_semaphore, #tpu.memory_space<semaphore_mem>>)
      %dma_wait3A_117 = arith.constant 0 : i32
      %dma_wait3A_118 = arith.constant 0 : i32
      %dma_wait3A_119 = tpu.memref_slice %arg8[%dma_wait3A_117, %dma_wait3A_118] : memref<80x128xi32, #tpu.memory_space<vmem>> -> memref<1x128xi32, #tpu.memory_space<vmem>>
      %dma_wait3A_120 = tpu.memref_squeeze %dma_wait3A_119 : memref<1x128xi32, #tpu.memory_space<vmem>> -> memref<128xi32, #tpu.memory_space<vmem>>
      %dma_wait3A_121 = arith.constant 0 : i32
      %dma_wait3A_122 = arith.constant 0 : i32
      %dma_wait3A_123 = tpu.memref_slice %arg2[%dma_wait3A_121, %dma_wait3A_122] : memref<10000x128xf32, #tpu.memory_space<hbm>> -> memref<10000x128xf32, #tpu.memory_space<hbm>>
      tpu.wait_indirect_dma semaphore(%arg14 : memref<!tpu.dma_semaphore, #tpu.memory_space<semaphore_mem>>) src(%dma_wait3A_123 : memref<10000x128xf32, #tpu.memory_space<hbm>>) dst(%arg11 : memref<128x128xf32, #tpu.memory_space<vmem>>)
      %dma_wait3A_124 = arith.constant 0 : i32
      %dma_wait3A_125 = arith.constant 0 : i32
      %dma_wait3A_126 = arith.constant 0 : i32
      %dma_wait3A_127 = tpu.memref_slice %arg9[%dma_wait3A_125, %dma_wait3A_126] : memref<2x128xi32, #tpu.memory_space<vmem>> -> memref<1x128xi32, #tpu.memory_space<vmem>>
      %dma_wait3A_128 = tpu.memref_squeeze %dma_wait3A_127 : memref<1x128xi32, #tpu.memory_space<vmem>> -> memref<128xi32, #tpu.memory_space<vmem>>
      %dma_wait3A_129 = arith.constant 0 : i32
      %dma_wait3A_130 = tpu.memref_slice %arg4[%add3A, %dma_wait3A_124, %dma_wait3A_129] : memref<32x80x128xi32, #tpu.memory_space<hbm>> -> memref<1x1x128xi32, #tpu.memory_space<hbm>>
      %dma_wait3A_131 = tpu.memref_squeeze %dma_wait3A_130 : memref<1x1x128xi32, #tpu.memory_space<hbm>> -> memref<128xi32, #tpu.memory_space<hbm>>
      %dma_wait3A_132 = arith.constant 0 : i32
      %dma_wait3A_133 = tpu.memref_slice %arg9[%dma_wait3A_125, %dma_wait3A_132] : memref<2x128xi32, #tpu.memory_space<vmem>> -> memref<1x128xi32, #tpu.memory_space<vmem>>
      %dma_wait3A_134 = tpu.memref_squeeze %dma_wait3A_133 : memref<1x128xi32, #tpu.memory_space<vmem>> -> memref<128xi32, #tpu.memory_space<vmem>>
      %dma_wait3A_135 = arith.constant 0 : i32
      %dma_wait3A_136 = tpu.memref_slice %arg4[%add3A, %dma_wait3A_124, %dma_wait3A_135] : memref<32x80x128xi32, #tpu.memory_space<hbm>> -> memref<1x1x128xi32, #tpu.memory_space<hbm>>
      %dma_wait3A_137 = tpu.memref_squeeze %dma_wait3A_136 : memref<1x1x128xi32, #tpu.memory_space<hbm>> -> memref<128xi32, #tpu.memory_space<hbm>>
      tpu.wait_dma2 semaphore(%arg16 : memref<!tpu.dma_semaphore, #tpu.memory_space<semaphore_mem>>) src(%dma_wait3A_137 : memref<128xi32, #tpu.memory_space<hbm>>) dst(%dma_wait3A_134 : memref<128xi32, #tpu.memory_space<vmem>>)
      %run_scoped3A_138 = arith.constant 0 : i32
      "tpu.region"() ({
        %run_scoped3A_191 = tpu.sem_alloc : memref<!tpu.dma_semaphore, #tpu.memory_space<semaphore_mem>>
        %dma_start3A_192 = arith.constant 0 : i32
        %dma_start3A_193 = tpu.memref_slice %arg9[%run_scoped3A_138, %dma_start3A_192] : memref<2x128xi32, #tpu.memory_space<vmem>> -> memref<1x128xi32, #tpu.memory_space<vmem>>
        %dma_start3A_194 = tpu.memref_squeeze %dma_start3A_193 : memref<1x128xi32, #tpu.memory_space<vmem>> -> memref<128xi32, #tpu.memory_space<vmem>>
        %dma_start3A_195 = arith.constant 0 : i32
        %dma_start3A_196 = arith.constant 0 : i32
        %dma_start3A_197 = tpu.memref_slice %arg13[%dma_start3A_195, %dma_start3A_196] : memref<10240x128xf32, #tpu.memory_space<vmem_shared>> -> memref<10240x128xf32, #tpu.memory_space<vmem_shared>>
        tpu.enqueue_indirect_dma source(%arg11 : memref<128x128xf32, #tpu.memory_space<vmem>>) target(%dma_start3A_197 : memref<10240x128xf32, #tpu.memory_space<vmem_shared>>) offsets(%dma_start3A_194 : memref<128xi32, #tpu.memory_space<vmem>>) semaphore(%run_scoped3A_191 : memref<!tpu.dma_semaphore, #tpu.memory_space<semaphore_mem>>) {add = true}
        %dma_wait3A_198 = arith.constant 0 : i32
        %dma_wait3A_199 = tpu.memref_slice %arg9[%run_scoped3A_138, %dma_wait3A_198] : memref<2x128xi32, #tpu.memory_space<vmem>> -> memref<1x128xi32, #tpu.memory_space<vmem>>
        %dma_wait3A_200 = tpu.memref_squeeze %dma_wait3A_199 : memref<1x128xi32, #tpu.memory_space<vmem>> -> memref<128xi32, #tpu.memory_space<vmem>>
        %dma_wait3A_201 = arith.constant 0 : i32
        %dma_wait3A_202 = arith.constant 0 : i32
        %dma_wait3A_203 = tpu.memref_slice %arg13[%dma_wait3A_201, %dma_wait3A_202] : memref<10240x128xf32, #tpu.memory_space<vmem_shared>> -> memref<10240x128xf32, #tpu.memory_space<vmem_shared>>
        tpu.wait_indirect_dma semaphore(%run_scoped3A_191 : memref<!tpu.dma_semaphore, #tpu.memory_space<semaphore_mem>>) src(%arg11 : memref<128x128xf32, #tpu.memory_space<vmem>>) dst(%dma_wait3A_203 : memref<10240x128xf32, #tpu.memory_space<vmem_shared>>)
        tpu.yield
      }) : () -> ()
      %add3A_139 = arith.constant 2 : i32
      %add3A_140 = arith.addi %mul3A_93, %add3A_139 : i32
      %jit3A = arith.constant 80 : i32
      %eq3A = arith.constant 0 : i32
      %eq3A_141 = arith.cmpi eq, %jit3A, %eq3A : i32
      %jit3A_142 = arith.constant 1 : i32
      %select_n3A = arith.select %eq3A_141, %jit3A_142, %jit3A : i32
      %rem3A = arith.remsi %add3A_140, %select_n3A : i32
      %ne3A = arith.constant 0 : i32
      %ne3A_143 = arith.cmpi ne, %rem3A, %ne3A : i32
      %lt3A = arith.constant 0 : i32
      %lt3A_144 = arith.cmpi slt, %rem3A, %lt3A : i32
      %lt3A_145 = arith.constant 0 : i32
      %lt3A_146 = arith.cmpi slt, %select_n3A, %lt3A_145 : i32
      %ne3A_147 = arith.xori %lt3A_144, %lt3A_146 : i1
      %and3A = arith.andi %ne3A_147, %ne3A_143 : i1
      %add3A_148 = arith.addi %rem3A, %select_n3A : i32
      %select_n3A_149 = arith.select %and3A, %add3A_148, %rem3A : i32
      %dma_start3A_150 = arith.constant 0 : i32
      %dma_start3A_151 = tpu.memref_slice %arg8[%select_n3A_149, %dma_start3A_150] : memref<80x128xi32, #tpu.memory_space<vmem>> -> memref<1x128xi32, #tpu.memory_space<vmem>>
      %dma_start3A_152 = tpu.memref_squeeze %dma_start3A_151 : memref<1x128xi32, #tpu.memory_space<vmem>> -> memref<128xi32, #tpu.memory_space<vmem>>
      %dma_start3A_153 = arith.constant 0 : i32
      %dma_start3A_154 = arith.constant 0 : i32
      %dma_start3A_155 = tpu.memref_slice %arg2[%dma_start3A_153, %dma_start3A_154] : memref<10000x128xf32, #tpu.memory_space<hbm>> -> memref<10000x128xf32, #tpu.memory_space<hbm>>
      tpu.enqueue_indirect_dma source(%dma_start3A_155 : memref<10000x128xf32, #tpu.memory_space<hbm>>) target(%arg11 : memref<128x128xf32, #tpu.memory_space<vmem>>) offsets(%dma_start3A_152 : memref<128xi32, #tpu.memory_space<vmem>>) semaphore(%arg14 : memref<!tpu.dma_semaphore, #tpu.memory_space<semaphore_mem>>)
      %dma_start3A_156 = arith.constant 0 : i32
      %dma_start3A_157 = arith.constant 0 : i32
      %dma_start3A_158 = tpu.memref_slice %arg9[%dma_start3A_156, %dma_start3A_157] : memref<2x128xi32, #tpu.memory_space<vmem>> -> memref<1x128xi32, #tpu.memory_space<vmem>>
      %dma_start3A_159 = tpu.memref_squeeze %dma_start3A_158 : memref<1x128xi32, #tpu.memory_space<vmem>> -> memref<128xi32, #tpu.memory_space<vmem>>
      %dma_start3A_160 = arith.constant 0 : i32
      %dma_start3A_161 = tpu.memref_slice %arg4[%add3A, %select_n3A_149, %dma_start3A_160] : memref<32x80x128xi32, #tpu.memory_space<hbm>> -> memref<1x1x128xi32, #tpu.memory_space<hbm>>
      %dma_start3A_162 = tpu.memref_squeeze %dma_start3A_161 : memref<1x1x128xi32, #tpu.memory_space<hbm>> -> memref<128xi32, #tpu.memory_space<hbm>>
      %dma_start3A_163 = arith.constant 0 : i32
      %dma_start3A_164 = tpu.memref_slice %arg9[%dma_start3A_156, %dma_start3A_163] : memref<2x128xi32, #tpu.memory_space<vmem>> -> memref<1x128xi32, #tpu.memory_space<vmem>>
      %dma_start3A_165 = tpu.memref_squeeze %dma_start3A_164 : memref<1x128xi32, #tpu.memory_space<vmem>> -> memref<128xi32, #tpu.memory_space<vmem>>
      %dma_start3A_166 = arith.constant 0 : i32
      %dma_start3A_167 = tpu.memref_slice %arg4[%add3A, %select_n3A_149, %dma_start3A_166] : memref<32x80x128xi32, #tpu.memory_space<hbm>> -> memref<1x1x128xi32, #tpu.memory_space<hbm>>
      %dma_start3A_168 = tpu.memref_squeeze %dma_start3A_167 : memref<1x1x128xi32, #tpu.memory_space<hbm>> -> memref<128xi32, #tpu.memory_space<hbm>>
      tpu.enqueue_dma source(%dma_start3A_168 : memref<128xi32, #tpu.memory_space<hbm>>) target(%dma_start3A_165 : memref<128xi32, #tpu.memory_space<vmem>>) target_semaphore(%arg16 : memref<!tpu.dma_semaphore, #tpu.memory_space<semaphore_mem>>)
      %dma_wait3A_169 = arith.constant 0 : i32
      %dma_wait3A_170 = arith.constant 0 : i32
      %dma_wait3A_171 = tpu.memref_slice %arg8[%dma_wait3A_169, %dma_wait3A_170] : memref<80x128xi32, #tpu.memory_space<vmem>> -> memref<1x128xi32, #tpu.memory_space<vmem>>
      %dma_wait3A_172 = tpu.memref_squeeze %dma_wait3A_171 : memref<1x128xi32, #tpu.memory_space<vmem>> -> memref<128xi32, #tpu.memory_space<vmem>>
      %dma_wait3A_173 = arith.constant 0 : i32
      %dma_wait3A_174 = arith.constant 0 : i32
      %dma_wait3A_175 = tpu.memref_slice %arg2[%dma_wait3A_173, %dma_wait3A_174] : memref<10000x128xf32, #tpu.memory_space<hbm>> -> memref<10000x128xf32, #tpu.memory_space<hbm>>
      tpu.wait_indirect_dma semaphore(%arg15 : memref<!tpu.dma_semaphore, #tpu.memory_space<semaphore_mem>>) src(%dma_wait3A_175 : memref<10000x128xf32, #tpu.memory_space<hbm>>) dst(%arg12 : memref<128x128xf32, #tpu.memory_space<vmem>>)
      %dma_wait3A_176 = arith.constant 0 : i32
      %dma_wait3A_177 = arith.constant 1 : i32
      %dma_wait3A_178 = arith.constant 0 : i32
      %dma_wait3A_179 = tpu.memref_slice %arg9[%dma_wait3A_177, %dma_wait3A_178] : memref<2x128xi32, #tpu.memory_space<vmem>> -> memref<1x128xi32, #tpu.memory_space<vmem>>
      %dma_wait3A_180 = tpu.memref_squeeze %dma_wait3A_179 : memref<1x128xi32, #tpu.memory_space<vmem>> -> memref<128xi32, #tpu.memory_space<vmem>>
      %dma_wait3A_181 = arith.constant 0 : i32
      %dma_wait3A_182 = tpu.memref_slice %arg4[%add3A, %dma_wait3A_176, %dma_wait3A_181] : memref<32x80x128xi32, #tpu.memory_space<hbm>> -> memref<1x1x128xi32, #tpu.memory_space<hbm>>
      %dma_wait3A_183 = tpu.memref_squeeze %dma_wait3A_182 : memref<1x1x128xi32, #tpu.memory_space<hbm>> -> memref<128xi32, #tpu.memory_space<hbm>>
      %dma_wait3A_184 = arith.constant 0 : i32
      %dma_wait3A_185 = tpu.memref_slice %arg9[%dma_wait3A_177, %dma_wait3A_184] : memref<2x128xi32, #tpu.memory_space<vmem>> -> memref<1x128xi32, #tpu.memory_space<vmem>>
      %dma_wait3A_186 = tpu.memref_squeeze %dma_wait3A_185 : memref<1x128xi32, #tpu.memory_space<vmem>> -> memref<128xi32, #tpu.memory_space<vmem>>
      %dma_wait3A_187 = arith.constant 0 : i32
      %dma_wait3A_188 = tpu.memref_slice %arg4[%add3A, %dma_wait3A_176, %dma_wait3A_187] : memref<32x80x128xi32, #tpu.memory_space<hbm>> -> memref<1x1x128xi32, #tpu.memory_space<hbm>>
      %dma_wait3A_189 = tpu.memref_squeeze %dma_wait3A_188 : memref<1x1x128xi32, #tpu.memory_space<hbm>> -> memref<128xi32, #tpu.memory_space<hbm>>
      tpu.wait_dma2 semaphore(%arg17 : memref<!tpu.dma_semaphore, #tpu.memory_space<semaphore_mem>>) src(%dma_wait3A_189 : memref<128xi32, #tpu.memory_space<hbm>>) dst(%dma_wait3A_186 : memref<128xi32, #tpu.memory_space<vmem>>)
      %run_scoped3A_190 = arith.constant 1 : i32
      "tpu.region"() ({
        %run_scoped3A_191 = tpu.sem_alloc : memref<!tpu.dma_semaphore, #tpu.memory_space<semaphore_mem>>
        %dma_start3A_192 = arith.constant 0 : i32
        %dma_start3A_193 = tpu.memref_slice %arg9[%run_scoped3A_190, %dma_start3A_192] : memref<2x128xi32, #tpu.memory_space<vmem>> -> memref<1x128xi32, #tpu.memory_space<vmem>>
        %dma_start3A_194 = tpu.memref_squeeze %dma_start3A_193 : memref<1x128xi32, #tpu.memory_space<vmem>> -> memref<128xi32, #tpu.memory_space<vmem>>
        %dma_start3A_195 = arith.constant 0 : i32
        %dma_start3A_196 = arith.constant 0 : i32
        %dma_start3A_197 = tpu.memref_slice %arg13[%dma_start3A_195, %dma_start3A_196] : memref<10240x128xf32, #tpu.memory_space<vmem_shared>> -> memref<10240x128xf32, #tpu.memory_space<vmem_shared>>
        tpu.enqueue_indirect_dma source(%arg12 : memref<128x128xf32, #tpu.memory_space<vmem>>) target(%dma_start3A_197 : memref<10240x128xf32, #tpu.memory_space<vmem_shared>>) offsets(%dma_start3A_194 : memref<128xi32, #tpu.memory_space<vmem>>) semaphore(%run_scoped3A_191 : memref<!tpu.dma_semaphore, #tpu.memory_space<semaphore_mem>>) {add = true}
        %dma_wait3A_198 = arith.constant 0 : i32
        %dma_wait3A_199 = tpu.memref_slice %arg9[%run_scoped3A_190, %dma_wait3A_198] : memref<2x128xi32, #tpu.memory_space<vmem>> -> memref<1x128xi32, #tpu.memory_space<vmem>>
        %dma_wait3A_200 = tpu.memref_squeeze %dma_wait3A_199 : memref<1x128xi32, #tpu.memory_space<vmem>> -> memref<128xi32, #tpu.memory_space<vmem>>
        %dma_wait3A_201 = arith.constant 0 : i32
        %dma_wait3A_202 = arith.constant 0 : i32
        %dma_wait3A_203 = tpu.memref_slice %arg13[%dma_wait3A_201, %dma_wait3A_202] : memref<10240x128xf32, #tpu.memory_space<vmem_shared>> -> memref<10240x128xf32, #tpu.memory_space<vmem_shared>>
        tpu.wait_indirect_dma semaphore(%run_scoped3A_191 : memref<!tpu.dma_semaphore, #tpu.memory_space<semaphore_mem>>) src(%arg12 : memref<128x128xf32, #tpu.memory_space<vmem>>) dst(%dma_wait3A_203 : memref<10240x128xf32, #tpu.memory_space<vmem_shared>>)
        tpu.yield
      }) : () -> ()
    }
    %scan3A_29 = arith.constant 40 : i32
    %dma_wait3A = arith.constant 0 : i32
    %dma_wait3A_30 = arith.constant 0 : i32
    %dma_wait3A_31 = tpu.memref_slice %arg8[%dma_wait3A, %dma_wait3A_30] : memref<80x128xi32, #tpu.memory_space<vmem>> -> memref<1x128xi32, #tpu.memory_space<vmem>>
    %dma_wait3A_32 = tpu.memref_squeeze %dma_wait3A_31 : memref<1x128xi32, #tpu.memory_space<vmem>> -> memref<128xi32, #tpu.memory_space<vmem>>
    %dma_wait3A_33 = arith.constant 0 : i32
    %dma_wait3A_34 = arith.constant 0 : i32
    %dma_wait3A_35 = tpu.memref_slice %arg2[%dma_wait3A_33, %dma_wait3A_34] : memref<10000x128xf32, #tpu.memory_space<hbm>> -> memref<10000x128xf32, #tpu.memory_space<hbm>>
    tpu.wait_indirect_dma semaphore(%arg14 : memref<!tpu.dma_semaphore, #tpu.memory_space<semaphore_mem>>) src(%dma_wait3A_35 : memref<10000x128xf32, #tpu.memory_space<hbm>>) dst(%arg11 : memref<128x128xf32, #tpu.memory_space<vmem>>)
    %dma_wait3A_36 = arith.constant 0 : i32
    %dma_wait3A_37 = arith.constant 0 : i32
    %dma_wait3A_38 = arith.constant 0 : i32
    %dma_wait3A_39 = tpu.memref_slice %arg9[%dma_wait3A_37, %dma_wait3A_38] : memref<2x128xi32, #tpu.memory_space<vmem>> -> memref<1x128xi32, #tpu.memory_space<vmem>>
    %dma_wait3A_40 = tpu.memref_squeeze %dma_wait3A_39 : memref<1x128xi32, #tpu.memory_space<vmem>> -> memref<128xi32, #tpu.memory_space<vmem>>
    %dma_wait3A_41 = arith.constant 0 : i32
    %dma_wait3A_42 = tpu.memref_slice %arg4[%add3A, %dma_wait3A_36, %dma_wait3A_41] : memref<32x80x128xi32, #tpu.memory_space<hbm>> -> memref<1x1x128xi32, #tpu.memory_space<hbm>>
    %dma_wait3A_43 = tpu.memref_squeeze %dma_wait3A_42 : memref<1x1x128xi32, #tpu.memory_space<hbm>> -> memref<128xi32, #tpu.memory_space<hbm>>
    %dma_wait3A_44 = arith.constant 0 : i32
    %dma_wait3A_45 = tpu.memref_slice %arg9[%dma_wait3A_37, %dma_wait3A_44] : memref<2x128xi32, #tpu.memory_space<vmem>> -> memref<1x128xi32, #tpu.memory_space<vmem>>
    %dma_wait3A_46 = tpu.memref_squeeze %dma_wait3A_45 : memref<1x128xi32, #tpu.memory_space<vmem>> -> memref<128xi32, #tpu.memory_space<vmem>>
    %dma_wait3A_47 = arith.constant 0 : i32
    %dma_wait3A_48 = tpu.memref_slice %arg4[%add3A, %dma_wait3A_36, %dma_wait3A_47] : memref<32x80x128xi32, #tpu.memory_space<hbm>> -> memref<1x1x128xi32, #tpu.memory_space<hbm>>
    %dma_wait3A_49 = tpu.memref_squeeze %dma_wait3A_48 : memref<1x1x128xi32, #tpu.memory_space<hbm>> -> memref<128xi32, #tpu.memory_space<hbm>>
    tpu.wait_dma2 semaphore(%arg16 : memref<!tpu.dma_semaphore, #tpu.memory_space<semaphore_mem>>) src(%dma_wait3A_49 : memref<128xi32, #tpu.memory_space<hbm>>) dst(%dma_wait3A_46 : memref<128xi32, #tpu.memory_space<vmem>>)
    %barrier3A_50 = arith.constant 0 : index
    tpu.barrier barrier_id(%barrier3A_50)
    %run_scoped3A_51 = arith.constant 0 : i32
    "tpu.region"() ({
      %run_scoped3A_91 = tpu.sem_alloc : memref<!tpu.dma_semaphore, #tpu.memory_space<semaphore_mem>>
      %dma_start3A_92 = arith.constant 0 : i32
      %dma_start3A_93 = tpu.memref_slice %arg10[%run_scoped3A_51, %dma_start3A_92] : memref<5x128xi32, #tpu.memory_space<vmem>> -> memref<1x128xi32, #tpu.memory_space<vmem>>
      %dma_start3A_94 = tpu.memref_squeeze %dma_start3A_93 : memref<1x128xi32, #tpu.memory_space<vmem>> -> memref<128xi32, #tpu.memory_space<vmem>>
      %dma_start3A_95 = arith.constant 0 : i32
      %dma_start3A_96 = arith.constant 0 : i32
      %dma_start3A_97 = tpu.memref_slice %arg13[%dma_start3A_95, %dma_start3A_96] : memref<10240x128xf32, #tpu.memory_space<vmem_shared>> -> memref<10240x128xf32, #tpu.memory_space<vmem_shared>>
      tpu.enqueue_indirect_dma source(%dma_start3A_97 : memref<10240x128xf32, #tpu.memory_space<vmem_shared>>) target(%arg11 : memref<128x128xf32, #tpu.memory_space<vmem>>) offsets(%dma_start3A_94 : memref<128xi32, #tpu.memory_space<vmem>>) semaphore(%run_scoped3A_91 : memref<!tpu.dma_semaphore, #tpu.memory_space<semaphore_mem>>)
      %dma_wait3A_98 = arith.constant 0 : i32
      %dma_wait3A_99 = tpu.memref_slice %arg10[%run_scoped3A_51, %dma_wait3A_98] : memref<5x128xi32, #tpu.memory_space<vmem>> -> memref<1x128xi32, #tpu.memory_space<vmem>>
      %dma_wait3A_100 = tpu.memref_squeeze %dma_wait3A_99 : memref<1x128xi32, #tpu.memory_space<vmem>> -> memref<128xi32, #tpu.memory_space<vmem>>
      %dma_wait3A_101 = arith.constant 0 : i32
      %dma_wait3A_102 = arith.constant 0 : i32
      %dma_wait3A_103 = tpu.memref_slice %arg13[%dma_wait3A_101, %dma_wait3A_102] : memref<10240x128xf32, #tpu.memory_space<vmem_shared>> -> memref<10240x128xf32, #tpu.memory_space<vmem_shared>>
      tpu.wait_indirect_dma semaphore(%run_scoped3A_91 : memref<!tpu.dma_semaphore, #tpu.memory_space<semaphore_mem>>) src(%dma_wait3A_103 : memref<10240x128xf32, #tpu.memory_space<vmem_shared>>) dst(%arg11 : memref<128x128xf32, #tpu.memory_space<vmem>>)
      tpu.yield
    }) : () -> ()
    %mul3A_52 = arith.constant 10240 : i32
    %mul3A_53 = arith.muli %arg0, %mul3A_52 : i32
    %mul3A_54 = arith.constant 640 : i32
    %mul3A_55 = arith.muli %arg1, %mul3A_54 : i32
    %add3A_56 = arith.addi %mul3A_53, %mul3A_55 : i32
    %add3A_57 = arith.constant 0 : i32
    %add3A_58 = arith.addi %add3A_56, %add3A_57 : i32
    "tpu.region"() ({
      %run_scoped3A_91 = tpu.sem_alloc : memref<!tpu.dma_semaphore, #tpu.memory_space<semaphore_mem>>
      %dma_start3A_92 = arith.constant 0 : i32
      %dma_start3A_93 = tpu.memref_slice %arg7[%add3A_58, %dma_start3A_92] : memref<20480x128xf32, #tpu.memory_space<hbm>> -> memref<128x128xf32, #tpu.memory_space<hbm>>
      %dma_start3A_94 = arith.constant 0 : i32
      %dma_start3A_95 = tpu.memref_slice %arg7[%add3A_58, %dma_start3A_94] : memref<20480x128xf32, #tpu.memory_space<hbm>> -> memref<128x128xf32, #tpu.memory_space<hbm>>
      tpu.enqueue_dma source(%arg11 : memref<128x128xf32, #tpu.memory_space<vmem>>) target(%dma_start3A_95 : memref<128x128xf32, #tpu.memory_space<hbm>>) target_semaphore(%run_scoped3A_91 : memref<!tpu.dma_semaphore, #tpu.memory_space<semaphore_mem>>)
      %dma_wait3A_96 = arith.constant 0 : i32
      %dma_wait3A_97 = tpu.memref_slice %arg7[%add3A_58, %dma_wait3A_96] : memref<20480x128xf32, #tpu.memory_space<hbm>> -> memref<128x128xf32, #tpu.memory_space<hbm>>
      %dma_wait3A_98 = arith.constant 0 : i32
      %dma_wait3A_99 = tpu.memref_slice %arg7[%add3A_58, %dma_wait3A_98] : memref<20480x128xf32, #tpu.memory_space<hbm>> -> memref<128x128xf32, #tpu.memory_space<hbm>>
      tpu.wait_dma2 semaphore(%run_scoped3A_91 : memref<!tpu.dma_semaphore, #tpu.memory_space<semaphore_mem>>) src(%arg11 : memref<128x128xf32, #tpu.memory_space<vmem>>) dst(%dma_wait3A_99 : memref<128x128xf32, #tpu.memory_space<hbm>>)
      tpu.yield
    }) : () -> ()
    %run_scoped3A_59 = arith.constant 1 : i32
    "tpu.region"() ({
      %run_scoped3A_91 = tpu.sem_alloc : memref<!tpu.dma_semaphore, #tpu.memory_space<semaphore_mem>>
      %dma_start3A_92 = arith.constant 0 : i32
      %dma_start3A_93 = tpu.memref_slice %arg10[%run_scoped3A_59, %dma_start3A_92] : memref<5x128xi32, #tpu.memory_space<vmem>> -> memref<1x128xi32, #tpu.memory_space<vmem>>
      %dma_start3A_94 = tpu.memref_squeeze %dma_start3A_93 : memref<1x128xi32, #tpu.memory_space<vmem>> -> memref<128xi32, #tpu.memory_space<vmem>>
      %dma_start3A_95 = arith.constant 0 : i32
      %dma_start3A_96 = arith.constant 0 : i32
      %dma_start3A_97 = tpu.memref_slice %arg13[%dma_start3A_95, %dma_start3A_96] : memref<10240x128xf32, #tpu.memory_space<vmem_shared>> -> memref<10240x128xf32, #tpu.memory_space<vmem_shared>>
      tpu.enqueue_indirect_dma source(%dma_start3A_97 : memref<10240x128xf32, #tpu.memory_space<vmem_shared>>) target(%arg11 : memref<128x128xf32, #tpu.memory_space<vmem>>) offsets(%dma_start3A_94 : memref<128xi32, #tpu.memory_space<vmem>>) semaphore(%run_scoped3A_91 : memref<!tpu.dma_semaphore, #tpu.memory_space<semaphore_mem>>)
      %dma_wait3A_98 = arith.constant 0 : i32
      %dma_wait3A_99 = tpu.memref_slice %arg10[%run_scoped3A_59, %dma_wait3A_98] : memref<5x128xi32, #tpu.memory_space<vmem>> -> memref<1x128xi32, #tpu.memory_space<vmem>>
      %dma_wait3A_100 = tpu.memref_squeeze %dma_wait3A_99 : memref<1x128xi32, #tpu.memory_space<vmem>> -> memref<128xi32, #tpu.memory_space<vmem>>
      %dma_wait3A_101 = arith.constant 0 : i32
      %dma_wait3A_102 = arith.constant 0 : i32
      %dma_wait3A_103 = tpu.memref_slice %arg13[%dma_wait3A_101, %dma_wait3A_102] : memref<10240x128xf32, #tpu.memory_space<vmem_shared>> -> memref<10240x128xf32, #tpu.memory_space<vmem_shared>>
      tpu.wait_indirect_dma semaphore(%run_scoped3A_91 : memref<!tpu.dma_semaphore, #tpu.memory_space<semaphore_mem>>) src(%dma_wait3A_103 : memref<10240x128xf32, #tpu.memory_space<vmem_shared>>) dst(%arg11 : memref<128x128xf32, #tpu.memory_space<vmem>>)
      tpu.yield
    }) : () -> ()
    %mul3A_60 = arith.constant 10240 : i32
    %mul3A_61 = arith.muli %arg0, %mul3A_60 : i32
    %mul3A_62 = arith.constant 640 : i32
    %mul3A_63 = arith.muli %arg1, %mul3A_62 : i32
    %add3A_64 = arith.addi %mul3A_61, %mul3A_63 : i32
    %add3A_65 = arith.constant 128 : i32
    %add3A_66 = arith.addi %add3A_64, %add3A_65 : i32
    "tpu.region"() ({
      %run_scoped3A_91 = tpu.sem_alloc : memref<!tpu.dma_semaphore, #tpu.memory_space<semaphore_mem>>
      %dma_start3A_92 = arith.constant 0 : i32
      %dma_start3A_93 = tpu.memref_slice %arg7[%add3A_66, %dma_start3A_92] : memref<20480x128xf32, #tpu.memory_space<hbm>> -> memref<128x128xf32, #tpu.memory_space<hbm>>
      %dma_start3A_94 = arith.constant 0 : i32
      %dma_start3A_95 = tpu.memref_slice %arg7[%add3A_66, %dma_start3A_94] : memref<20480x128xf32, #tpu.memory_space<hbm>> -> memref<128x128xf32, #tpu.memory_space<hbm>>
      tpu.enqueue_dma source(%arg11 : memref<128x128xf32, #tpu.memory_space<vmem>>) target(%dma_start3A_95 : memref<128x128xf32, #tpu.memory_space<hbm>>) target_semaphore(%run_scoped3A_91 : memref<!tpu.dma_semaphore, #tpu.memory_space<semaphore_mem>>)
      %dma_wait3A_96 = arith.constant 0 : i32
      %dma_wait3A_97 = tpu.memref_slice %arg7[%add3A_66, %dma_wait3A_96] : memref<20480x128xf32, #tpu.memory_space<hbm>> -> memref<128x128xf32, #tpu.memory_space<hbm>>
      %dma_wait3A_98 = arith.constant 0 : i32
      %dma_wait3A_99 = tpu.memref_slice %arg7[%add3A_66, %dma_wait3A_98] : memref<20480x128xf32, #tpu.memory_space<hbm>> -> memref<128x128xf32, #tpu.memory_space<hbm>>
      tpu.wait_dma2 semaphore(%run_scoped3A_91 : memref<!tpu.dma_semaphore, #tpu.memory_space<semaphore_mem>>) src(%arg11 : memref<128x128xf32, #tpu.memory_space<vmem>>) dst(%dma_wait3A_99 : memref<128x128xf32, #tpu.memory_space<hbm>>)
      tpu.yield
    }) : () -> ()
    %run_scoped3A_67 = arith.constant 2 : i32
    "tpu.region"() ({
      %run_scoped3A_91 = tpu.sem_alloc : memref<!tpu.dma_semaphore, #tpu.memory_space<semaphore_mem>>
      %dma_start3A_92 = arith.constant 0 : i32
      %dma_start3A_93 = tpu.memref_slice %arg10[%run_scoped3A_67, %dma_start3A_92] : memref<5x128xi32, #tpu.memory_space<vmem>> -> memref<1x128xi32, #tpu.memory_space<vmem>>
      %dma_start3A_94 = tpu.memref_squeeze %dma_start3A_93 : memref<1x128xi32, #tpu.memory_space<vmem>> -> memref<128xi32, #tpu.memory_space<vmem>>
      %dma_start3A_95 = arith.constant 0 : i32
      %dma_start3A_96 = arith.constant 0 : i32
      %dma_start3A_97 = tpu.memref_slice %arg13[%dma_start3A_95, %dma_start3A_96] : memref<10240x128xf32, #tpu.memory_space<vmem_shared>> -> memref<10240x128xf32, #tpu.memory_space<vmem_shared>>
      tpu.enqueue_indirect_dma source(%dma_start3A_97 : memref<10240x128xf32, #tpu.memory_space<vmem_shared>>) target(%arg11 : memref<128x128xf32, #tpu.memory_space<vmem>>) offsets(%dma_start3A_94 : memref<128xi32, #tpu.memory_space<vmem>>) semaphore(%run_scoped3A_91 : memref<!tpu.dma_semaphore, #tpu.memory_space<semaphore_mem>>)
      %dma_wait3A_98 = arith.constant 0 : i32
      %dma_wait3A_99 = tpu.memref_slice %arg10[%run_scoped3A_67, %dma_wait3A_98] : memref<5x128xi32, #tpu.memory_space<vmem>> -> memref<1x128xi32, #tpu.memory_space<vmem>>
      %dma_wait3A_100 = tpu.memref_squeeze %dma_wait3A_99 : memref<1x128xi32, #tpu.memory_space<vmem>> -> memref<128xi32, #tpu.memory_space<vmem>>
      %dma_wait3A_101 = arith.constant 0 : i32
      %dma_wait3A_102 = arith.constant 0 : i32
      %dma_wait3A_103 = tpu.memref_slice %arg13[%dma_wait3A_101, %dma_wait3A_102] : memref<10240x128xf32, #tpu.memory_space<vmem_shared>> -> memref<10240x128xf32, #tpu.memory_space<vmem_shared>>
      tpu.wait_indirect_dma semaphore(%run_scoped3A_91 : memref<!tpu.dma_semaphore, #tpu.memory_space<semaphore_mem>>) src(%dma_wait3A_103 : memref<10240x128xf32, #tpu.memory_space<vmem_shared>>) dst(%arg11 : memref<128x128xf32, #tpu.memory_space<vmem>>)
      tpu.yield
    }) : () -> ()
    %mul3A_68 = arith.constant 10240 : i32
    %mul3A_69 = arith.muli %arg0, %mul3A_68 : i32
    %mul3A_70 = arith.constant 640 : i32
    %mul3A_71 = arith.muli %arg1, %mul3A_70 : i32
    %add3A_72 = arith.addi %mul3A_69, %mul3A_71 : i32
    %add3A_73 = arith.constant 256 : i32
    %add3A_74 = arith.addi %add3A_72, %add3A_73 : i32
    "tpu.region"() ({
      %run_scoped3A_91 = tpu.sem_alloc : memref<!tpu.dma_semaphore, #tpu.memory_space<semaphore_mem>>
      %dma_start3A_92 = arith.constant 0 : i32
      %dma_start3A_93 = tpu.memref_slice %arg7[%add3A_74, %dma_start3A_92] : memref<20480x128xf32, #tpu.memory_space<hbm>> -> memref<128x128xf32, #tpu.memory_space<hbm>>
      %dma_start3A_94 = arith.constant 0 : i32
      %dma_start3A_95 = tpu.memref_slice %arg7[%add3A_74, %dma_start3A_94] : memref<20480x128xf32, #tpu.memory_space<hbm>> -> memref<128x128xf32, #tpu.memory_space<hbm>>
      tpu.enqueue_dma source(%arg11 : memref<128x128xf32, #tpu.memory_space<vmem>>) target(%dma_start3A_95 : memref<128x128xf32, #tpu.memory_space<hbm>>) target_semaphore(%run_scoped3A_91 : memref<!tpu.dma_semaphore, #tpu.memory_space<semaphore_mem>>)
      %dma_wait3A_96 = arith.constant 0 : i32
      %dma_wait3A_97 = tpu.memref_slice %arg7[%add3A_74, %dma_wait3A_96] : memref<20480x128xf32, #tpu.memory_space<hbm>> -> memref<128x128xf32, #tpu.memory_space<hbm>>
      %dma_wait3A_98 = arith.constant 0 : i32
      %dma_wait3A_99 = tpu.memref_slice %arg7[%add3A_74, %dma_wait3A_98] : memref<20480x128xf32, #tpu.memory_space<hbm>> -> memref<128x128xf32, #tpu.memory_space<hbm>>
      tpu.wait_dma2 semaphore(%run_scoped3A_91 : memref<!tpu.dma_semaphore, #tpu.memory_space<semaphore_mem>>) src(%arg11 : memref<128x128xf32, #tpu.memory_space<vmem>>) dst(%dma_wait3A_99 : memref<128x128xf32, #tpu.memory_space<hbm>>)
      tpu.yield
    }) : () -> ()
    %run_scoped3A_75 = arith.constant 3 : i32
    "tpu.region"() ({
      %run_scoped3A_91 = tpu.sem_alloc : memref<!tpu.dma_semaphore, #tpu.memory_space<semaphore_mem>>
      %dma_start3A_92 = arith.constant 0 : i32
      %dma_start3A_93 = tpu.memref_slice %arg10[%run_scoped3A_75, %dma_start3A_92] : memref<5x128xi32, #tpu.memory_space<vmem>> -> memref<1x128xi32, #tpu.memory_space<vmem>>
      %dma_start3A_94 = tpu.memref_squeeze %dma_start3A_93 : memref<1x128xi32, #tpu.memory_space<vmem>> -> memref<128xi32, #tpu.memory_space<vmem>>
      %dma_start3A_95 = arith.constant 0 : i32
      %dma_start3A_96 = arith.constant 0 : i32
      %dma_start3A_97 = tpu.memref_slice %arg13[%dma_start3A_95, %dma_start3A_96] : memref<10240x128xf32, #tpu.memory_space<vmem_shared>> -> memref<10240x128xf32, #tpu.memory_space<vmem_shared>>
      tpu.enqueue_indirect_dma source(%dma_start3A_97 : memref<10240x128xf32, #tpu.memory_space<vmem_shared>>) target(%arg11 : memref<128x128xf32, #tpu.memory_space<vmem>>) offsets(%dma_start3A_94 : memref<128xi32, #tpu.memory_space<vmem>>) semaphore(%run_scoped3A_91 : memref<!tpu.dma_semaphore, #tpu.memory_space<semaphore_mem>>)
      %dma_wait3A_98 = arith.constant 0 : i32
      %dma_wait3A_99 = tpu.memref_slice %arg10[%run_scoped3A_75, %dma_wait3A_98] : memref<5x128xi32, #tpu.memory_space<vmem>> -> memref<1x128xi32, #tpu.memory_space<vmem>>
      %dma_wait3A_100 = tpu.memref_squeeze %dma_wait3A_99 : memref<1x128xi32, #tpu.memory_space<vmem>> -> memref<128xi32, #tpu.memory_space<vmem>>
      %dma_wait3A_101 = arith.constant 0 : i32
      %dma_wait3A_102 = arith.constant 0 : i32
      %dma_wait3A_103 = tpu.memref_slice %arg13[%dma_wait3A_101, %dma_wait3A_102] : memref<10240x128xf32, #tpu.memory_space<vmem_shared>> -> memref<10240x128xf32, #tpu.memory_space<vmem_shared>>
      tpu.wait_indirect_dma semaphore(%run_scoped3A_91 : memref<!tpu.dma_semaphore, #tpu.memory_space<semaphore_mem>>) src(%dma_wait3A_103 : memref<10240x128xf32, #tpu.memory_space<vmem_shared>>) dst(%arg11 : memref<128x128xf32, #tpu.memory_space<vmem>>)
      tpu.yield
    }) : () -> ()
    %mul3A_76 = arith.constant 10240 : i32
    %mul3A_77 = arith.muli %arg0, %mul3A_76 : i32
    %mul3A_78 = arith.constant 640 : i32
    %mul3A_79 = arith.muli %arg1, %mul3A_78 : i32
    %add3A_80 = arith.addi %mul3A_77, %mul3A_79 : i32
    %add3A_81 = arith.constant 384 : i32
    %add3A_82 = arith.addi %add3A_80, %add3A_81 : i32
    "tpu.region"() ({
      %run_scoped3A_91 = tpu.sem_alloc : memref<!tpu.dma_semaphore, #tpu.memory_space<semaphore_mem>>
      %dma_start3A_92 = arith.constant 0 : i32
      %dma_start3A_93 = tpu.memref_slice %arg7[%add3A_82, %dma_start3A_92] : memref<20480x128xf32, #tpu.memory_space<hbm>> -> memref<128x128xf32, #tpu.memory_space<hbm>>
      %dma_start3A_94 = arith.constant 0 : i32
      %dma_start3A_95 = tpu.memref_slice %arg7[%add3A_82, %dma_start3A_94] : memref<20480x128xf32, #tpu.memory_space<hbm>> -> memref<128x128xf32, #tpu.memory_space<hbm>>
      tpu.enqueue_dma source(%arg11 : memref<128x128xf32, #tpu.memory_space<vmem>>) target(%dma_start3A_95 : memref<128x128xf32, #tpu.memory_space<hbm>>) target_semaphore(%run_scoped3A_91 : memref<!tpu.dma_semaphore, #tpu.memory_space<semaphore_mem>>)
      %dma_wait3A_96 = arith.constant 0 : i32
      %dma_wait3A_97 = tpu.memref_slice %arg7[%add3A_82, %dma_wait3A_96] : memref<20480x128xf32, #tpu.memory_space<hbm>> -> memref<128x128xf32, #tpu.memory_space<hbm>>
      %dma_wait3A_98 = arith.constant 0 : i32
      %dma_wait3A_99 = tpu.memref_slice %arg7[%add3A_82, %dma_wait3A_98] : memref<20480x128xf32, #tpu.memory_space<hbm>> -> memref<128x128xf32, #tpu.memory_space<hbm>>
      tpu.wait_dma2 semaphore(%run_scoped3A_91 : memref<!tpu.dma_semaphore, #tpu.memory_space<semaphore_mem>>) src(%arg11 : memref<128x128xf32, #tpu.memory_space<vmem>>) dst(%dma_wait3A_99 : memref<128x128xf32, #tpu.memory_space<hbm>>)
      tpu.yield
    }) : () -> ()
    %run_scoped3A_83 = arith.constant 4 : i32
    "tpu.region"() ({
      %run_scoped3A_91 = tpu.sem_alloc : memref<!tpu.dma_semaphore, #tpu.memory_space<semaphore_mem>>
      %dma_start3A_92 = arith.constant 0 : i32
      %dma_start3A_93 = tpu.memref_slice %arg10[%run_scoped3A_83, %dma_start3A_92] : memref<5x128xi32, #tpu.memory_space<vmem>> -> memref<1x128xi32, #tpu.memory_space<vmem>>
      %dma_start3A_94 = tpu.memref_squeeze %dma_start3A_93 : memref<1x128xi32, #tpu.memory_space<vmem>> -> memref<128xi32, #tpu.memory_space<vmem>>
      %dma_start3A_95 = arith.constant 0 : i32
      %dma_start3A_96 = arith.constant 0 : i32
      %dma_start3A_97 = tpu.memref_slice %arg13[%dma_start3A_95, %dma_start3A_96] : memref<10240x128xf32, #tpu.memory_space<vmem_shared>> -> memref<10240x128xf32, #tpu.memory_space<vmem_shared>>
      tpu.enqueue_indirect_dma source(%dma_start3A_97 : memref<10240x128xf32, #tpu.memory_space<vmem_shared>>) target(%arg11 : memref<128x128xf32, #tpu.memory_space<vmem>>) offsets(%dma_start3A_94 : memref<128xi32, #tpu.memory_space<vmem>>) semaphore(%run_scoped3A_91 : memref<!tpu.dma_semaphore, #tpu.memory_space<semaphore_mem>>)
      %dma_wait3A_98 = arith.constant 0 : i32
      %dma_wait3A_99 = tpu.memref_slice %arg10[%run_scoped3A_83, %dma_wait3A_98] : memref<5x128xi32, #tpu.memory_space<vmem>> -> memref<1x128xi32, #tpu.memory_space<vmem>>
      %dma_wait3A_100 = tpu.memref_squeeze %dma_wait3A_99 : memref<1x128xi32, #tpu.memory_space<vmem>> -> memref<128xi32, #tpu.memory_space<vmem>>
      %dma_wait3A_101 = arith.constant 0 : i32
      %dma_wait3A_102 = arith.constant 0 : i32
      %dma_wait3A_103 = tpu.memref_slice %arg13[%dma_wait3A_101, %dma_wait3A_102] : memref<10240x128xf32, #tpu.memory_space<vmem_shared>> -> memref<10240x128xf32, #tpu.memory_space<vmem_shared>>
      tpu.wait_indirect_dma semaphore(%run_scoped3A_91 : memref<!tpu.dma_semaphore, #tpu.memory_space<semaphore_mem>>) src(%dma_wait3A_103 : memref<10240x128xf32, #tpu.memory_space<vmem_shared>>) dst(%arg11 : memref<128x128xf32, #tpu.memory_space<vmem>>)
      tpu.yield
    }) : () -> ()
    %mul3A_84 = arith.constant 10240 : i32
    %mul3A_85 = arith.muli %arg0, %mul3A_84 : i32
    %mul3A_86 = arith.constant 640 : i32
    %mul3A_87 = arith.muli %arg1, %mul3A_86 : i32
    %add3A_88 = arith.addi %mul3A_85, %mul3A_87 : i32
    %add3A_89 = arith.constant 512 : i32
    %add3A_90 = arith.addi %add3A_88, %add3A_89 : i32
    "tpu.region"() ({
      %run_scoped3A_91 = tpu.sem_alloc : memref<!tpu.dma_semaphore, #tpu.memory_space<semaphore_mem>>
      %dma_start3A_92 = arith.constant 0 : i32
      %dma_start3A_93 = tpu.memref_slice %arg7[%add3A_90, %dma_start3A_92] : memref<20480x128xf32, #tpu.memory_space<hbm>> -> memref<128x128xf32, #tpu.memory_space<hbm>>
      %dma_start3A_94 = arith.constant 0 : i32
      %dma_start3A_95 = tpu.memref_slice %arg7[%add3A_90, %dma_start3A_94] : memref<20480x128xf32, #tpu.memory_space<hbm>> -> memref<128x128xf32, #tpu.memory_space<hbm>>
      tpu.enqueue_dma source(%arg11 : memref<128x128xf32, #tpu.memory_space<vmem>>) target(%dma_start3A_95 : memref<128x128xf32, #tpu.memory_space<hbm>>) target_semaphore(%run_scoped3A_91 : memref<!tpu.dma_semaphore, #tpu.memory_space<semaphore_mem>>)
      %dma_wait3A_96 = arith.constant 0 : i32
      %dma_wait3A_97 = tpu.memref_slice %arg7[%add3A_90, %dma_wait3A_96] : memref<20480x128xf32, #tpu.memory_space<hbm>> -> memref<128x128xf32, #tpu.memory_space<hbm>>
      %dma_wait3A_98 = arith.constant 0 : i32
      %dma_wait3A_99 = tpu.memref_slice %arg7[%add3A_90, %dma_wait3A_98] : memref<20480x128xf32, #tpu.memory_space<hbm>> -> memref<128x128xf32, #tpu.memory_space<hbm>>
      tpu.wait_dma2 semaphore(%run_scoped3A_91 : memref<!tpu.dma_semaphore, #tpu.memory_space<semaphore_mem>>) src(%arg11 : memref<128x128xf32, #tpu.memory_space<vmem>>) dst(%dma_wait3A_99 : memref<128x128xf32, #tpu.memory_space<hbm>>)
      tpu.yield
    }) : () -> ()
    return
  }
}

module attributes {stable_mosaic.version = 14 : i64} {
  func.func @_tc0_body(%arg0: i32, %arg1: memref<1000x128xf32, #tpu.memory_space<vmem>>, %arg2: memref<128x128xf32, #tpu.memory_space<vmem>>, %arg3: memref<1000x128xf32, #tpu.memory_space<vmem>>) attributes {dimension_semantics = [#tpu.dimension_semantics<arbitrary>], iteration_bounds = array<i64: 10>, scalar_prefetch = 0 : i64, scratch_operands = 0 : i64, tpu.core_type = #tpu.core_type<tc>, window_params = [{transform_indices = @transform_0, window_bounds = array<i64: 1000, 128>}, {pipeline_mode = #tpu.pipeline_mode<synchronous>, transform_indices = @transform_1, window_bounds = array<i64: 128, 128>}, {transform_indices = @transform_2, window_bounds = array<i64: 1000, 128>}]} {
    %get3A = arith.constant 0 : index
    %get3A_0 = arith.constant 0 : index
    %get3A_1 = vector.load %arg1[%get3A, %get3A_0] : memref<1000x128xf32, #tpu.memory_space<vmem>>, vector<1000x128xf32>
    %get3A_2 = arith.constant 0 : index
    %get3A_3 = arith.constant 0 : index
    %get3A_4 = vector.load %arg2[%get3A_2, %get3A_3] : memref<128x128xf32, #tpu.memory_space<vmem>>, vector<128x128xf32>
    %dot_general3A = arith.constant dense<0.000000e+00> : vector<1000x128xf32>
    %dot_general3A_5 = tpu.matmul %get3A_1, %get3A_4, %dot_general3A {dimension_numbers = #tpu.dot_dimension_numbers<[1], [0], [0], [1], [0, 0, 1, 1], [], []>, transpose_lhs_hint = false} : vector<1000x128xf32>, vector<128x128xf32>, vector<1000x128xf32> -> vector<1000x128xf32>
    %swap3A = arith.constant 0 : index
    %swap3A_6 = arith.constant 0 : index
    %swap3A_7 = vector.load %arg3[%swap3A, %swap3A_6] : memref<1000x128xf32, #tpu.memory_space<vmem>>, vector<1000x128xf32>
    tpu.vector_store %arg3[%swap3A, %swap3A_6], %dot_general3A_5 {strides = array<i32>} : memref<1000x128xf32, #tpu.memory_space<vmem>>, vector<1000x128xf32>,
    return
  }
  func.func @transform_0(%arg0: i32) -> (i32, i32) {
    %c0_i32 = arith.constant 0 : i32
    %c0_i32_0 = arith.constant 0 : i32
    return %arg0, %c0_i32 : i32, i32
  }
  func.func @transform_1(%arg0: i32) -> (i32, i32) {
    %c0_i32 = arith.constant 0 : i32
    %c0_i32_0 = arith.constant 0 : i32
    %c0_i32_1 = arith.constant 0 : i32
    return %c0_i32, %c0_i32_0 : i32, i32
  }
  func.func @transform_2(%arg0: i32) -> (i32, i32) {
    %c0_i32 = arith.constant 0 : i32
    %c0_i32_0 = arith.constant 0 : i32
    return %arg0, %c0_i32 : i32, i32
  }
}

module attributes {stable_mosaic.version = 14 : i64} {
  func.func @_tc1_body(%arg0: i32, %arg1: memref<1000x128xf32, #tpu.memory_space<vmem>>, %arg2: memref<1000x128xf32, #tpu.memory_space<vmem>>, %arg3: memref<1000x128xf32, #tpu.memory_space<vmem>>, %arg4: memref<1000x128xf32, #tpu.memory_space<vmem>>, %arg5: memref<1000x1xf32, #tpu.memory_space<vmem>>) attributes {dimension_semantics = [#tpu.dimension_semantics<arbitrary>], iteration_bounds = array<i64: 10>, scalar_prefetch = 0 : i64, scratch_operands = 0 : i64, tpu.core_type = #tpu.core_type<tc>, window_params = [{transform_indices = @transform_0, window_bounds = array<i64: 1000, 128>}, {transform_indices = @transform_1, window_bounds = array<i64: 1000, 128>}, {transform_indices = @transform_2, window_bounds = array<i64: 1000, 128>}, {transform_indices = @transform_3, window_bounds = array<i64: 1000, 128>}, {transform_indices = @transform_4, window_bounds = array<i64: 1000, 1>}]} {
    %get3A = arith.constant 0 : index
    %get3A_0 = arith.constant 0 : index
    %get3A_1 = vector.load %arg1[%get3A, %get3A_0] : memref<1000x128xf32, #tpu.memory_space<vmem>>, vector<1000x128xf32>
    %slice3A = vector.extract_strided_slice %get3A_1 {offsets = [0, 0], sizes = [1000, 1], strides = [1, 1]} : vector<1000x128xf32> to vector<1000x1xf32>
    %get3A_2 = arith.constant 0 : index
    %get3A_3 = arith.constant 0 : index
    %get3A_4 = vector.load %arg2[%get3A_2, %get3A_3] : memref<1000x128xf32, #tpu.memory_space<vmem>>, vector<1000x128xf32>
    %slice3A_5 = vector.extract_strided_slice %get3A_4 {offsets = [0, 0], sizes = [1000, 1], strides = [1, 1]} : vector<1000x128xf32> to vector<1000x1xf32>
    %add3A = arith.addf %slice3A, %slice3A_5 : vector<1000x1xf32>
    %add3A_6 = arith.constant 1.000000e+00 : f32
    %add3A_7 = vector.broadcast %add3A_6 : f32 to vector<1000x1xf32>
    %add3A_8 = arith.addf %add3A, %add3A_7 : vector<1000x1xf32>
    %rsqrt3A = math.rsqrt %add3A_8 : vector<1000x1xf32>
    %get3A_9 = arith.constant 0 : index
    %get3A_10 = arith.constant 0 : index
    %get3A_11 = vector.load %arg3[%get3A_9, %get3A_10] : memref<1000x128xf32, #tpu.memory_space<vmem>>, vector<1000x128xf32>
    %mul3A = vector.broadcast %rsqrt3A : vector<1000x1xf32> to vector<1000x128xf32>
    %mul3A_12 = arith.mulf %get3A_11, %mul3A : vector<1000x128xf32>
    %swap3A = arith.constant 0 : index
    %swap3A_13 = arith.constant 0 : index
    %swap3A_14 = vector.load %arg4[%swap3A, %swap3A_13] : memref<1000x128xf32, #tpu.memory_space<vmem>>, vector<1000x128xf32>
    tpu.vector_store %arg4[%swap3A, %swap3A_13], %mul3A_12 {strides = array<i32>} : memref<1000x128xf32, #tpu.memory_space<vmem>>, vector<1000x128xf32>,
    %swap3A_15 = arith.constant 0 : index
    %swap3A_16 = arith.constant 0 : index
    %swap3A_17 = vector.load %arg5[%swap3A_15, %swap3A_16] : memref<1000x1xf32, #tpu.memory_space<vmem>>, vector<1000x1xf32>
    tpu.vector_store %arg5[%swap3A_15, %swap3A_16], %rsqrt3A {strides = array<i32>} : memref<1000x1xf32, #tpu.memory_space<vmem>>, vector<1000x1xf32>,
    return
  }
  func.func @transform_0(%arg0: i32) -> (i32, i32) {
    %c0_i32 = arith.constant 0 : i32
    %c0_i32_0 = arith.constant 0 : i32
    return %arg0, %c0_i32 : i32, i32
  }
  func.func @transform_1(%arg0: i32) -> (i32, i32) {
    %c0_i32 = arith.constant 0 : i32
    %c0_i32_0 = arith.constant 0 : i32
    return %arg0, %c0_i32 : i32, i32
  }
  func.func @transform_2(%arg0: i32) -> (i32, i32) {
    %c0_i32 = arith.constant 0 : i32
    %c0_i32_0 = arith.constant 0 : i32
    return %arg0, %c0_i32 : i32, i32
  }
  func.func @transform_3(%arg0: i32) -> (i32, i32) {
    %c0_i32 = arith.constant 0 : i32
    %c0_i32_0 = arith.constant 0 : i32
    return %arg0, %c0_i32 : i32, i32
  }
  func.func @transform_4(%arg0: i32) -> (i32, i32) {
    %c0_i32 = arith.constant 0 : i32
    %c0_i32_0 = arith.constant 0 : i32
    return %arg0, %c0_i32 : i32, i32
  }
}

module attributes {stable_mosaic.version = 14 : i64} {
  func.func @_tc2_body(%arg0: i32, %arg1: memref<1000x128xf32, #tpu.memory_space<vmem>>, %arg2: memref<1000x128xf32, #tpu.memory_space<vmem>>, %arg3: memref<1000x128xf32, #tpu.memory_space<vmem>>, %arg4: memref<1000x1xf32, #tpu.memory_space<vmem>>, %arg5: memref<1x128xf32, #tpu.memory_space<vmem>>, %arg6: memref<128x128xf32, #tpu.memory_space<vmem>>, %arg7: memref<1000x128xf32, #tpu.memory_space<vmem>>) attributes {dimension_semantics = [#tpu.dimension_semantics<arbitrary>], iteration_bounds = array<i64: 10>, scalar_prefetch = 0 : i64, scratch_operands = 0 : i64, tpu.core_type = #tpu.core_type<tc>, window_params = [{transform_indices = @transform_0, window_bounds = array<i64: 1000, 128>}, {transform_indices = @transform_1, window_bounds = array<i64: 1000, 128>}, {transform_indices = @transform_2, window_bounds = array<i64: 1000, 128>}, {transform_indices = @transform_3, window_bounds = array<i64: 1000, 1>}, {pipeline_mode = #tpu.pipeline_mode<synchronous>, transform_indices = @transform_4, window_bounds = array<i64: 1, 128>}, {pipeline_mode = #tpu.pipeline_mode<synchronous>, transform_indices = @transform_5, window_bounds = array<i64: 128, 128>}, {transform_indices = @transform_6, window_bounds = array<i64: 1000, 128>}]} {
    %get3A = arith.constant 0 : index
    %get3A_0 = arith.constant 0 : index
    %get3A_1 = vector.load %arg4[%get3A, %get3A_0] : memref<1000x1xf32, #tpu.memory_space<vmem>>, vector<1000x1xf32>
    %get3A_2 = arith.constant 0 : index
    %get3A_3 = arith.constant 0 : index
    %get3A_4 = vector.load %arg1[%get3A_2, %get3A_3] : memref<1000x128xf32, #tpu.memory_space<vmem>>, vector<1000x128xf32>
    %get3A_5 = arith.constant 0 : index
    %get3A_6 = arith.constant 0 : index
    %get3A_7 = vector.load %arg2[%get3A_5, %get3A_6] : memref<1000x128xf32, #tpu.memory_space<vmem>>, vector<1000x128xf32>
    %add3A = arith.addf %get3A_4, %get3A_7 : vector<1000x128xf32>
    %get3A_8 = arith.constant 0 : index
    %get3A_9 = arith.constant 0 : index
    %get3A_10 = vector.load %arg3[%get3A_8, %get3A_9] : memref<1000x128xf32, #tpu.memory_space<vmem>>, vector<1000x128xf32>
    %add3A_11 = arith.addf %add3A, %get3A_10 : vector<1000x128xf32>
    %mul3A = vector.broadcast %get3A_1 : vector<1000x1xf32> to vector<1000x128xf32>
    %mul3A_12 = arith.mulf %mul3A, %add3A_11 : vector<1000x128xf32>
    %get3A_13 = arith.constant 0 : index
    %get3A_14 = arith.constant 0 : index
    %get3A_15 = vector.load %arg5[%get3A_13, %get3A_14] : memref<1x128xf32, #tpu.memory_space<vmem>>, vector<1x128xf32>
    %add3A_16 = vector.broadcast %get3A_15 : vector<1x128xf32> to vector<1000x128xf32>
    %add3A_17 = arith.addf %mul3A_12, %add3A_16 : vector<1000x128xf32>
    %ge3A = arith.constant 0.000000e+00 : f32
    %ge3A_18 = vector.broadcast %ge3A : f32 to vector<1000x128xf32>
    %ge3A_19 = arith.cmpf oge, %add3A_17, %ge3A_18 : vector<1000x128xf32>
    %mul3A_20 = arith.constant 0.00999999977 : f32
    %mul3A_21 = vector.broadcast %mul3A_20 : f32 to vector<1000x128xf32>
    %mul3A_22 = arith.mulf %mul3A_21, %add3A_17 : vector<1000x128xf32>
    %select_n3A = arith.select %ge3A_19, %add3A_17, %mul3A_22 : vector<1000x128xi1>, vector<1000x128xf32>
    %get3A_23 = arith.constant 0 : index
    %get3A_24 = arith.constant 0 : index
    %get3A_25 = vector.load %arg6[%get3A_23, %get3A_24] : memref<128x128xf32, #tpu.memory_space<vmem>>, vector<128x128xf32>
    %dot_general3A = arith.constant dense<0.000000e+00> : vector<1000x128xf32>
    %dot_general3A_26 = tpu.matmul %select_n3A, %get3A_25, %dot_general3A {dimension_numbers = #tpu.dot_dimension_numbers<[1], [0], [0], [1], [0, 0, 1, 1], [], []>, transpose_lhs_hint = false} : vector<1000x128xf32>, vector<128x128xf32>, vector<1000x128xf32> -> vector<1000x128xf32>
    %mul3A_27 = vector.broadcast %get3A_1 : vector<1000x1xf32> to vector<1000x128xf32>
    %mul3A_28 = arith.mulf %dot_general3A_26, %mul3A_27 : vector<1000x128xf32>
    %swap3A = arith.constant 0 : index
    %swap3A_29 = arith.constant 0 : index
    %swap3A_30 = vector.load %arg7[%swap3A, %swap3A_29] : memref<1000x128xf32, #tpu.memory_space<vmem>>, vector<1000x128xf32>
    tpu.vector_store %arg7[%swap3A, %swap3A_29], %mul3A_28 {strides = array<i32>} : memref<1000x128xf32, #tpu.memory_space<vmem>>, vector<1000x128xf32>,
    return
  }
  func.func @transform_0(%arg0: i32) -> (i32, i32) {
    %c0_i32 = arith.constant 0 : i32
    %c0_i32_0 = arith.constant 0 : i32
    return %arg0, %c0_i32 : i32, i32
  }
  func.func @transform_1(%arg0: i32) -> (i32, i32) {
    %c0_i32 = arith.constant 0 : i32
    %c0_i32_0 = arith.constant 0 : i32
    return %arg0, %c0_i32 : i32, i32
  }
  func.func @transform_2(%arg0: i32) -> (i32, i32) {
    %c0_i32 = arith.constant 0 : i32
    %c0_i32_0 = arith.constant 0 : i32
    return %arg0, %c0_i32 : i32, i32
  }
  func.func @transform_3(%arg0: i32) -> (i32, i32) {
    %c0_i32 = arith.constant 0 : i32
    %c0_i32_0 = arith.constant 0 : i32
    return %arg0, %c0_i32 : i32, i32
  }
  func.func @transform_4(%arg0: i32) -> (i32, i32) {
    %c0_i32 = arith.constant 0 : i32
    %c0_i32_0 = arith.constant 0 : i32
    %c0_i32_1 = arith.constant 0 : i32
    return %c0_i32, %c0_i32_0 : i32, i32
  }
  func.func @transform_5(%arg0: i32) -> (i32, i32) {
    %c0_i32 = arith.constant 0 : i32
    %c0_i32_0 = arith.constant 0 : i32
    %c0_i32_1 = arith.constant 0 : i32
    return %c0_i32, %c0_i32_0 : i32, i32
  }
  func.func @transform_6(%arg0: i32) -> (i32, i32) {
    %c0_i32 = arith.constant 0 : i32
    %c0_i32_0 = arith.constant 0 : i32
    return %arg0, %c0_i32 : i32, i32
  }
}

module attributes {stable_mosaic.version = 14 : i64} {
  func.func @_tc3_body(%arg0: i32, %arg1: memref<1000x128xf32, #tpu.memory_space<vmem>>, %arg2: memref<1000x128xf32, #tpu.memory_space<vmem>>, %arg3: memref<1000x128xf32, #tpu.memory_space<vmem>>, %arg4: memref<1000x1xf32, #tpu.memory_space<vmem>>, %arg5: memref<1x128xf32, #tpu.memory_space<vmem>>, %arg6: memref<1x1x1000xi32, #tpu.memory_space<vmem>>, %arg7: memref<128x1xf32, #tpu.memory_space<vmem>>, %arg8: memref<1x1xf32, #tpu.memory_space<vmem>>, %arg9: memref<16x1xf32, #tpu.memory_space<vmem>>, %arg10: memref<16x128xf32, #tpu.memory_space<vmem>>, %arg11: memref<16x128xf32, #tpu.memory_space<vmem>>) attributes {dimension_semantics = [#tpu.dimension_semantics<arbitrary>], iteration_bounds = array<i64: 10>, scalar_prefetch = 0 : i64, scratch_operands = 2 : i64, tpu.core_type = #tpu.core_type<tc>, window_params = [{transform_indices = @transform_0, window_bounds = array<i64: 1000, 128>}, {transform_indices = @transform_1, window_bounds = array<i64: 1000, 128>}, {transform_indices = @transform_2, window_bounds = array<i64: 1000, 128>}, {transform_indices = @transform_3, window_bounds = array<i64: 1000, 1>}, {pipeline_mode = #tpu.pipeline_mode<synchronous>, transform_indices = @transform_4, window_bounds = array<i64: 1, 128>}, {transform_indices = @transform_5, window_bounds = array<i64: 1, 1, 1000>}, {pipeline_mode = #tpu.pipeline_mode<synchronous>, transform_indices = @transform_6, window_bounds = array<i64: 128, 1>}, {pipeline_mode = #tpu.pipeline_mode<synchronous>, transform_indices = @transform_7, window_bounds = array<i64: 1, 1>}, {pipeline_mode = #tpu.pipeline_mode<synchronous>, transform_indices = @transform_8, window_bounds = array<i64: 16, 1>}]} {
    %eq3A = arith.constant 0 : i32
    %eq3A_0 = arith.cmpi eq, %arg0, %eq3A : i32
    %convert_element_type3A = arith.extui %eq3A_0 : i1 to i32
    %cond3A = arith.constant 0 : i32
    %cond3A_1 = arith.cmpi ne, %convert_element_type3A, %cond3A : i32
    scf.if %cond3A_1 {
      %broadcast_in_dim3A_55 = arith.constant 0.000000e+00 : f32
      %broadcast_in_dim3A_56 = vector.broadcast %broadcast_in_dim3A_55 : f32 to vector<16x128xf32>
      %swap3A_57 = arith.constant 0 : index
      %swap3A_58 = arith.constant 0 : index
      %swap3A_59 = vector.load %arg10[%swap3A_57, %swap3A_58] : memref<16x128xf32, #tpu.memory_space<vmem>>, vector<16x128xf32>
      tpu.vector_store %arg10[%swap3A_57, %swap3A_58], %broadcast_in_dim3A_56 {strides = array<i32>} : memref<16x128xf32, #tpu.memory_space<vmem>>, vector<16x128xf32>,
      %broadcast_in_dim3A_60 = arith.constant 0.000000e+00 : f32
      %broadcast_in_dim3A_61 = vector.broadcast %broadcast_in_dim3A_60 : f32 to vector<16x128xf32>
      %swap3A_62 = arith.constant 0 : index
      %swap3A_63 = arith.constant 0 : index
      %swap3A_64 = vector.load %arg11[%swap3A_62, %swap3A_63] : memref<16x128xf32, #tpu.memory_space<vmem>>, vector<16x128xf32>
      tpu.vector_store %arg11[%swap3A_62, %swap3A_63], %broadcast_in_dim3A_61 {strides = array<i32>} : memref<16x128xf32, #tpu.memory_space<vmem>>, vector<16x128xf32>,
    } else {
    }
    %get3A = arith.constant 0 : index
    %get3A_2 = arith.constant 0 : index
    %get3A_3 = vector.load %arg4[%get3A, %get3A_2] : memref<1000x1xf32, #tpu.memory_space<vmem>>, vector<1000x1xf32>
    %get3A_4 = arith.constant 0 : index
    %get3A_5 = arith.constant 0 : index
    %get3A_6 = vector.load %arg1[%get3A_4, %get3A_5] : memref<1000x128xf32, #tpu.memory_space<vmem>>, vector<1000x128xf32>
    %get3A_7 = arith.constant 0 : index
    %get3A_8 = arith.constant 0 : index
    %get3A_9 = vector.load %arg2[%get3A_7, %get3A_8] : memref<1000x128xf32, #tpu.memory_space<vmem>>, vector<1000x128xf32>
    %add3A = arith.addf %get3A_6, %get3A_9 : vector<1000x128xf32>
    %get3A_10 = arith.constant 0 : index
    %get3A_11 = arith.constant 0 : index
    %get3A_12 = vector.load %arg3[%get3A_10, %get3A_11] : memref<1000x128xf32, #tpu.memory_space<vmem>>, vector<1000x128xf32>
    %add3A_13 = arith.addf %add3A, %get3A_12 : vector<1000x128xf32>
    %mul3A = vector.broadcast %get3A_3 : vector<1000x1xf32> to vector<1000x128xf32>
    %mul3A_14 = arith.mulf %mul3A, %add3A_13 : vector<1000x128xf32>
    %get3A_15 = arith.constant 0 : index
    %get3A_16 = arith.constant 0 : index
    %get3A_17 = vector.load %arg5[%get3A_15, %get3A_16] : memref<1x128xf32, #tpu.memory_space<vmem>>, vector<1x128xf32>
    %add3A_18 = vector.broadcast %get3A_17 : vector<1x128xf32> to vector<1000x128xf32>
    %add3A_19 = arith.addf %mul3A_14, %add3A_18 : vector<1000x128xf32>
    %ge3A = arith.constant 0.000000e+00 : f32
    %ge3A_20 = vector.broadcast %ge3A : f32 to vector<1000x128xf32>
    %ge3A_21 = arith.cmpf oge, %add3A_19, %ge3A_20 : vector<1000x128xf32>
    %mul3A_22 = arith.constant 0.00999999977 : f32
    %mul3A_23 = vector.broadcast %mul3A_22 : f32 to vector<1000x128xf32>
    %mul3A_24 = arith.mulf %mul3A_23, %add3A_19 : vector<1000x128xf32>
    %select_n3A = arith.select %ge3A_21, %add3A_19, %mul3A_24 : vector<1000x128xi1>, vector<1000x128xf32>
    %iota3A = tpu.iota {dimensions = array<i32: 0>} : vector<16x1000xi32>
    %get3A_25 = arith.constant 0 : index
    %get3A_26 = arith.constant 0 : index
    %get3A_27 = arith.constant 0 : index
    %get3A_28 = vector.load %arg6[%get3A_25, %get3A_26, %get3A_27] : memref<1x1x1000xi32, #tpu.memory_space<vmem>>, vector<1x1x1000xi32>
    %reshape3A = vector.shape_cast %get3A_28 : vector<1x1x1000xi32> to vector<1x1000xi32>
    %eq3A_29 = vector.broadcast %reshape3A : vector<1x1000xi32> to vector<16x1000xi32>
    %eq3A_30 = arith.cmpi eq, %eq3A_29, %iota3A : vector<16x1000xi32>
    %convert_element_type3A_31 = arith.extui %eq3A_30 : vector<16x1000xi1> to vector<16x1000xi32>
    %convert_element_type3A_32 = arith.sitofp %convert_element_type3A_31 : vector<16x1000xi32> to vector<16x1000xf32>
    %get3A_33 = arith.constant 0 : index
    %get3A_34 = arith.constant 0 : index
    %get3A_35 = vector.load %arg10[%get3A_33, %get3A_34] : memref<16x128xf32, #tpu.memory_space<vmem>>, vector<16x128xf32>
    %dot_general3A = arith.constant dense<0.000000e+00> : vector<16x128xf32>
    %dot_general3A_36 = tpu.matmul %convert_element_type3A_32, %select_n3A, %dot_general3A {dimension_numbers = #tpu.dot_dimension_numbers<[1], [0], [0], [1], [0, 0, 1, 1], [], []>, transpose_lhs_hint = false} : vector<16x1000xf32>, vector<1000x128xf32>, vector<16x128xf32> -> vector<16x128xf32>
    %add3A_37 = arith.addf %get3A_35, %dot_general3A_36 : vector<16x128xf32>
    %swap3A = arith.constant 0 : index
    %swap3A_38 = arith.constant 0 : index
    %swap3A_39 = vector.load %arg10[%swap3A, %swap3A_38] : memref<16x128xf32, #tpu.memory_space<vmem>>, vector<16x128xf32>
    tpu.vector_store %arg10[%swap3A, %swap3A_38], %add3A_37 {strides = array<i32>} : memref<16x128xf32, #tpu.memory_space<vmem>>, vector<16x128xf32>,
    %get3A_40 = arith.constant 0 : index
    %get3A_41 = arith.constant 0 : index
    %get3A_42 = vector.load %arg11[%get3A_40, %get3A_41] : memref<16x128xf32, #tpu.memory_space<vmem>>, vector<16x128xf32>
    %reduce_sum3A = arith.constant dense<0.000000e+00> : vector<16xf32>
    %reduce_sum3A_43 = vector.multi_reduction <add>, %convert_element_type3A_32, %reduce_sum3A [1] : vector<16x1000xf32> to vector<16xf32>
    %broadcast_in_dim3A = vector.shape_cast %reduce_sum3A_43 : vector<16xf32> to vector<16x1xf32>
    %broadcast_in_dim3A_44 = vector.shape_cast %broadcast_in_dim3A : vector<16x1xf32> to vector<16x1xf32>
    %broadcast_in_dim3A_45 = vector.broadcast %broadcast_in_dim3A_44 : vector<16x1xf32> to vector<16x128xf32>
    %add3A_46 = arith.addf %get3A_42, %broadcast_in_dim3A_45 : vector<16x128xf32>
    %swap3A_47 = arith.constant 0 : index
    %swap3A_48 = arith.constant 0 : index
    %swap3A_49 = vector.load %arg11[%swap3A_47, %swap3A_48] : memref<16x128xf32, #tpu.memory_space<vmem>>, vector<16x128xf32>
    tpu.vector_store %arg11[%swap3A_47, %swap3A_48], %add3A_46 {strides = array<i32>} : memref<16x128xf32, #tpu.memory_space<vmem>>, vector<16x128xf32>,
    %eq3A_50 = arith.constant 9 : i32
    %eq3A_51 = arith.cmpi eq, %arg0, %eq3A_50 : i32
    %convert_element_type3A_52 = arith.extui %eq3A_51 : i1 to i32
    %cond3A_53 = arith.constant 0 : i32
    %cond3A_54 = arith.cmpi ne, %convert_element_type3A_52, %cond3A_53 : i32
    scf.if %cond3A_54 {
      %get3A_55 = arith.constant 0 : index
      %get3A_56 = arith.constant 0 : index
      %get3A_57 = vector.load %arg10[%get3A_55, %get3A_56] : memref<16x128xf32, #tpu.memory_space<vmem>>, vector<16x128xf32>
      %get3A_58 = arith.constant 0 : index
      %get3A_59 = arith.constant 0 : index
      %get3A_60 = vector.load %arg11[%get3A_58, %get3A_59] : memref<16x128xf32, #tpu.memory_space<vmem>>, vector<16x128xf32>
      %max3A = arith.constant 1.000000e+00 : f32
      %max3A_61 = vector.broadcast %max3A : f32 to vector<16x128xf32>
      %max3A_62 = arith.maximumf %get3A_60, %max3A_61 : vector<16x128xf32>
      %div3A = arith.divf %get3A_57, %max3A_62 : vector<16x128xf32>
      %get3A_63 = arith.constant 0 : index
      %get3A_64 = arith.constant 0 : index
      %get3A_65 = vector.load %arg7[%get3A_63, %get3A_64] : memref<128x1xf32, #tpu.memory_space<vmem>>, vector<128x1xf32>
      %dot_general3A_66 = arith.constant dense<0.000000e+00> : vector<16x1xf32>
      %dot_general3A_67 = tpu.matmul %div3A, %get3A_65, %dot_general3A_66 {dimension_numbers = #tpu.dot_dimension_numbers<[1], [0], [0], [1], [0, 0, 1, 1], [], []>, transpose_lhs_hint = false} : vector<16x128xf32>, vector<128x1xf32>, vector<16x1xf32> -> vector<16x1xf32>
      %get3A_68 = arith.constant 0 : index
      %get3A_69 = arith.constant 0 : index
      %get3A_70 = vector.load %arg8[%get3A_68, %get3A_69] : memref<1x1xf32, #tpu.memory_space<vmem>>, vector<1x1xf32>
      %add3A_71 = vector.broadcast %get3A_70 : vector<1x1xf32> to vector<16x1xf32>
      %add3A_72 = arith.addf %dot_general3A_67, %add3A_71 : vector<16x1xf32>
      %swap3A_73 = arith.constant 0 : index
      %swap3A_74 = arith.constant 0 : index
      %swap3A_75 = vector.load %arg9[%swap3A_73, %swap3A_74] : memref<16x1xf32, #tpu.memory_space<vmem>>, vector<16x1xf32>
      tpu.vector_store %arg9[%swap3A_73, %swap3A_74], %add3A_72 {strides = array<i32>} : memref<16x1xf32, #tpu.memory_space<vmem>>, vector<16x1xf32>,
    } else {
    }
    return
  }
  func.func @transform_0(%arg0: i32) -> (i32, i32) {
    %c0_i32 = arith.constant 0 : i32
    %c0_i32_0 = arith.constant 0 : i32
    return %arg0, %c0_i32 : i32, i32
  }
  func.func @transform_1(%arg0: i32) -> (i32, i32) {
    %c0_i32 = arith.constant 0 : i32
    %c0_i32_0 = arith.constant 0 : i32
    return %arg0, %c0_i32 : i32, i32
  }
  func.func @transform_2(%arg0: i32) -> (i32, i32) {
    %c0_i32 = arith.constant 0 : i32
    %c0_i32_0 = arith.constant 0 : i32
    return %arg0, %c0_i32 : i32, i32
  }
  func.func @transform_3(%arg0: i32) -> (i32, i32) {
    %c0_i32 = arith.constant 0 : i32
    %c0_i32_0 = arith.constant 0 : i32
    return %arg0, %c0_i32 : i32, i32
  }
  func.func @transform_4(%arg0: i32) -> (i32, i32) {
    %c0_i32 = arith.constant 0 : i32
    %c0_i32_0 = arith.constant 0 : i32
    %c0_i32_1 = arith.constant 0 : i32
    return %c0_i32, %c0_i32_0 : i32, i32
  }
  func.func @transform_5(%arg0: i32) -> (i32, i32, i32) {
    %c0_i32 = arith.constant 0 : i32
    %c0_i32_0 = arith.constant 0 : i32
    %c0_i32_1 = arith.constant 0 : i32
    return %arg0, %c0_i32, %c0_i32_0 : i32, i32, i32
  }
  func.func @transform_6(%arg0: i32) -> (i32, i32) {
    %c0_i32 = arith.constant 0 : i32
    %c0_i32_0 = arith.constant 0 : i32
    %c0_i32_1 = arith.constant 0 : i32
    return %c0_i32, %c0_i32_0 : i32, i32
  }
  func.func @transform_7(%arg0: i32) -> (i32, i32) {
    %c0_i32 = arith.constant 0 : i32
    %c0_i32_0 = arith.constant 0 : i32
    %c0_i32_1 = arith.constant 0 : i32
    return %c0_i32, %c0_i32_0 : i32, i32
  }
  func.func @transform_8(%arg0: i32) -> (i32, i32) {
    %c0_i32 = arith.constant 0 : i32
    %c0_i32_0 = arith.constant 0 : i32
    %c0_i32_1 = arith.constant 0 : i32
    return %c0_i32, %c0_i32_0 : i32, i32
  }
}

</mosaic_0001>

<sc_bundles>
// kernel: kernel.12.cloned.1.call-start
scs
__scs_entry_jumppad:
0x0: {  	(pc) =	sbr.rel $0x88, $3  }
0x1: {  	(tag) =	ssettag $0x0;
	lr =	simm.s32 $0x1  }
0x2: {  	[smem:$0x3F98] =	sst lr;
	_ =	strace $0xD0000000  }
0x3: {  	_ = 	snop  }
0x4: {  	_ = 	snop  }
0x5: {  	_ = 	snop  }
0x6: {  	_ = 	snop  }
0x7: {  	_ = 	snop  }
__scs_overlays_trampoline_lowered:
0x8: {  	[smem:$0x3FA7] =	sst s0  }
0x9: {  	[smem:$0x3FA8] =	sst s1  }
0xa: {  	[smem:$0x3FA9] =	sst s2  }
0xb: {  	[smem:$0x3FAA] =	sst s3  }
0xc: {  	[smem:$0x3FAB] =	sst s4  }
0xd: {  	[smem:$0x3FAC] =	sst s5  }
0xe: {  	[smem:$0x3FAD] =	sst s6  }
0xf: {  	[smem:$0x3FAE] =	sst s7  }
0x10: {  	[smem:$0x3FAF] =	sst s8  }
0x11: {  	[smem:$0x3FB0] =	sst s9;
	s0 =	simm.s32 @!p0 $0x0  }
0x12: {  	s1 =	sld [smem:$0x3F96];
	s0 =	simm.s32 @p0 $0x1  }
0x13: {  	[smem:$0x3FB1] =	sst s0;
	s0 =	simm.s32 @!p1 $0x0  }
0x14: {  	s2 =	sld [smem:$0x3F95];
	s0 =	simm.s32 @p1 $0x1  }
0x15: {  	[smem:$0x3FB2] =	sst s0;
	s0 =	simm.s32 @!p2 $0x0  }
0x16: {  	s3 =	sld [smem:$0x3FDB];
	s0 =	simm.s32 @p2 $0x1  }
0x17: {  	s4 =	simm.s32 $0x1BF5;
	[smem:$0x3FB4] =	sst s0  }
0x18: {  	s0 =	sld [smem:$0x3F97];
	_ =	swait.ge [sflag:s4], $0x0  }
0x19: {  	s7 =	sld [smem:$0x3F98]  }
0x1a: {  	s8 =	sadd.s32 $0xFFFFE003, lr  }
0x1b: {  	s9 =	sadd.s32 $0xFFFFFEF7, lr;
	s5 =	simm.s32 $0xFFFFFFFF;
	p2 =	slt.u32 s8, $0xFFFFF086  }
0x1c: {  	p1 =	slt.u32 s9, $0xF7A;
	s5 =	simm.s32 @!p2 $0x0  }
0x1d: {  	s5 =	simm.s32 @p1 $0x1;
	p0 =	seq.s32 s7, s2  }
0x1e: {  	s7 =	smul.u32 @!p0 $0xF7A, s2;
	p2 =	seq.s32 @!p0 s5, $0x0  }
0x1f: {  	s9 =	smul.u32 $0xF7A, s1;
	s8 =	simm.s32 @!p0 $0x1BF5;
	p2 =	por !p2, p0  }
0x20: {  	[sflag:s8] =	ssyncset.s32 @!p0 $0xFFFFF086;
	s6 =	sadd.s32 @!p0 s3, s7;
	s7 =	simm.s32 @!p0 $0x108  }
0x21: {  	s3 =	sadd.s32 s3, s9;
	s6 =	sadd.s32 @!p0 $0x88, s6;
	s7 =	simm.s32 @p2 $0x1082  }
0x22: {  	[simem:s7], [sflag:s8] =	dma.local @!p0 [hbm:s6], $0xF7A  }
0x23: {  	s9 =	sor.u32 $0xD0000000, s2;
	s6 =	simm.s32 $0x108;
	_ =	swait.ge @!p0 [sflag:s8], $0x0  }
0x24: {  	s3 =	sadd.s32 $0x88, s3;
	s6 =	simm.s32 @!p1 $0x1082;
	[sflag:s4] =	ssyncset.s32 $0xFFFFF086  }
0x25: {  	[simem:s6], [sflag:s4] =	dma.local [hbm:s3], $0xF7A  }
0x26: {  	[smem:$0x3F98] =	sst s1;
	(tag) =	ssettag s2;
	_ =	strace s9  }
0x27: {  	s1 =	sld [smem:$0x3FA8]  }
0x28: {  	s2 =	sld [smem:$0x3FA9]  }
0x29: {  	s4 =	sld [smem:$0x3FAB]  }
0x2a: {  	p0 =	seq.s32 s5, $0x0;
	s5 =	sld [smem:$0x3FAC]  }
0x2b: {  	s6 =	sld [smem:$0x3FAD]  }
0x2c: {  	s7 =	sld [smem:$0x3FAE]  }
0x2d: {  	s3 =	simm.s32 $0x108;
	s8 =	sld [smem:$0x3FAF]  }
0x2e: {  	s3 =	simm.s32 @!p0 $0x1082;
	s9 =	sld [smem:$0x3FB0]  }
0x2f: {  	lr =	sadd.s32 s0, s3;
	s0 =	sld [smem:$0x3FA7]  }
0x30: {  	s3 =	sld [smem:$0x3FAA]  }
0x31: {  	[smem:$0x3FB3] =	sst s10  }
0x32: {  	s10 =	sld [smem:$0x3FB1];
	_ =	sdelay $0x3  }
0x33: {  	p0 =	seq.s32 s10, $0x1;
	s10 =	sld [smem:$0x3FB3];
	_ =	sdelay $0x3  }
0x34: {  	[smem:$0x3FB3] =	sst s10  }
0x35: {  	s10 =	sld [smem:$0x3FB2];
	_ =	sdelay $0x3  }
0x36: {  	p1 =	seq.s32 s10, $0x1;
	s10 =	sld [smem:$0x3FB3];
	_ =	sdelay $0x3  }
0x37: {  	[smem:$0x3FB3] =	sst s10  }
0x38: {  	s10 =	sld [smem:$0x3FB4]  }
0x39: {  	_ = 	snop;
	(pc) =	sbr.ind lr, $3  }
0x3a: {  	_ = 	snop  }
0x3b: {  	_ = 	snop  }
0x3c: {  	p2 =	seq.s32 s10, $0x1;
	s10 =	sld [smem:$0x3FB3]  }
0x3d: {  	_ =	shalt  }
0x3e: {  	_ =	shalt  }
0x3f: {  	_ =	shalt  }
0x40: {  	_ =	shalt  }
0x41: {  	_ =	shalt  }
0x42: {  	_ =	shalt  }
0x43: {  	_ =	shalt  }
0x44: {  	_ =	shalt  }
0x45: {  	_ =	shalt  }
0x46: {  	_ =	shalt  }
0x47: {  	_ =	shalt  }
0x48: {  	_ =	shalt  }
0x49: {  	_ =	shalt  }
0x4a: {  	_ =	shalt  }
0x4b: {  	_ =	shalt  }
0x4c: {  	_ =	shalt  }
0x4d: {  	_ =	shalt  }
0x4e: {  	_ =	shalt  }
0x4f: {  	_ =	shalt  }
0x50: {  	_ =	shalt  }
0x51: {  	_ =	shalt  }
0x52: {  	_ =	shalt  }
0x53: {  	_ =	shalt  }
0x54: {  	_ =	shalt  }
0x55: {  	_ =	shalt  }
0x56: {  	_ =	shalt  }
0x57: {  	_ =	shalt  }
0x58: {  	_ =	shalt  }
0x59: {  	_ =	shalt  }
0x5a: {  	_ =	shalt  }
0x5b: {  	_ =	shalt  }
0x5c: {  	_ =	shalt  }
0x5d: {  	_ =	shalt  }
0x5e: {  	_ =	shalt  }
0x5f: {  	_ =	shalt  }
0x60: {  	_ =	shalt  }
0x61: {  	_ =	shalt  }
0x62: {  	_ =	shalt  }
0x63: {  	_ =	shalt  }
0x64: {  	_ =	shalt  }
0x65: {  	_ =	shalt  }
0x66: {  	_ =	shalt  }
0x67: {  	_ =	shalt  }
0x68: {  	_ =	shalt  }
0x69: {  	_ =	shalt  }
0x6a: {  	_ =	shalt  }
0x6b: {  	_ =	shalt  }
0x6c: {  	_ =	shalt  }
0x6d: {  	_ =	shalt  }
0x6e: {  	_ =	shalt  }
0x6f: {  	_ =	shalt  }
0x70: {  	_ =	shalt  }
0x71: {  	_ =	shalt  }
0x72: {  	_ =	shalt  }
0x73: {  	_ =	shalt  }
0x74: {  	_ =	shalt  }
0x75: {  	_ =	shalt  }
0x76: {  	_ =	shalt  }
0x77: {  	_ =	shalt  }
0x78: {  	_ =	shalt  }
0x79: {  	_ =	shalt  }
0x7a: {  	_ =	shalt  }
0x7b: {  	_ =	shalt  }
0x7c: {  	_ =	shalt  }
0x7d: {  	_ =	shalt  }
0x7e: {  	_ =	shalt  }
0x7f: {  	_ =	shalt  }
0x80: {  	_ =	shalt  }
0x81: {  	_ =	shalt  }
0x82: {  	_ =	shalt  }
0x83: {  	_ =	shalt  }
0x84: {  	_ =	shalt  }
0x85: {  	_ =	shalt  }
0x86: {  	_ =	shalt  }
0x87: {  	_ =	shalt  }
.Lfunc_end0:
.L_simem_size_0:
called_computation.1_lowered:
.L_overlay_start_0:
0x88: {  	s2 =	sld [smem:$0x3FD9]  }
0x89: {  	s3 =	sld [smem:$0x3FFE];
	_ =	sdelay $0x1  }
0x8a: {  	s1 =	srdreg.scid  }
0x8b: {  	s0 =	sand.u32 $0x1, s1  }
0x8c: {  	s16 =	sshll.u32 s0, $0xA;
	s2 =	sadd.s32 s3, s2  }
0x8d: {  	s2 =	sadd.s32 s2, s16  }
0x8e: {  	[smem:$0x3FBF] =	sst s2  }
0x8f: {  	_ = 	snop  }
0x90: {  	(tm) =	ssettm $0x1  }
0x91: {  	s17 =	sld [smem:$0x3FFB];
	_ =	sdelay $0x3  }
0x92: {  	_ =	strace s17  }
0x93: {  	s2 =	sld [smem:$0x3FFC];
	_ =	sdelay $0x3  }
0x94: {  	_ =	strace s2  }
0x95: {  	s2 =	sld [smem:$0x3FFD];
	_ =	sdelay $0x3  }
0x96: {  	_ =	strace s2  }
0x97: {  	_ =	strace $0x8FFFFFFF  }
0x98: {  	s18 =	sld [smem:$0x3FDB];
	_ =	sdelay $0x1  }
0x99: {  	s19 =	simm.s32 $_scs_section_size  }
0x9a: {  	s4 =	simm.s32 $_size__tile_overlayer_lowered;
	s5 =	simm.s32 $_tile_overlayer_lowered  }
0x9b: {  	s22 =	simm.s32 $0x1BFF;
	s21 =	sshll.u32 s5, $0x1;
	s2 =	sadd.s32 s19, s18  }
0x9c: {  	s6 =	simm.s32 $0x0;
	s20 =	sshll.u32 s4, $0x1;
	s4 =	sadd.s32 s21, s2  }
0x9d: {  	[timem:s6], [sflag:s22] =	dma.local [hbm:s4], s20  }
0x9e: {  	_ =	swait.ge [sflag:s22], s20  }
0x9f: {  	s3 =	ssub.s32 $0x0, s20;
	[sflag:s22] =	ssyncset.done $0x0  }
0xa0: {  	[sflag:s22] =	ssyncadd.s32 s3;
	_ =	sdelay $0x1  }
0xa1: {  	s23 =	simm.s32 $0x1B8B  }
0xa2: {  	_ =	swait.ge [sflag:s23], $0x1  }
0xa3: {  	[sflag:s23] =	ssyncset.done $0x0  }
0xa4: {  	s25 =	simm.s32 $0x1B8E;
	s24 =	sld [smem:$0x3FFE];
	[sflag:s23] =	ssyncadd.s32 $0xFFFFFFFF  }
0xa5: {  	s26 =	simm.s32 $execute0_lowered;
	[smem:$0x3FD2] =	sst s25  }
0xa6: {  	s4 =	sshll.u32 s26, $0x1;
	_ =	strace $0x80000049;
	[dreg:$0x1] =	wrdreg $0xFFFFFFFF  }
0xa7: {  	s28 =	simm.s32 $_size_execute0_lowered;
	s2 =	sadd.s32 s2, s4;
	[dreg:$0x0] =	wrdreg $0x0  }
0xa8: {  	s4 =	sshll.u32 s28, $0x1;
	[dreg:$0x2] =	wrdreg s2  }
0xa9: {  	[dreg:$0x3] =	wrdreg s4  }
0xaa: {  	[dreg:$0x4] =	wrdreg $0xC0  }
0xab: {  	_ =	task [dreg:s6], $0x5FFFF  }
0xac: {  	[dreg:$0x1] =	wrdreg $0xFFFFFFFF  }
0xad: {  	[dreg:$0x0] =	wrdreg $0x60  }
0xae: {  	[dreg:$0x2] =	wrdreg s24  }
0xaf: {  	[dreg:$0x3] =	wrdreg $0xAD000  }
0xb0: {  	[dreg:$0x4] =	wrdreg $0x9  }
0xb1: {  	_ =	task.clear_ibuf [dreg:s6], $0x5FFFF;
	_ =	strace $0x90000049  }
0xb2: {  	s29 =	simm.s32 $0x9;
	_ =	strace $0x8000004B  }
0xb3: {  	_ =	swait.ge [sflag:s29], $0x1  }
0xb4: {  	[sflag:s29] =	ssyncadd.s32 $0xFFFFFFFF  }
0xb5: {  	_ =	strace $0x9000004B  }
0xb6: {  	_ =	sfence  }
0xb7: {  	s30 =	sld [smem:$0x0];
	_ =	sdelay $0x2  }
0xb8: {  	s31 =	sshll.u32 s1, $0xD;
	s1 =	sshrl.u32 s1, $0x2  }
0xb9: {  	s3 =	sand.u32 $0x4000, s31;
	s1 =	sadd.s32 s1, s30  }
0xba: {  	s0 =	sor.u32 s3, s0;
	s1 =	sshll.u32 s1, $0x11  }
0xbb: {  	s0 =	sor.u32 s1, s0  }
0xbc: {  	s0 =	sadd.s32 $0x8F2B, s0  }
0xbd: {  	[sflag:s0] =	ssyncadd.remote.s32 $0x1  }
0xbe: {  	_ =	sfence.sel $0xFFFF  }
0xbf: {  	[dreg:$0x0] =	wrdreg $0xFFFFFFFF;
	(pc) =	sbr.abs _section_cstart, $3  }
0xc0: {  	[dreg:$0x1] =	wrdreg $0xFFFFFFFF  }
0xc1: {  	_ =	task.clear_ibuf [dreg:s6], $0x2FFFF;
	_ =	strace $0x9FFFFFFF  }
0xc2: {  	(tm) =	ssettm $0x7FFFFFFF  }
0xc3: {  	_ =	shalt  }
tec
execute0_lowered:
.L_overlay_start_1:
0x0: {  	(tag) =	ssettag $0x1  }
0x1: {  	s0 =	srdreg.scid  }
0x2: {  	s1 =	rddreg [dreg:$0x0];
	s11 =	stileid.u32  }
0x3: {  	s2 =	rddreg [dreg:$0x1];
	s18 =	simm.s32 $0x5;
	s28 =	simm.s32 $0x6D00  }
0x4: {  	s29 =	simm.s32 $0x2880;
	s30 =	simm.s32 $0x1;
	s31 =	simm.s32 $0x3  }
0x5: {  	s0 =	sand.u32 $0x1, s0;
	s9 =	smul.u32 $0x280, s11;
	s5 =	sadd.s32 $0xE400, s1  }
0x6: {  	s6 =	sadd.s32 $0x3C00, s1;
	s12 =	sadd.s32 $0xDC00, s1;
	s3 =	sshll.u32 s0, $0x4  }
0x7: {  	s7 =	smul.u32 $0x2800, s0;
	s0 =	ssub.s32 $0x2, s0;
	s4 =	sor.u32 s11, s3  }
0x8: {  	s3 =	simm.s32 $0x0;
	s11 =	sshll.u32 s11, $0x7;
	s20 =	sshrl.u32 s0, $0x1  }
0x9: {  	s4 =	smul.u32 $0x2800, s4;
	[smem:$0x7FF] =	sst s3;
	s7 =	sadd.s32 s9, s7  }
0xa: {  	s19 =	sadd.s32 s11, s1;
	s0 =	ssub.s32 s0, s20;
	s20 =	simm.s32 $0x2D00  }
0xb: {  	_ =	strace $0x8000004A;
	s7 =	sshll.u32 s7, $0x4;
	s8 =	sshrl.u32 s4, $0x3  }
0xc: {  	[dreg:$0x3] =	wrdreg s12;
	s22 =	sadd.s32 $0x3400, s19;
	s10 =	sadd.s32 s8, s1  }
0xd: {  	[dreg:$0x5] =	wrdreg s22;
	s1 =	sadd.s32 s7, s1;
	s21 =	sadd.s32 $0x5EC00, s10  }
0xe: {  	s16 =	smax.u32 s0, $0x1;
	s23 =	sadd.s32 $0x68C00, s1;
	[dreg:$0x4] =	wrdreg s21  }
0xf: {  	s19 =	simm.s32 $0x2900;
	s24 =	sadd.s32 $0x69400, s1;
	[dreg:$0x6] =	wrdreg s23  }
0x10: {  	s0 =	simm.s32 $0x4;
	s25 =	sadd.s32 $0x69C00, s1;
	[dreg:$0x7] =	wrdreg s24  }
0x11: {  	s22 =	simm.s32 $0x2980;
	s26 =	sadd.s32 $0x6A400, s1;
	[dreg:$0x8] =	wrdreg s25  }
0x12: {  	s10 =	sadd.s32 s6, s8;
	s1 =	sadd.s32 $0x6AC00, s1;
	[dreg:$0x9] =	wrdreg s26  }
0x13: {  	s7 =	simm.s32 $0x0;
	[dreg:$0xa] =	wrdreg s1;
	s17 =	sadd.s32 $0x4F0, s10  }
0x14: {  	s21 =	simm.s32 $0x80;
	s23 =	simm.s32 $0x2A00;
	s24 =	simm.s32 $0x2A80  }
0x15: {  	s25 =	simm.s32 $0x2B00;
	s26 =	simm.s32 $0x2800;
	s1 =	simm.s32 $0x2  }
.LBB2_1:
0x16: {  	s8 =	rddreg [dreg:$0x4]  }
0x17: {  	[tilespmem:s3], [sflag:$0x5] =	stream.linear.gather [hbm4b:s8+s3], $0x2800, $0x38;
	[tilespmem:$0x1ED00] =	vst v63  }
0x18: {  	_ =	swait.ge [sflag:s18], $0x2800  }
0x19: {  	[sflag:s18] =	ssyncset.done $0x0  }
0x1a: {  	s14 =	rddreg [dreg:$0x5];
	[sflag:s18] =	ssyncadd.s32 $0xFFFFD800  }
0x1b: {  	[tilespmem:s19], [sflag:$0x5] =	stream.linear.gather [hbm4b:s14+s3], $0x280, $0x38;
	[tilespmem:$0x1ED00] =	vst v63  }
0x1c: {  	_ =	swait.ge [sflag:s18], $0x280  }
0x1d: {  	[sflag:s18] =	ssyncset.done $0x0  }
0x1e: {  	s15 =	rddreg [dreg:$0x3];
	[sflag:s18] =	ssyncadd.s32 $0xFFFFFD80  }
0x1f: {  	[tilespmem:s20], [sflag:$0x5] =	stream.linear.gather [hbm4b:s15+s3], $0x4000, $0x38;
	[tilespmem:$0x1ED00] =	vst v63  }
0x20: {  	_ =	swait.ge [sflag:s18], $0x4000  }
0x21: {  	[sflag:s18] =	ssyncset.done $0x0  }
0x22: {  	[sflag:s18] =	ssyncadd.s32 $0xFFFFC000  }
0x23: {  	[spmem:s2] =	stream.indirect.scatter [tilespmem:s20], [sflag:$0x5], $0x80, s19, s21, $0xb8;
	[tilespmem:$0x1ED00] =	vst v63  }
0x24: {  	_ =	swait.ge [sflag:s18], $0x4000  }
0x25: {  	[sflag:s18] =	ssyncset.done $0x0  }
0x26: {  	[sflag:s18] =	ssyncadd.s32 $0xFFFFC000  }
0x27: {  	[spmem:s2] =	stream.indirect.scatter [tilespmem:s20], [sflag:$0x5], $0x80, s22, s21, $0xb8;
	[tilespmem:$0x1ED00] =	vst v63  }
0x28: {  	_ =	swait.ge [sflag:s18], $0x4000  }
0x29: {  	[sflag:s18] =	ssyncset.done $0x0  }
0x2a: {  	[sflag:s18] =	ssyncadd.s32 $0xFFFFC000  }
0x2b: {  	[spmem:s2] =	stream.indirect.scatter [tilespmem:s20], [sflag:$0x5], $0x80, s23, s21, $0xb8;
	[tilespmem:$0x1ED00] =	vst v63  }
0x2c: {  	_ =	swait.ge [sflag:s18], $0x4000  }
0x2d: {  	[sflag:s18] =	ssyncset.done $0x0  }
0x2e: {  	[sflag:s18] =	ssyncadd.s32 $0xFFFFC000  }
0x2f: {  	[spmem:s2] =	stream.indirect.scatter [tilespmem:s20], [sflag:$0x5], $0x80, s24, s21, $0xb8;
	[tilespmem:$0x1ED00] =	vst v63  }
0x30: {  	_ =	swait.ge [sflag:s18], $0x4000  }
0x31: {  	[sflag:s18] =	ssyncset.done $0x0  }
0x32: {  	[sflag:s18] =	ssyncadd.s32 $0xFFFFC000  }
0x33: {  	[spmem:s2] =	stream.indirect.scatter [tilespmem:s20], [sflag:$0x5], $0x80, s25, s21, $0xb8;
	[tilespmem:$0x1ED00] =	vst v63  }
0x34: {  	_ =	swait.ge [sflag:s18], $0x4000  }
0x35: {  	s9 =	simm.s32 $0x0;
	[sflag:s18] =	ssyncset.done $0x0  }
0x36: {  	s8 =	sand.u32 $0x3C00, s9;
	s9 =	simm.s32 $0x80;
	[sflag:s18] =	ssyncadd.s32 $0xFFFFC000  }
0x37: {  	s8 =	sadd.s32 s4, s8;
	s9 =	sand.u32 $0x380, s9;
	[bflag:$0x0] =	sbarrier.arrive $0xFFFF  }
0x38: {  	[tilespmem:s20], [sflag:$0x1] =	stream.indirect.gather [hbm4b:s5+s21], $0x80, s3, s21, $0xb8;
	[tilespmem:$0x1ED00] =	vst v63  }
0x39: {  	s8 =	sor.u32 s8, s9  }
0x3a: {  	[tilespmem:s26], [sflag:$0x3] =	stream.linear.gather [hbm4b:s10+s3], $0x80, $0x38;
	[tilespmem:$0x1ED00] =	vst v63  }
0x3b: {  	s11 =	simm.s32 $0x80;
	s8 =	sshrl.u32 s8, $0x3  }
0x3c: {  	[tilespmem:s28], [sflag:$0x2] =	stream.indirect.gather [hbm4b:s5+s21], $0x80, s11, s21, $0xb8;
	[tilespmem:$0x1ED00] =	vst v63  }
0x3d: {  	s8 =	sadd.s32 s6, s8  }
0x3e: {  	[tilespmem:s29], [sflag:$0x4] =	stream.linear.gather [hbm4b:s8+s3], $0x80, $0x38;
	[tilespmem:$0x1ED00] =	vst v63  }
0x3f: {  	_ =	swait.ge [sflag:s30], $0x4000  }
0x40: {  	[sflag:s30] =	ssyncset.done $0x0  }
0x41: {  	[sflag:s30] =	ssyncadd.s32 $0xFFFFC000  }
0x42: {  	_ =	swait.ge [sflag:s31], $0x80  }
0x43: {  	s12 =	simm.s32 $0x100;
	[sflag:s31] =	ssyncset.done $0x0  }
0x44: {  	s13 =	sand.u32 $0x3C00, s12;
	[sflag:s31] =	ssyncadd.s32 $0xFFFFFF80  }
0x45: {  	[spmem:s2] =	stream.indirect.scatter.add.f32 [tilespmem:s20], [sflag:$0x5], $0x80, s26, s21, $0xb8;
	[tilespmem:$0x1ED00] =	vst v63  }
0x46: {  	s9 =	sadd.s32 s4, s13;
	s11 =	sand.u32 $0x300, s12;
	_ =	swait.ge [sflag:s18], $0x4000  }
0x47: {  	s9 =	sor.u32 s11, s9;
	[sflag:s18] =	ssyncset.done $0x0  }
0x48: {  	s14 =	sshrl.u32 s9, $0x3;
	[sflag:s18] =	ssyncadd.s32 $0xFFFFC000  }
0x49: {  	[tilespmem:s20], [sflag:$0x1] =	stream.indirect.gather [hbm4b:s5+s21], $0x80, s12, s21, $0xb8;
	[tilespmem:$0x1ED00] =	vst v63  }
0x4a: {  	s8 =	sadd.s32 s6, s14  }
0x4b: {  	[tilespmem:s26], [sflag:$0x3] =	stream.linear.gather [hbm4b:s8+s3], $0x80, $0x38;
	[tilespmem:$0x1ED00] =	vst v63  }
0x4c: {  	_ =	swait.ge [sflag:s1], $0x4000  }
0x4d: {  	s15 =	simm.s32 $0x100;
	[sflag:s1] =	ssyncset.done $0x0  }
0x4e: {  	s13 =	sand.u32 $0x3C00, s15;
	s11 =	simm.s32 $0x300;
	[sflag:s1] =	ssyncadd.s32 $0xFFFFC000  }
0x4f: {  	s9 =	simm.s32 $0x200;
	s8 =	simm.s32 $0x200;
	_ =	swait.ge [sflag:s0], $0x80  }
.LBB2_2:
0x50: {  	s13 =	sadd.s32 s4, s13  }
0x51: {  	s14 =	sadd.s32 $0xFFFFFF80, s8;
	[sflag:s0] =	ssyncset.done $0x0;
	s15 =	smov.u32 s11  }
0x52: {  	s12 =	sadd.s32 $0x100, s11;
	s14 =	sand.u32 $0x380, s14;
	[sflag:s0] =	ssyncadd.s32 $0xFFFFFF80  }
0x53: {  	[spmem:s2] =	stream.indirect.scatter.add.f32 [tilespmem:s28], [sflag:$0x5], $0x80, s29, s21, $0xb8;
	[tilespmem:$0x1ED00] =	vst v63  }
0x54: {  	p0 =	sne.s32 s11, $0x2700;
	s11 =	sor.u32 s13, s14;
	_ =	swait.ge [sflag:s18], $0x4000  }
0x55: {  	s11 =	sshrl.u32 s11, $0x3;
	[sflag:s18] =	ssyncset.done $0x0  }
0x56: {  	s13 =	sadd.s32 $0xFFFFFF80, s9;
	s11 =	sadd.s32 s6, s11;
	[sflag:s18] =	ssyncadd.s32 $0xFFFFC000  }
0x57: {  	[tilespmem:s28], [sflag:$0x2] =	stream.indirect.gather [hbm4b:s5+s21], $0x80, s13, s21, $0xb8;
	[tilespmem:$0x1ED00] =	vst v63  }
0x58: {  	_ = 	snop  }
0x59: {  	[tilespmem:s29], [sflag:$0x4] =	stream.linear.gather [hbm4b:s11+s3], $0x80, $0x38;
	[tilespmem:$0x1ED00] =	vst v63  }
0x5a: {  	_ =	swait.ge [sflag:s30], $0x4000  }
0x5b: {  	[sflag:s30] =	ssyncset.done $0x0  }
0x5c: {  	[sflag:s30] =	ssyncadd.s32 $0xFFFFC000  }
0x5d: {  	_ =	swait.ge [sflag:s31], $0x80  }
0x5e: {  	[sflag:s31] =	ssyncset.done $0x0  }
0x5f: {  	[sflag:s31] =	ssyncadd.s32 $0xFFFFFF80  }
0x60: {  	[spmem:s2] =	stream.indirect.scatter.add.f32 [tilespmem:s20], [sflag:$0x5], $0x80, s26, s21, $0xb8;
	[tilespmem:$0x1ED00] =	vst v63  }
0x61: {  	s11 =	sand.u32 $0x3C00, s8;
	_ =	swait.ge [sflag:s18], $0x4000  }
0x62: {  	s8 =	sand.u32 $0x300, s8;
	s11 =	sadd.s32 s4, s11;
	[sflag:s18] =	ssyncset.done $0x0  }
0x63: {  	s11 =	sor.u32 s8, s11;
	s8 =	smov.u32 s15;
	[sflag:s18] =	ssyncadd.s32 $0xFFFFC000  }
0x64: {  	[tilespmem:s20], [sflag:$0x1] =	stream.indirect.gather [hbm4b:s5+s21], $0x80, s9, s21, $0xb8;
	[tilespmem:$0x1ED00] =	vst v63  }
0x65: {  	s11 =	sshrl.u32 s11, $0x3  }
0x66: {  	s11 =	sadd.s32 s6, s11  }
0x67: {  	[tilespmem:s26], [sflag:$0x3] =	stream.linear.gather [hbm4b:s11+s3], $0x80, $0x38;
	[tilespmem:$0x1ED00] =	vst v63  }
.Ltmp0:
0x68: {  	_ = 	snop;
	(pc) =	sbr.rel @p0 .LBB2_2-.Ltmp0, $4  }
0x69: {  	_ =	swait.ge [sflag:s1], $0x4000  }
0x6a: {  	[sflag:s1] =	ssyncset.done $0x0  }
0x6b: {  	s9 =	sadd.s32 $0x100, s9;
	s11 =	sadd.s32 $0xFFFFFF00, s8;
	[sflag:s1] =	ssyncadd.s32 $0xFFFFC000  }
0x6c: {  	s13 =	sand.u32 $0x3C00, s11;
	s11 =	smov.u32 s12;
	_ =	swait.ge [sflag:s0], $0x80  }
0x6d: {  	[sflag:s0] =	ssyncset.done $0x0  }
0x6e: {  	s11 =	sadd.s32 $0xFFFFFF80, s8;
	[sflag:s0] =	ssyncadd.s32 $0xFFFFFF80  }
0x6f: {  	[spmem:s2] =	stream.indirect.scatter.add.f32 [tilespmem:s28], [sflag:$0x5], $0x80, s29, s21, $0xb8;
	[tilespmem:$0x1ED00] =	vst v63  }
0x70: {  	s12 =	sadd.s32 s4, s13;
	s11 =	sand.u32 $0x380, s11;
	_ =	swait.ge [sflag:s18], $0x4000  }
0x71: {  	s11 =	sor.u32 s12, s11;
	[sflag:s18] =	ssyncset.done $0x0  }
0x72: {  	s13 =	sadd.s32 $0xFFFFFF80, s9;
	s11 =	sshrl.u32 s11, $0x3;
	[sflag:s18] =	ssyncadd.s32 $0xFFFFC000  }
0x73: {  	[tilespmem:s28], [sflag:$0x2] =	stream.indirect.gather [hbm4b:s5+s21], $0x80, s13, s21, $0xb8;
	[tilespmem:$0x1ED00] =	vst v63  }
0x74: {  	s11 =	sadd.s32 s6, s11  }
0x75: {  	[tilespmem:s29], [sflag:$0x4] =	stream.linear.gather [hbm4b:s11+s3], $0x80, $0x38;
	[tilespmem:$0x1ED00] =	vst v63  }
0x76: {  	_ =	swait.ge [sflag:s30], $0x4000  }
0x77: {  	[sflag:s30] =	ssyncset.done $0x0  }
0x78: {  	[sflag:s30] =	ssyncadd.s32 $0xFFFFC000  }
0x79: {  	_ =	swait.ge [sflag:s31], $0x80  }
0x7a: {  	[sflag:s31] =	ssyncset.done $0x0  }
0x7b: {  	s14 =	sand.u32 $0x3C00, s8;
	[sflag:s31] =	ssyncadd.s32 $0xFFFFFF80  }
0x7c: {  	[spmem:s2] =	stream.indirect.scatter.add.f32 [tilespmem:s20], [sflag:$0x5], $0x80, s26, s21, $0xb8;
	[tilespmem:$0x1ED00] =	vst v63  }
0x7d: {  	s15 =	sand.u32 $0x300, s8;
	s11 =	sadd.s32 s4, s14;
	_ =	swait.ge [sflag:s18], $0x4000  }
0x7e: {  	s8 =	sor.u32 s15, s11;
	[sflag:s18] =	ssyncset.done $0x0  }
0x7f: {  	s8 =	sshrl.u32 s8, $0x3;
	[sflag:s18] =	ssyncadd.s32 $0xFFFFC000  }
0x80: {  	[tilespmem:s20], [sflag:$0x1] =	stream.indirect.gather [hbm4b:s5+s21], $0x80, s9, s21, $0xb8;
	[tilespmem:$0x1ED00] =	vst v63  }
0x81: {  	s8 =	sadd.s32 s6, s8  }
0x82: {  	[tilespmem:s26], [sflag:$0x3] =	stream.linear.gather [hbm4b:s8+s3], $0x80, $0x38;
	[tilespmem:$0x1ED00] =	vst v63  }
0x83: {  	_ =	swait.ge [sflag:s1], $0x4000  }
0x84: {  	[sflag:s1] =	ssyncset.done $0x0  }
0x85: {  	[sflag:s1] =	ssyncadd.s32 $0xFFFFC000  }
0x86: {  	_ =	swait.ge [sflag:s0], $0x80  }
0x87: {  	[sflag:s0] =	ssyncset.done $0x0  }
0x88: {  	[sflag:s0] =	ssyncadd.s32 $0xFFFFFF80  }
0x89: {  	[spmem:s2] =	stream.indirect.scatter.add.f32 [tilespmem:s28], [sflag:$0x5], $0x80, s29, s21, $0xb8;
	[tilespmem:$0x1ED00] =	vst v63  }
0x8a: {  	_ =	swait.ge [sflag:s18], $0x4000  }
0x8b: {  	[sflag:s18] =	ssyncset.done $0x0  }
0x8c: {  	s9 =	simm.s32 $0x2780;
	[sflag:s18] =	ssyncadd.s32 $0xFFFFC000  }
0x8d: {  	[tilespmem:s28], [sflag:$0x2] =	stream.indirect.gather [hbm4b:s5+s21], $0x80, s9, s21, $0xb8;
	[tilespmem:$0x1ED00] =	vst v63  }
0x8e: {  	_ = 	snop  }
0x8f: {  	[tilespmem:s29], [sflag:$0x4] =	stream.linear.gather [hbm4b:s17+s3], $0x80, $0x38;
	[tilespmem:$0x1ED00] =	vst v63  }
0x90: {  	_ =	swait.ge [sflag:s30], $0x4000  }
0x91: {  	[sflag:s30] =	ssyncset.done $0x0  }
0x92: {  	[sflag:s30] =	ssyncadd.s32 $0xFFFFC000  }
0x93: {  	_ =	swait.ge [sflag:s31], $0x80  }
0x94: {  	[sflag:s31] =	ssyncset.done $0x0  }
0x95: {  	[sflag:s31] =	ssyncadd.s32 $0xFFFFFF80  }
0x96: {  	[spmem:s2] =	stream.indirect.scatter.add.f32 [tilespmem:s20], [sflag:$0x5], $0x80, s26, s21, $0xb8;
	[tilespmem:$0x1ED00] =	vst v63  }
0x97: {  	_ =	swait.ge [sflag:s18], $0x4000  }
0x98: {  	[sflag:s18] =	ssyncset.done $0x0  }
0x99: {  	[sflag:s18] =	ssyncadd.s32 $0xFFFFC000  }
0x9a: {  	[tilespmem:s20], [sflag:$0x1] =	stream.indirect.gather [hbm4b:s5+s21], $0x80, s3, s21, $0xb8;
	[tilespmem:$0x1ED00] =	vst v63  }
0x9b: {  	_ = 	snop  }
0x9c: {  	[tilespmem:s26], [sflag:$0x3] =	stream.linear.gather [hbm4b:s10+s3], $0x80, $0x38;
	[tilespmem:$0x1ED00] =	vst v63  }
0x9d: {  	_ =	swait.ge [sflag:s1], $0x4000  }
0x9e: {  	[sflag:s1] =	ssyncset.done $0x0  }
0x9f: {  	[sflag:s1] =	ssyncadd.s32 $0xFFFFC000  }
0xa0: {  	_ =	swait.ge [sflag:s0], $0x80  }
0xa1: {  	[sflag:s0] =	ssyncset.done $0x0  }
0xa2: {  	[sflag:s0] =	ssyncadd.s32 $0xFFFFFF80  }
0xa3: {  	[spmem:s2] =	stream.indirect.scatter.add.f32 [tilespmem:s28], [sflag:$0x5], $0x80, s29, s21, $0xb8;
	[tilespmem:$0x1ED00] =	vst v63  }
0xa4: {  	_ =	swait.ge [sflag:s18], $0x4000  }
0xa5: {  	[sflag:s18] =	ssyncset.done $0x0  }
0xa6: {  	[sflag:s18] =	ssyncadd.s32 $0xFFFFC000  }
0xa7: {  	_ =	swait.ge [sflag:s30], $0x4000  }
0xa8: {  	[sflag:s30] =	ssyncset.done $0x0  }
0xa9: {  	[sflag:s30] =	ssyncadd.s32 $0xFFFFC000  }
0xaa: {  	_ =	swait.ge [sflag:s31], $0x80  }
0xab: {  	[sflag:s31] =	ssyncset.done $0x0  }
0xac: {  	[sflag:s31] =	ssyncadd.s32 $0xFFFFFF80  }
0xad: {  	[bflag:$0x0] =	sbarrier.arrive $0xFFFF  }
0xae: {  	[tilespmem:s20], [sflag:$0x5] =	stream.indirect.gather [spmem:s2], $0x80, s19, s21, $0xb8;
	[tilespmem:$0x1ED00] =	vst v63  }
0xaf: {  	_ =	swait.ge [sflag:s18], $0x4000  }
0xb0: {  	[sflag:s18] =	ssyncset.done $0x0  }
0xb1: {  	s11 =	rddreg [dreg:$0x6];
	[sflag:s18] =	ssyncadd.s32 $0xFFFFC000  }
0xb2: {  	[hbm4b:s11+s3] =	stream.linear.scatter [tilespmem:s20], [sflag:$0x5], $0x4000, $0x38;
	[tilespmem:$0x1ED00] =	vst v63  }
0xb3: {  	_ =	swait.ge [sflag:s18], $0x4000  }
0xb4: {  	[sflag:s18] =	ssyncset.done $0x0  }
0xb5: {  	[sflag:s18] =	ssyncadd.s32 $0xFFFFC000  }
0xb6: {  	[tilespmem:s20], [sflag:$0x5] =	stream.indirect.gather [spmem:s2], $0x80, s22, s21, $0xb8;
	[tilespmem:$0x1ED00] =	vst v63  }
0xb7: {  	_ =	swait.ge [sflag:s18], $0x4000  }
0xb8: {  	[sflag:s18] =	ssyncset.done $0x0  }
0xb9: {  	s12 =	rddreg [dreg:$0x7];
	[sflag:s18] =	ssyncadd.s32 $0xFFFFC000  }
0xba: {  	[hbm4b:s12+s3] =	stream.linear.scatter [tilespmem:s20], [sflag:$0x5], $0x4000, $0x38;
	[tilespmem:$0x1ED00] =	vst v63  }
0xbb: {  	_ =	swait.ge [sflag:s18], $0x4000  }
0xbc: {  	[sflag:s18] =	ssyncset.done $0x0  }
0xbd: {  	[sflag:s18] =	ssyncadd.s32 $0xFFFFC000  }
0xbe: {  	[tilespmem:s20], [sflag:$0x5] =	stream.indirect.gather [spmem:s2], $0x80, s23, s21, $0xb8;
	[tilespmem:$0x1ED00] =	vst v63  }
0xbf: {  	_ =	swait.ge [sflag:s18], $0x4000  }
0xc0: {  	[sflag:s18] =	ssyncset.done $0x0  }
0xc1: {  	s13 =	rddreg [dreg:$0x8];
	[sflag:s18] =	ssyncadd.s32 $0xFFFFC000  }
0xc2: {  	[hbm4b:s13+s3] =	stream.linear.scatter [tilespmem:s20], [sflag:$0x5], $0x4000, $0x38;
	[tilespmem:$0x1ED00] =	vst v63  }
0xc3: {  	_ =	swait.ge [sflag:s18], $0x4000  }
0xc4: {  	[sflag:s18] =	ssyncset.done $0x0  }
0xc5: {  	[sflag:s18] =	ssyncadd.s32 $0xFFFFC000  }
0xc6: {  	[tilespmem:s20], [sflag:$0x5] =	stream.indirect.gather [spmem:s2], $0x80, s24, s21, $0xb8;
	[tilespmem:$0x1ED00] =	vst v63  }
0xc7: {  	_ =	swait.ge [sflag:s18], $0x4000  }
0xc8: {  	[sflag:s18] =	ssyncset.done $0x0  }
0xc9: {  	s14 =	rddreg [dreg:$0x9];
	[sflag:s18] =	ssyncadd.s32 $0xFFFFC000  }
0xca: {  	[hbm4b:s14+s3] =	stream.linear.scatter [tilespmem:s20], [sflag:$0x5], $0x4000, $0x38;
	[tilespmem:$0x1ED00] =	vst v63  }
0xcb: {  	_ =	swait.ge [sflag:s18], $0x4000  }
0xcc: {  	[sflag:s18] =	ssyncset.done $0x0  }
0xcd: {  	[sflag:s18] =	ssyncadd.s32 $0xFFFFC000  }
0xce: {  	[tilespmem:s20], [sflag:$0x5] =	stream.indirect.gather [spmem:s2], $0x80, s25, s21, $0xb8;
	[tilespmem:$0x1ED00] =	vst v63  }
0xcf: {  	s7 =	sadd.s32 $0x1, s7;
	_ =	swait.ge [sflag:s18], $0x4000  }
0xd0: {  	p0 =	sne.s32 s7, s16;
	[sflag:s18] =	ssyncset.done $0x0  }
.Ltmp1:
0xd1: {  	s15 =	rddreg [dreg:$0xa];
	[sflag:s18] =	ssyncadd.s32 $0xFFFFC000;
	(pc) =	sbr.rel @p0 .LBB2_1-.Ltmp1, $4  }
0xd2: {  	[hbm4b:s15+s3] =	stream.linear.scatter [tilespmem:s20], [sflag:$0x5], $0x4000, $0x38;
	[tilespmem:$0x1ED00] =	vst v63  }
0xd3: {  	_ =	swait.ge [sflag:s18], $0x4000  }
0xd4: {  	[sflag:s18] =	ssyncset.done $0x0  }
0xd5: {  	[sflag:s18] =	ssyncadd.s32 $0xFFFFC000  }
0xd6: {  	_ =	sfence.sel $0x180000  }
0xd7: {  	[bflag:$0x0] =	sbarrier.arrive $0xFFFF  }
0xd8: {  	_ =	strace $0x9000004A  }
0xd9: {  	s0 =	stileid.u32;
	[bflag:$0x2] =	sbarrier.arrive $0xFFFF  }
0xda: {  	p0 =	sne.s32 s0, $0x0;
	s0 =	rddreg [dreg:$0x2]  }
0xdb: {  	s0 =	sadd.s32 @!p0 $0x100000, s0  }
0xdc: {  	[sflag:s0] =	ssyncadd.tile.s32 @!p0 $0x1;
	_ =	shalt  }
.Lfunc_end2:
_tile_overlayer_lowered:
.L_overlay_start_2:
0xdd: {  	(tag) =	ssettag $0x2  }
0xde: {  	s0 =	rddreg [dreg:$0x0];
	s2 =	stileid.u32  }
0xdf: {  	s1 =	rddreg [dreg:$0x1];
	p0 =	sne.s32 s2, $0x0  }
0xe0: {  	s3 =	rddreg [dreg:$0x2];
	[bflag:$0x3] =	sbarrier.arrive $0xFFFF;
	s2 =	simm.s32 @!p0 $0x1C05  }
0xe1: {  	[timem:s3], [sflag:s2] =	dma.local @!p0 [hbm:s0], s1  }
0xe2: {  	s0 =	simm.s32 @!p0 $0x5  }
0xe3: {  	_ =	swait.ge @!p0 [sflag:s0], s1  }
0xe4: {  	s1 =	ssub.s32 @!p0 $0x0, s1;
	[sflag:s0] =	ssyncset.done @!p0 $0x0  }
0xe5: {  	[sflag:s0] =	ssyncadd.s32 @!p0 s1  }
0xe6: {  	[bflag:$0x3] =	sbarrier.arrive $0xFFFF  }
0xe7: {  	_ =	shalt  }

// kernel: kernel.15.cloned.1.call-start
scs
__scs_entry_jumppad:
0x0: {  	(pc) =	sbr.rel $0x88, $3  }
0x1: {  	(tag) =	ssettag $0x0;
	lr =	simm.s32 $0x1  }
0x2: {  	[smem:$0x3F98] =	sst lr;
	_ =	strace $0xD0000000  }
0x3: {  	_ = 	snop  }
0x4: {  	_ = 	snop  }
0x5: {  	_ = 	snop  }
0x6: {  	_ = 	snop  }
0x7: {  	_ = 	snop  }
__scs_overlays_trampoline_lowered:
0x8: {  	[smem:$0x3FA7] =	sst s0  }
0x9: {  	[smem:$0x3FA8] =	sst s1  }
0xa: {  	[smem:$0x3FA9] =	sst s2  }
0xb: {  	[smem:$0x3FAA] =	sst s3  }
0xc: {  	[smem:$0x3FAB] =	sst s4  }
0xd: {  	[smem:$0x3FAC] =	sst s5  }
0xe: {  	[smem:$0x3FAD] =	sst s6  }
0xf: {  	[smem:$0x3FAE] =	sst s7  }
0x10: {  	[smem:$0x3FAF] =	sst s8  }
0x11: {  	[smem:$0x3FB0] =	sst s9;
	s0 =	simm.s32 @!p0 $0x0  }
0x12: {  	s1 =	sld [smem:$0x3F96];
	s0 =	simm.s32 @p0 $0x1  }
0x13: {  	[smem:$0x3FB1] =	sst s0;
	s0 =	simm.s32 @!p1 $0x0  }
0x14: {  	s2 =	sld [smem:$0x3F95];
	s0 =	simm.s32 @p1 $0x1  }
0x15: {  	[smem:$0x3FB2] =	sst s0;
	s0 =	simm.s32 @!p2 $0x0  }
0x16: {  	s3 =	sld [smem:$0x3FDB];
	s0 =	simm.s32 @p2 $0x1  }
0x17: {  	s4 =	simm.s32 $0x1BF5;
	[smem:$0x3FB4] =	sst s0  }
0x18: {  	s0 =	sld [smem:$0x3F97];
	_ =	swait.ge [sflag:s4], $0x0  }
0x19: {  	s7 =	sld [smem:$0x3F98]  }
0x1a: {  	s8 =	sadd.s32 $0xFFFFE003, lr  }
0x1b: {  	s9 =	sadd.s32 $0xFFFFFEF7, lr;
	s5 =	simm.s32 $0xFFFFFFFF;
	p2 =	slt.u32 s8, $0xFFFFF086  }
0x1c: {  	p1 =	slt.u32 s9, $0xF7A;
	s5 =	simm.s32 @!p2 $0x0  }
0x1d: {  	s5 =	simm.s32 @p1 $0x1;
	p0 =	seq.s32 s7, s2  }
0x1e: {  	s7 =	smul.u32 @!p0 $0xF7A, s2;
	p2 =	seq.s32 @!p0 s5, $0x0  }
0x1f: {  	s9 =	smul.u32 $0xF7A, s1;
	s8 =	simm.s32 @!p0 $0x1BF5;
	p2 =	por !p2, p0  }
0x20: {  	[sflag:s8] =	ssyncset.s32 @!p0 $0xFFFFF086;
	s6 =	sadd.s32 @!p0 s3, s7;
	s7 =	simm.s32 @!p0 $0x108  }
0x21: {  	s3 =	sadd.s32 s3, s9;
	s6 =	sadd.s32 @!p0 $0x88, s6;
	s7 =	simm.s32 @p2 $0x1082  }
0x22: {  	[simem:s7], [sflag:s8] =	dma.local @!p0 [hbm:s6], $0xF7A  }
0x23: {  	s9 =	sor.u32 $0xD0000000, s2;
	s6 =	simm.s32 $0x108;
	_ =	swait.ge @!p0 [sflag:s8], $0x0  }
0x24: {  	s3 =	sadd.s32 $0x88, s3;
	s6 =	simm.s32 @!p1 $0x1082;
	[sflag:s4] =	ssyncset.s32 $0xFFFFF086  }
0x25: {  	[simem:s6], [sflag:s4] =	dma.local [hbm:s3], $0xF7A  }
0x26: {  	[smem:$0x3F98] =	sst s1;
	(tag) =	ssettag s2;
	_ =	strace s9  }
0x27: {  	s1 =	sld [smem:$0x3FA8]  }
0x28: {  	s2 =	sld [smem:$0x3FA9]  }
0x29: {  	s4 =	sld [smem:$0x3FAB]  }
0x2a: {  	p0 =	seq.s32 s5, $0x0;
	s5 =	sld [smem:$0x3FAC]  }
0x2b: {  	s6 =	sld [smem:$0x3FAD]  }
0x2c: {  	s7 =	sld [smem:$0x3FAE]  }
0x2d: {  	s3 =	simm.s32 $0x108;
	s8 =	sld [smem:$0x3FAF]  }
0x2e: {  	s3 =	simm.s32 @!p0 $0x1082;
	s9 =	sld [smem:$0x3FB0]  }
0x2f: {  	lr =	sadd.s32 s0, s3;
	s0 =	sld [smem:$0x3FA7]  }
0x30: {  	s3 =	sld [smem:$0x3FAA]  }
0x31: {  	[smem:$0x3FB3] =	sst s10  }
0x32: {  	s10 =	sld [smem:$0x3FB1];
	_ =	sdelay $0x3  }
0x33: {  	p0 =	seq.s32 s10, $0x1;
	s10 =	sld [smem:$0x3FB3];
	_ =	sdelay $0x3  }
0x34: {  	[smem:$0x3FB3] =	sst s10  }
0x35: {  	s10 =	sld [smem:$0x3FB2];
	_ =	sdelay $0x3  }
0x36: {  	p1 =	seq.s32 s10, $0x1;
	s10 =	sld [smem:$0x3FB3];
	_ =	sdelay $0x3  }
0x37: {  	[smem:$0x3FB3] =	sst s10  }
0x38: {  	s10 =	sld [smem:$0x3FB4]  }
0x39: {  	_ = 	snop;
	(pc) =	sbr.ind lr, $3  }
0x3a: {  	_ = 	snop  }
0x3b: {  	_ = 	snop  }
0x3c: {  	p2 =	seq.s32 s10, $0x1;
	s10 =	sld [smem:$0x3FB3]  }
0x3d: {  	_ =	shalt  }
0x3e: {  	_ =	shalt  }
0x3f: {  	_ =	shalt  }
0x40: {  	_ =	shalt  }
0x41: {  	_ =	shalt  }
0x42: {  	_ =	shalt  }
0x43: {  	_ =	shalt  }
0x44: {  	_ =	shalt  }
0x45: {  	_ =	shalt  }
0x46: {  	_ =	shalt  }
0x47: {  	_ =	shalt  }
0x48: {  	_ =	shalt  }
0x49: {  	_ =	shalt  }
0x4a: {  	_ =	shalt  }
0x4b: {  	_ =	shalt  }
0x4c: {  	_ =	shalt  }
0x4d: {  	_ =	shalt  }
0x4e: {  	_ =	shalt  }
0x4f: {  	_ =	shalt  }
0x50: {  	_ =	shalt  }
0x51: {  	_ =	shalt  }
0x52: {  	_ =	shalt  }
0x53: {  	_ =	shalt  }
0x54: {  	_ =	shalt  }
0x55: {  	_ =	shalt  }
0x56: {  	_ =	shalt  }
0x57: {  	_ =	shalt  }
0x58: {  	_ =	shalt  }
0x59: {  	_ =	shalt  }
0x5a: {  	_ =	shalt  }
0x5b: {  	_ =	shalt  }
0x5c: {  	_ =	shalt  }
0x5d: {  	_ =	shalt  }
0x5e: {  	_ =	shalt  }
0x5f: {  	_ =	shalt  }
0x60: {  	_ =	shalt  }
0x61: {  	_ =	shalt  }
0x62: {  	_ =	shalt  }
0x63: {  	_ =	shalt  }
0x64: {  	_ =	shalt  }
0x65: {  	_ =	shalt  }
0x66: {  	_ =	shalt  }
0x67: {  	_ =	shalt  }
0x68: {  	_ =	shalt  }
0x69: {  	_ =	shalt  }
0x6a: {  	_ =	shalt  }
0x6b: {  	_ =	shalt  }
0x6c: {  	_ =	shalt  }
0x6d: {  	_ =	shalt  }
0x6e: {  	_ =	shalt  }
0x6f: {  	_ =	shalt  }
0x70: {  	_ =	shalt  }
0x71: {  	_ =	shalt  }
0x72: {  	_ =	shalt  }
0x73: {  	_ =	shalt  }
0x74: {  	_ =	shalt  }
0x75: {  	_ =	shalt  }
0x76: {  	_ =	shalt  }
0x77: {  	_ =	shalt  }
0x78: {  	_ =	shalt  }
0x79: {  	_ =	shalt  }
0x7a: {  	_ =	shalt  }
0x7b: {  	_ =	shalt  }
0x7c: {  	_ =	shalt  }
0x7d: {  	_ =	shalt  }
0x7e: {  	_ =	shalt  }
0x7f: {  	_ =	shalt  }
0x80: {  	_ =	shalt  }
0x81: {  	_ =	shalt  }
0x82: {  	_ =	shalt  }
0x83: {  	_ =	shalt  }
0x84: {  	_ =	shalt  }
0x85: {  	_ =	shalt  }
0x86: {  	_ =	shalt  }
0x87: {  	_ =	shalt  }
.Lfunc_end0:
.L_simem_size_0:
called_computation.2_lowered:
.L_overlay_start_0:
0x88: {  	s2 =	sld [smem:$0x3FD9]  }
0x89: {  	s3 =	sld [smem:$0x3FFE];
	_ =	sdelay $0x1  }
0x8a: {  	s1 =	srdreg.scid  }
0x8b: {  	s0 =	sand.u32 $0x1, s1  }
0x8c: {  	s16 =	sshll.u32 s0, $0xA;
	s2 =	sadd.s32 s3, s2  }
0x8d: {  	s2 =	sadd.s32 s2, s16  }
0x8e: {  	[smem:$0x3FBF] =	sst s2  }
0x8f: {  	_ = 	snop  }
0x90: {  	(tm) =	ssettm $0x1  }
0x91: {  	s17 =	sld [smem:$0x3FFB];
	_ =	sdelay $0x3  }
0x92: {  	_ =	strace s17  }
0x93: {  	s2 =	sld [smem:$0x3FFC];
	_ =	sdelay $0x3  }
0x94: {  	_ =	strace s2  }
0x95: {  	s2 =	sld [smem:$0x3FFD];
	_ =	sdelay $0x3  }
0x96: {  	_ =	strace s2  }
0x97: {  	_ =	strace $0x8FFFFFFF  }
0x98: {  	s18 =	sld [smem:$0x3FDB];
	_ =	sdelay $0x1  }
0x99: {  	s19 =	simm.s32 $_scs_section_size  }
0x9a: {  	s4 =	simm.s32 $_size__tile_overlayer_lowered;
	s5 =	simm.s32 $_tile_overlayer_lowered  }
0x9b: {  	s22 =	simm.s32 $0x1BFF;
	s21 =	sshll.u32 s5, $0x1;
	s2 =	sadd.s32 s19, s18  }
0x9c: {  	s6 =	simm.s32 $0x0;
	s20 =	sshll.u32 s4, $0x1;
	s4 =	sadd.s32 s21, s2  }
0x9d: {  	[timem:s6], [sflag:s22] =	dma.local [hbm:s4], s20  }
0x9e: {  	_ =	swait.ge [sflag:s22], s20  }
0x9f: {  	s3 =	ssub.s32 $0x0, s20;
	[sflag:s22] =	ssyncset.done $0x0  }
0xa0: {  	[sflag:s22] =	ssyncadd.s32 s3;
	_ =	sdelay $0x1  }
0xa1: {  	s23 =	simm.s32 $0x1B8B  }
0xa2: {  	_ =	swait.ge [sflag:s23], $0x1  }
0xa3: {  	[sflag:s23] =	ssyncset.done $0x0  }
0xa4: {  	s25 =	simm.s32 $0x1B8E;
	s24 =	sld [smem:$0x3FFE];
	[sflag:s23] =	ssyncadd.s32 $0xFFFFFFFF  }
0xa5: {  	s26 =	simm.s32 $execute0_lowered;
	[smem:$0x3FD2] =	sst s25  }
0xa6: {  	s4 =	sshll.u32 s26, $0x1;
	_ =	strace $0x8000004C;
	[dreg:$0x1] =	wrdreg $0xFFFFFFFF  }
0xa7: {  	s28 =	simm.s32 $_size_execute0_lowered;
	s2 =	sadd.s32 s2, s4;
	[dreg:$0x0] =	wrdreg $0x0  }
0xa8: {  	s4 =	sshll.u32 s28, $0x1;
	[dreg:$0x2] =	wrdreg s2  }
0xa9: {  	[dreg:$0x3] =	wrdreg s4  }
0xaa: {  	[dreg:$0x4] =	wrdreg $0xC0  }
0xab: {  	_ =	task [dreg:s6], $0x5FFFF  }
0xac: {  	[dreg:$0x1] =	wrdreg $0xFFFFFFFF  }
0xad: {  	[dreg:$0x0] =	wrdreg $0x60  }
0xae: {  	[dreg:$0x2] =	wrdreg s24  }
0xaf: {  	[dreg:$0x3] =	wrdreg $0xAD000  }
0xb0: {  	[dreg:$0x4] =	wrdreg $0x9  }
0xb1: {  	_ =	task.clear_ibuf [dreg:s6], $0x5FFFF;
	_ =	strace $0x9000004C  }
0xb2: {  	s29 =	simm.s32 $0x9;
	_ =	strace $0x8000004E  }
0xb3: {  	_ =	swait.ge [sflag:s29], $0x1  }
0xb4: {  	[sflag:s29] =	ssyncadd.s32 $0xFFFFFFFF  }
0xb5: {  	_ =	strace $0x9000004E  }
0xb6: {  	_ =	sfence  }
0xb7: {  	s30 =	sld [smem:$0x0];
	_ =	sdelay $0x2  }
0xb8: {  	s31 =	sshll.u32 s1, $0xD;
	s1 =	sshrl.u32 s1, $0x2  }
0xb9: {  	s3 =	sand.u32 $0x4000, s31;
	s1 =	sadd.s32 s1, s30  }
0xba: {  	s0 =	sor.u32 s3, s0;
	s1 =	sshll.u32 s1, $0x11  }
0xbb: {  	s0 =	sor.u32 s1, s0  }
0xbc: {  	s0 =	sadd.s32 $0x8F2B, s0  }
0xbd: {  	[sflag:s0] =	ssyncadd.remote.s32 $0x1  }
0xbe: {  	_ =	sfence.sel $0xFFFF  }
0xbf: {  	[dreg:$0x0] =	wrdreg $0xFFFFFFFF;
	(pc) =	sbr.abs _section_cstart, $3  }
0xc0: {  	[dreg:$0x1] =	wrdreg $0xFFFFFFFF  }
0xc1: {  	_ =	task.clear_ibuf [dreg:s6], $0x2FFFF;
	_ =	strace $0x9FFFFFFF  }
0xc2: {  	(tm) =	ssettm $0x7FFFFFFF  }
0xc3: {  	_ =	shalt  }
tec
execute0_lowered:
.L_overlay_start_1:
0x0: {  	(tag) =	ssettag $0x1  }
0x1: {  	s0 =	srdreg.scid  }
0x2: {  	s1 =	rddreg [dreg:$0x0];
	s11 =	stileid.u32  }
0x3: {  	s2 =	rddreg [dreg:$0x1];
	s18 =	simm.s32 $0x5;
	s28 =	simm.s32 $0x6D00  }
0x4: {  	s29 =	simm.s32 $0x2880;
	s30 =	simm.s32 $0x1;
	s31 =	simm.s32 $0x3  }
0x5: {  	s0 =	sand.u32 $0x1, s0;
	s9 =	smul.u32 $0x280, s11;
	s5 =	sadd.s32 $0xE400, s1  }
0x6: {  	s6 =	sadd.s32 $0x3C00, s1;
	s12 =	sadd.s32 $0xDC00, s1;
	s3 =	sshll.u32 s0, $0x4  }
0x7: {  	s7 =	smul.u32 $0x2800, s0;
	s0 =	ssub.s32 $0x2, s0;
	s4 =	sor.u32 s11, s3  }
0x8: {  	s3 =	simm.s32 $0x0;
	s11 =	sshll.u32 s11, $0x7;
	s20 =	sshrl.u32 s0, $0x1  }
0x9: {  	s4 =	smul.u32 $0x2800, s4;
	[smem:$0x7FF] =	sst s3;
	s7 =	sadd.s32 s9, s7  }
0xa: {  	s19 =	sadd.s32 s11, s1;
	s0 =	ssub.s32 s0, s20;
	s20 =	simm.s32 $0x2D00  }
0xb: {  	_ =	strace $0x8000004D;
	s7 =	sshll.u32 s7, $0x4;
	s8 =	sshrl.u32 s4, $0x3  }
0xc: {  	[dreg:$0x3] =	wrdreg s12;
	s22 =	sadd.s32 $0x3400, s19;
	s10 =	sadd.s32 s8, s1  }
0xd: {  	[dreg:$0x5] =	wrdreg s22;
	s1 =	sadd.s32 s7, s1;
	s21 =	sadd.s32 $0x5EC00, s10  }
0xe: {  	s16 =	smax.u32 s0, $0x1;
	s23 =	sadd.s32 $0x68C00, s1;
	[dreg:$0x4] =	wrdreg s21  }
0xf: {  	s19 =	simm.s32 $0x2900;
	s24 =	sadd.s32 $0x69400, s1;
	[dreg:$0x6] =	wrdreg s23  }
0x10: {  	s0 =	simm.s32 $0x4;
	s25 =	sadd.s32 $0x69C00, s1;
	[dreg:$0x7] =	wrdreg s24  }
0x11: {  	s22 =	simm.s32 $0x2980;
	s26 =	sadd.s32 $0x6A400, s1;
	[dreg:$0x8] =	wrdreg s25  }
0x12: {  	s10 =	sadd.s32 s6, s8;
	s1 =	sadd.s32 $0x6AC00, s1;
	[dreg:$0x9] =	wrdreg s26  }
0x13: {  	s7 =	simm.s32 $0x0;
	[dreg:$0xa] =	wrdreg s1;
	s17 =	sadd.s32 $0x4F0, s10  }
0x14: {  	s21 =	simm.s32 $0x80;
	s23 =	simm.s32 $0x2A00;
	s24 =	simm.s32 $0x2A80  }
0x15: {  	s25 =	simm.s32 $0x2B00;
	s26 =	simm.s32 $0x2800;
	s1 =	simm.s32 $0x2  }
.LBB2_1:
0x16: {  	s8 =	rddreg [dreg:$0x4]  }
0x17: {  	[tilespmem:s3], [sflag:$0x5] =	stream.linear.gather [hbm4b:s8+s3], $0x2800, $0x38;
	[tilespmem:$0x1ED00] =	vst v63  }
0x18: {  	_ =	swait.ge [sflag:s18], $0x2800  }
0x19: {  	[sflag:s18] =	ssyncset.done $0x0  }
0x1a: {  	s14 =	rddreg [dreg:$0x5];
	[sflag:s18] =	ssyncadd.s32 $0xFFFFD800  }
0x1b: {  	[tilespmem:s19], [sflag:$0x5] =	stream.linear.gather [hbm4b:s14+s3], $0x280, $0x38;
	[tilespmem:$0x1ED00] =	vst v63  }
0x1c: {  	_ =	swait.ge [sflag:s18], $0x280  }
0x1d: {  	[sflag:s18] =	ssyncset.done $0x0  }
0x1e: {  	s15 =	rddreg [dreg:$0x3];
	[sflag:s18] =	ssyncadd.s32 $0xFFFFFD80  }
0x1f: {  	[tilespmem:s20], [sflag:$0x5] =	stream.linear.gather [hbm4b:s15+s3], $0x4000, $0x38;
	[tilespmem:$0x1ED00] =	vst v63  }
0x20: {  	_ =	swait.ge [sflag:s18], $0x4000  }
0x21: {  	[sflag:s18] =	ssyncset.done $0x0  }
0x22: {  	[sflag:s18] =	ssyncadd.s32 $0xFFFFC000  }
0x23: {  	[spmem:s2] =	stream.indirect.scatter [tilespmem:s20], [sflag:$0x5], $0x80, s19, s21, $0xb8;
	[tilespmem:$0x1ED00] =	vst v63  }
0x24: {  	_ =	swait.ge [sflag:s18], $0x4000  }
0x25: {  	[sflag:s18] =	ssyncset.done $0x0  }
0x26: {  	[sflag:s18] =	ssyncadd.s32 $0xFFFFC000  }
0x27: {  	[spmem:s2] =	stream.indirect.scatter [tilespmem:s20], [sflag:$0x5], $0x80, s22, s21, $0xb8;
	[tilespmem:$0x1ED00] =	vst v63  }
0x28: {  	_ =	swait.ge [sflag:s18], $0x4000  }
0x29: {  	[sflag:s18] =	ssyncset.done $0x0  }
0x2a: {  	[sflag:s18] =	ssyncadd.s32 $0xFFFFC000  }
0x2b: {  	[spmem:s2] =	stream.indirect.scatter [tilespmem:s20], [sflag:$0x5], $0x80, s23, s21, $0xb8;
	[tilespmem:$0x1ED00] =	vst v63  }
0x2c: {  	_ =	swait.ge [sflag:s18], $0x4000  }
0x2d: {  	[sflag:s18] =	ssyncset.done $0x0  }
0x2e: {  	[sflag:s18] =	ssyncadd.s32 $0xFFFFC000  }
0x2f: {  	[spmem:s2] =	stream.indirect.scatter [tilespmem:s20], [sflag:$0x5], $0x80, s24, s21, $0xb8;
	[tilespmem:$0x1ED00] =	vst v63  }
0x30: {  	_ =	swait.ge [sflag:s18], $0x4000  }
0x31: {  	[sflag:s18] =	ssyncset.done $0x0  }
0x32: {  	[sflag:s18] =	ssyncadd.s32 $0xFFFFC000  }
0x33: {  	[spmem:s2] =	stream.indirect.scatter [tilespmem:s20], [sflag:$0x5], $0x80, s25, s21, $0xb8;
	[tilespmem:$0x1ED00] =	vst v63  }
0x34: {  	_ =	swait.ge [sflag:s18], $0x4000  }
0x35: {  	s9 =	simm.s32 $0x0;
	[sflag:s18] =	ssyncset.done $0x0  }
0x36: {  	s8 =	sand.u32 $0x3C00, s9;
	s9 =	simm.s32 $0x80;
	[sflag:s18] =	ssyncadd.s32 $0xFFFFC000  }
0x37: {  	s8 =	sadd.s32 s4, s8;
	s9 =	sand.u32 $0x380, s9;
	[bflag:$0x0] =	sbarrier.arrive $0xFFFF  }
0x38: {  	[tilespmem:s20], [sflag:$0x1] =	stream.indirect.gather [hbm4b:s5+s21], $0x80, s3, s21, $0xb8;
	[tilespmem:$0x1ED00] =	vst v63  }
0x39: {  	s8 =	sor.u32 s8, s9  }
0x3a: {  	[tilespmem:s26], [sflag:$0x3] =	stream.linear.gather [hbm4b:s10+s3], $0x80, $0x38;
	[tilespmem:$0x1ED00] =	vst v63  }
0x3b: {  	s11 =	simm.s32 $0x80;
	s8 =	sshrl.u32 s8, $0x3  }
0x3c: {  	[tilespmem:s28], [sflag:$0x2] =	stream.indirect.gather [hbm4b:s5+s21], $0x80, s11, s21, $0xb8;
	[tilespmem:$0x1ED00] =	vst v63  }
0x3d: {  	s8 =	sadd.s32 s6, s8  }
0x3e: {  	[tilespmem:s29], [sflag:$0x4] =	stream.linear.gather [hbm4b:s8+s3], $0x80, $0x38;
	[tilespmem:$0x1ED00] =	vst v63  }
0x3f: {  	_ =	swait.ge [sflag:s30], $0x4000  }
0x40: {  	[sflag:s30] =	ssyncset.done $0x0  }
0x41: {  	[sflag:s30] =	ssyncadd.s32 $0xFFFFC000  }
0x42: {  	_ =	swait.ge [sflag:s31], $0x80  }
0x43: {  	s12 =	simm.s32 $0x100;
	[sflag:s31] =	ssyncset.done $0x0  }
0x44: {  	s13 =	sand.u32 $0x3C00, s12;
	[sflag:s31] =	ssyncadd.s32 $0xFFFFFF80  }
0x45: {  	[spmem:s2] =	stream.indirect.scatter.add.f32 [tilespmem:s20], [sflag:$0x5], $0x80, s26, s21, $0xb8;
	[tilespmem:$0x1ED00] =	vst v63  }
0x46: {  	s9 =	sadd.s32 s4, s13;
	s11 =	sand.u32 $0x300, s12;
	_ =	swait.ge [sflag:s18], $0x4000  }
0x47: {  	s9 =	sor.u32 s11, s9;
	[sflag:s18] =	ssyncset.done $0x0  }
0x48: {  	s14 =	sshrl.u32 s9, $0x3;
	[sflag:s18] =	ssyncadd.s32 $0xFFFFC000  }
0x49: {  	[tilespmem:s20], [sflag:$0x1] =	stream.indirect.gather [hbm4b:s5+s21], $0x80, s12, s21, $0xb8;
	[tilespmem:$0x1ED00] =	vst v63  }
0x4a: {  	s8 =	sadd.s32 s6, s14  }
0x4b: {  	[tilespmem:s26], [sflag:$0x3] =	stream.linear.gather [hbm4b:s8+s3], $0x80, $0x38;
	[tilespmem:$0x1ED00] =	vst v63  }
0x4c: {  	_ =	swait.ge [sflag:s1], $0x4000  }
0x4d: {  	s15 =	simm.s32 $0x100;
	[sflag:s1] =	ssyncset.done $0x0  }
0x4e: {  	s13 =	sand.u32 $0x3C00, s15;
	s11 =	simm.s32 $0x300;
	[sflag:s1] =	ssyncadd.s32 $0xFFFFC000  }
0x4f: {  	s9 =	simm.s32 $0x200;
	s8 =	simm.s32 $0x200;
	_ =	swait.ge [sflag:s0], $0x80  }
.LBB2_2:
0x50: {  	s13 =	sadd.s32 s4, s13  }
0x51: {  	s14 =	sadd.s32 $0xFFFFFF80, s8;
	[sflag:s0] =	ssyncset.done $0x0;
	s15 =	smov.u32 s11  }
0x52: {  	s12 =	sadd.s32 $0x100, s11;
	s14 =	sand.u32 $0x380, s14;
	[sflag:s0] =	ssyncadd.s32 $0xFFFFFF80  }
0x53: {  	[spmem:s2] =	stream.indirect.scatter.add.f32 [tilespmem:s28], [sflag:$0x5], $0x80, s29, s21, $0xb8;
	[tilespmem:$0x1ED00] =	vst v63  }
0x54: {  	p0 =	sne.s32 s11, $0x2700;
	s11 =	sor.u32 s13, s14;
	_ =	swait.ge [sflag:s18], $0x4000  }
0x55: {  	s11 =	sshrl.u32 s11, $0x3;
	[sflag:s18] =	ssyncset.done $0x0  }
0x56: {  	s13 =	sadd.s32 $0xFFFFFF80, s9;
	s11 =	sadd.s32 s6, s11;
	[sflag:s18] =	ssyncadd.s32 $0xFFFFC000  }
0x57: {  	[tilespmem:s28], [sflag:$0x2] =	stream.indirect.gather [hbm4b:s5+s21], $0x80, s13, s21, $0xb8;
	[tilespmem:$0x1ED00] =	vst v63  }
0x58: {  	_ = 	snop  }
0x59: {  	[tilespmem:s29], [sflag:$0x4] =	stream.linear.gather [hbm4b:s11+s3], $0x80, $0x38;
	[tilespmem:$0x1ED00] =	vst v63  }
0x5a: {  	_ =	swait.ge [sflag:s30], $0x4000  }
0x5b: {  	[sflag:s30] =	ssyncset.done $0x0  }
0x5c: {  	[sflag:s30] =	ssyncadd.s32 $0xFFFFC000  }
0x5d: {  	_ =	swait.ge [sflag:s31], $0x80  }
0x5e: {  	[sflag:s31] =	ssyncset.done $0x0  }
0x5f: {  	[sflag:s31] =	ssyncadd.s32 $0xFFFFFF80  }
0x60: {  	[spmem:s2] =	stream.indirect.scatter.add.f32 [tilespmem:s20], [sflag:$0x5], $0x80, s26, s21, $0xb8;
	[tilespmem:$0x1ED00] =	vst v63  }
0x61: {  	s11 =	sand.u32 $0x3C00, s8;
	_ =	swait.ge [sflag:s18], $0x4000  }
0x62: {  	s8 =	sand.u32 $0x300, s8;
	s11 =	sadd.s32 s4, s11;
	[sflag:s18] =	ssyncset.done $0x0  }
0x63: {  	s11 =	sor.u32 s8, s11;
	s8 =	smov.u32 s15;
	[sflag:s18] =	ssyncadd.s32 $0xFFFFC000  }
0x64: {  	[tilespmem:s20], [sflag:$0x1] =	stream.indirect.gather [hbm4b:s5+s21], $0x80, s9, s21, $0xb8;
	[tilespmem:$0x1ED00] =	vst v63  }
0x65: {  	s11 =	sshrl.u32 s11, $0x3  }
0x66: {  	s11 =	sadd.s32 s6, s11  }
0x67: {  	[tilespmem:s26], [sflag:$0x3] =	stream.linear.gather [hbm4b:s11+s3], $0x80, $0x38;
	[tilespmem:$0x1ED00] =	vst v63  }
.Ltmp0:
0x68: {  	_ = 	snop;
	(pc) =	sbr.rel @p0 .LBB2_2-.Ltmp0, $4  }
0x69: {  	_ =	swait.ge [sflag:s1], $0x4000  }
0x6a: {  	[sflag:s1] =	ssyncset.done $0x0  }
0x6b: {  	s9 =	sadd.s32 $0x100, s9;
	s11 =	sadd.s32 $0xFFFFFF00, s8;
	[sflag:s1] =	ssyncadd.s32 $0xFFFFC000  }
0x6c: {  	s13 =	sand.u32 $0x3C00, s11;
	s11 =	smov.u32 s12;
	_ =	swait.ge [sflag:s0], $0x80  }
0x6d: {  	[sflag:s0] =	ssyncset.done $0x0  }
0x6e: {  	s11 =	sadd.s32 $0xFFFFFF80, s8;
	[sflag:s0] =	ssyncadd.s32 $0xFFFFFF80  }
0x6f: {  	[spmem:s2] =	stream.indirect.scatter.add.f32 [tilespmem:s28], [sflag:$0x5], $0x80, s29, s21, $0xb8;
	[tilespmem:$0x1ED00] =	vst v63  }
0x70: {  	s12 =	sadd.s32 s4, s13;
	s11 =	sand.u32 $0x380, s11;
	_ =	swait.ge [sflag:s18], $0x4000  }
0x71: {  	s11 =	sor.u32 s12, s11;
	[sflag:s18] =	ssyncset.done $0x0  }
0x72: {  	s13 =	sadd.s32 $0xFFFFFF80, s9;
	s11 =	sshrl.u32 s11, $0x3;
	[sflag:s18] =	ssyncadd.s32 $0xFFFFC000  }
0x73: {  	[tilespmem:s28], [sflag:$0x2] =	stream.indirect.gather [hbm4b:s5+s21], $0x80, s13, s21, $0xb8;
	[tilespmem:$0x1ED00] =	vst v63  }
0x74: {  	s11 =	sadd.s32 s6, s11  }
0x75: {  	[tilespmem:s29], [sflag:$0x4] =	stream.linear.gather [hbm4b:s11+s3], $0x80, $0x38;
	[tilespmem:$0x1ED00] =	vst v63  }
0x76: {  	_ =	swait.ge [sflag:s30], $0x4000  }
0x77: {  	[sflag:s30] =	ssyncset.done $0x0  }
0x78: {  	[sflag:s30] =	ssyncadd.s32 $0xFFFFC000  }
0x79: {  	_ =	swait.ge [sflag:s31], $0x80  }
0x7a: {  	[sflag:s31] =	ssyncset.done $0x0  }
0x7b: {  	s14 =	sand.u32 $0x3C00, s8;
	[sflag:s31] =	ssyncadd.s32 $0xFFFFFF80  }
0x7c: {  	[spmem:s2] =	stream.indirect.scatter.add.f32 [tilespmem:s20], [sflag:$0x5], $0x80, s26, s21, $0xb8;
	[tilespmem:$0x1ED00] =	vst v63  }
0x7d: {  	s15 =	sand.u32 $0x300, s8;
	s11 =	sadd.s32 s4, s14;
	_ =	swait.ge [sflag:s18], $0x4000  }
0x7e: {  	s8 =	sor.u32 s15, s11;
	[sflag:s18] =	ssyncset.done $0x0  }
0x7f: {  	s8 =	sshrl.u32 s8, $0x3;
	[sflag:s18] =	ssyncadd.s32 $0xFFFFC000  }
0x80: {  	[tilespmem:s20], [sflag:$0x1] =	stream.indirect.gather [hbm4b:s5+s21], $0x80, s9, s21, $0xb8;
	[tilespmem:$0x1ED00] =	vst v63  }
0x81: {  	s8 =	sadd.s32 s6, s8  }
0x82: {  	[tilespmem:s26], [sflag:$0x3] =	stream.linear.gather [hbm4b:s8+s3], $0x80, $0x38;
	[tilespmem:$0x1ED00] =	vst v63  }
0x83: {  	_ =	swait.ge [sflag:s1], $0x4000  }
0x84: {  	[sflag:s1] =	ssyncset.done $0x0  }
0x85: {  	[sflag:s1] =	ssyncadd.s32 $0xFFFFC000  }
0x86: {  	_ =	swait.ge [sflag:s0], $0x80  }
0x87: {  	[sflag:s0] =	ssyncset.done $0x0  }
0x88: {  	[sflag:s0] =	ssyncadd.s32 $0xFFFFFF80  }
0x89: {  	[spmem:s2] =	stream.indirect.scatter.add.f32 [tilespmem:s28], [sflag:$0x5], $0x80, s29, s21, $0xb8;
	[tilespmem:$0x1ED00] =	vst v63  }
0x8a: {  	_ =	swait.ge [sflag:s18], $0x4000  }
0x8b: {  	[sflag:s18] =	ssyncset.done $0x0  }
0x8c: {  	s9 =	simm.s32 $0x2780;
	[sflag:s18] =	ssyncadd.s32 $0xFFFFC000  }
0x8d: {  	[tilespmem:s28], [sflag:$0x2] =	stream.indirect.gather [hbm4b:s5+s21], $0x80, s9, s21, $0xb8;
	[tilespmem:$0x1ED00] =	vst v63  }
0x8e: {  	_ = 	snop  }
0x8f: {  	[tilespmem:s29], [sflag:$0x4] =	stream.linear.gather [hbm4b:s17+s3], $0x80, $0x38;
	[tilespmem:$0x1ED00] =	vst v63  }
0x90: {  	_ =	swait.ge [sflag:s30], $0x4000  }
0x91: {  	[sflag:s30] =	ssyncset.done $0x0  }
0x92: {  	[sflag:s30] =	ssyncadd.s32 $0xFFFFC000  }
0x93: {  	_ =	swait.ge [sflag:s31], $0x80  }
0x94: {  	[sflag:s31] =	ssyncset.done $0x0  }
0x95: {  	[sflag:s31] =	ssyncadd.s32 $0xFFFFFF80  }
0x96: {  	[spmem:s2] =	stream.indirect.scatter.add.f32 [tilespmem:s20], [sflag:$0x5], $0x80, s26, s21, $0xb8;
	[tilespmem:$0x1ED00] =	vst v63  }
0x97: {  	_ =	swait.ge [sflag:s18], $0x4000  }
0x98: {  	[sflag:s18] =	ssyncset.done $0x0  }
0x99: {  	[sflag:s18] =	ssyncadd.s32 $0xFFFFC000  }
0x9a: {  	[tilespmem:s20], [sflag:$0x1] =	stream.indirect.gather [hbm4b:s5+s21], $0x80, s3, s21, $0xb8;
	[tilespmem:$0x1ED00] =	vst v63  }
0x9b: {  	_ = 	snop  }
0x9c: {  	[tilespmem:s26], [sflag:$0x3] =	stream.linear.gather [hbm4b:s10+s3], $0x80, $0x38;
	[tilespmem:$0x1ED00] =	vst v63  }
0x9d: {  	_ =	swait.ge [sflag:s1], $0x4000  }
0x9e: {  	[sflag:s1] =	ssyncset.done $0x0  }
0x9f: {  	[sflag:s1] =	ssyncadd.s32 $0xFFFFC000  }
0xa0: {  	_ =	swait.ge [sflag:s0], $0x80  }
0xa1: {  	[sflag:s0] =	ssyncset.done $0x0  }
0xa2: {  	[sflag:s0] =	ssyncadd.s32 $0xFFFFFF80  }
0xa3: {  	[spmem:s2] =	stream.indirect.scatter.add.f32 [tilespmem:s28], [sflag:$0x5], $0x80, s29, s21, $0xb8;
	[tilespmem:$0x1ED00] =	vst v63  }
0xa4: {  	_ =	swait.ge [sflag:s18], $0x4000  }
0xa5: {  	[sflag:s18] =	ssyncset.done $0x0  }
0xa6: {  	[sflag:s18] =	ssyncadd.s32 $0xFFFFC000  }
0xa7: {  	_ =	swait.ge [sflag:s30], $0x4000  }
0xa8: {  	[sflag:s30] =	ssyncset.done $0x0  }
0xa9: {  	[sflag:s30] =	ssyncadd.s32 $0xFFFFC000  }
0xaa: {  	_ =	swait.ge [sflag:s31], $0x80  }
0xab: {  	[sflag:s31] =	ssyncset.done $0x0  }
0xac: {  	[sflag:s31] =	ssyncadd.s32 $0xFFFFFF80  }
0xad: {  	[bflag:$0x0] =	sbarrier.arrive $0xFFFF  }
0xae: {  	[tilespmem:s20], [sflag:$0x5] =	stream.indirect.gather [spmem:s2], $0x80, s19, s21, $0xb8;
	[tilespmem:$0x1ED00] =	vst v63  }
0xaf: {  	_ =	swait.ge [sflag:s18], $0x4000  }
0xb0: {  	[sflag:s18] =	ssyncset.done $0x0  }
0xb1: {  	s11 =	rddreg [dreg:$0x6];
	[sflag:s18] =	ssyncadd.s32 $0xFFFFC000  }
0xb2: {  	[hbm4b:s11+s3] =	stream.linear.scatter [tilespmem:s20], [sflag:$0x5], $0x4000, $0x38;
	[tilespmem:$0x1ED00] =	vst v63  }
0xb3: {  	_ =	swait.ge [sflag:s18], $0x4000  }
0xb4: {  	[sflag:s18] =	ssyncset.done $0x0  }
0xb5: {  	[sflag:s18] =	ssyncadd.s32 $0xFFFFC000  }
0xb6: {  	[tilespmem:s20], [sflag:$0x5] =	stream.indirect.gather [spmem:s2], $0x80, s22, s21, $0xb8;
	[tilespmem:$0x1ED00] =	vst v63  }
0xb7: {  	_ =	swait.ge [sflag:s18], $0x4000  }
0xb8: {  	[sflag:s18] =	ssyncset.done $0x0  }
0xb9: {  	s12 =	rddreg [dreg:$0x7];
	[sflag:s18] =	ssyncadd.s32 $0xFFFFC000  }
0xba: {  	[hbm4b:s12+s3] =	stream.linear.scatter [tilespmem:s20], [sflag:$0x5], $0x4000, $0x38;
	[tilespmem:$0x1ED00] =	vst v63  }
0xbb: {  	_ =	swait.ge [sflag:s18], $0x4000  }
0xbc: {  	[sflag:s18] =	ssyncset.done $0x0  }
0xbd: {  	[sflag:s18] =	ssyncadd.s32 $0xFFFFC000  }
0xbe: {  	[tilespmem:s20], [sflag:$0x5] =	stream.indirect.gather [spmem:s2], $0x80, s23, s21, $0xb8;
	[tilespmem:$0x1ED00] =	vst v63  }
0xbf: {  	_ =	swait.ge [sflag:s18], $0x4000  }
0xc0: {  	[sflag:s18] =	ssyncset.done $0x0  }
0xc1: {  	s13 =	rddreg [dreg:$0x8];
	[sflag:s18] =	ssyncadd.s32 $0xFFFFC000  }
0xc2: {  	[hbm4b:s13+s3] =	stream.linear.scatter [tilespmem:s20], [sflag:$0x5], $0x4000, $0x38;
	[tilespmem:$0x1ED00] =	vst v63  }
0xc3: {  	_ =	swait.ge [sflag:s18], $0x4000  }
0xc4: {  	[sflag:s18] =	ssyncset.done $0x0  }
0xc5: {  	[sflag:s18] =	ssyncadd.s32 $0xFFFFC000  }
0xc6: {  	[tilespmem:s20], [sflag:$0x5] =	stream.indirect.gather [spmem:s2], $0x80, s24, s21, $0xb8;
	[tilespmem:$0x1ED00] =	vst v63  }
0xc7: {  	_ =	swait.ge [sflag:s18], $0x4000  }
0xc8: {  	[sflag:s18] =	ssyncset.done $0x0  }
0xc9: {  	s14 =	rddreg [dreg:$0x9];
	[sflag:s18] =	ssyncadd.s32 $0xFFFFC000  }
0xca: {  	[hbm4b:s14+s3] =	stream.linear.scatter [tilespmem:s20], [sflag:$0x5], $0x4000, $0x38;
	[tilespmem:$0x1ED00] =	vst v63  }
0xcb: {  	_ =	swait.ge [sflag:s18], $0x4000  }
0xcc: {  	[sflag:s18] =	ssyncset.done $0x0  }
0xcd: {  	[sflag:s18] =	ssyncadd.s32 $0xFFFFC000  }
0xce: {  	[tilespmem:s20], [sflag:$0x5] =	stream.indirect.gather [spmem:s2], $0x80, s25, s21, $0xb8;
	[tilespmem:$0x1ED00] =	vst v63  }
0xcf: {  	s7 =	sadd.s32 $0x1, s7;
	_ =	swait.ge [sflag:s18], $0x4000  }
0xd0: {  	p0 =	sne.s32 s7, s16;
	[sflag:s18] =	ssyncset.done $0x0  }
.Ltmp1:
0xd1: {  	s15 =	rddreg [dreg:$0xa];
	[sflag:s18] =	ssyncadd.s32 $0xFFFFC000;
	(pc) =	sbr.rel @p0 .LBB2_1-.Ltmp1, $4  }
0xd2: {  	[hbm4b:s15+s3] =	stream.linear.scatter [tilespmem:s20], [sflag:$0x5], $0x4000, $0x38;
	[tilespmem:$0x1ED00] =	vst v63  }
0xd3: {  	_ =	swait.ge [sflag:s18], $0x4000  }
0xd4: {  	[sflag:s18] =	ssyncset.done $0x0  }
0xd5: {  	[sflag:s18] =	ssyncadd.s32 $0xFFFFC000  }
0xd6: {  	_ =	sfence.sel $0x180000  }
0xd7: {  	[bflag:$0x0] =	sbarrier.arrive $0xFFFF  }
0xd8: {  	_ =	strace $0x9000004D  }
0xd9: {  	s0 =	stileid.u32;
	[bflag:$0x2] =	sbarrier.arrive $0xFFFF  }
0xda: {  	p0 =	sne.s32 s0, $0x0;
	s0 =	rddreg [dreg:$0x2]  }
0xdb: {  	s0 =	sadd.s32 @!p0 $0x100000, s0  }
0xdc: {  	[sflag:s0] =	ssyncadd.tile.s32 @!p0 $0x1;
	_ =	shalt  }
.Lfunc_end2:
_tile_overlayer_lowered:
.L_overlay_start_2:
0xdd: {  	(tag) =	ssettag $0x2  }
0xde: {  	s0 =	rddreg [dreg:$0x0];
	s2 =	stileid.u32  }
0xdf: {  	s1 =	rddreg [dreg:$0x1];
	p0 =	sne.s32 s2, $0x0  }
0xe0: {  	s3 =	rddreg [dreg:$0x2];
	[bflag:$0x3] =	sbarrier.arrive $0xFFFF;
	s2 =	simm.s32 @!p0 $0x1C05  }
0xe1: {  	[timem:s3], [sflag:s2] =	dma.local @!p0 [hbm:s0], s1  }
0xe2: {  	s0 =	simm.s32 @!p0 $0x5  }
0xe3: {  	_ =	swait.ge @!p0 [sflag:s0], s1  }
0xe4: {  	s1 =	ssub.s32 @!p0 $0x0, s1;
	[sflag:s0] =	ssyncset.done @!p0 $0x0  }
0xe5: {  	[sflag:s0] =	ssyncadd.s32 @!p0 s1  }
0xe6: {  	[bflag:$0x3] =	sbarrier.arrive $0xFFFF  }
0xe7: {  	_ =	shalt  }

// kernel: kernel.9.cloned.1.call-start
scs
__scs_entry_jumppad:
0x0: {  	(pc) =	sbr.rel $0x88, $3  }
0x1: {  	(tag) =	ssettag $0x0;
	lr =	simm.s32 $0x1  }
0x2: {  	[smem:$0x3F98] =	sst lr;
	_ =	strace $0xD0000000  }
0x3: {  	_ = 	snop  }
0x4: {  	_ = 	snop  }
0x5: {  	_ = 	snop  }
0x6: {  	_ = 	snop  }
0x7: {  	_ = 	snop  }
__scs_overlays_trampoline_lowered:
0x8: {  	[smem:$0x3FA7] =	sst s0  }
0x9: {  	[smem:$0x3FA8] =	sst s1  }
0xa: {  	[smem:$0x3FA9] =	sst s2  }
0xb: {  	[smem:$0x3FAA] =	sst s3  }
0xc: {  	[smem:$0x3FAB] =	sst s4  }
0xd: {  	[smem:$0x3FAC] =	sst s5  }
0xe: {  	[smem:$0x3FAD] =	sst s6  }
0xf: {  	[smem:$0x3FAE] =	sst s7  }
0x10: {  	[smem:$0x3FAF] =	sst s8  }
0x11: {  	[smem:$0x3FB0] =	sst s9;
	s0 =	simm.s32 @!p0 $0x0  }
0x12: {  	s1 =	sld [smem:$0x3F96];
	s0 =	simm.s32 @p0 $0x1  }
0x13: {  	[smem:$0x3FB1] =	sst s0;
	s0 =	simm.s32 @!p1 $0x0  }
0x14: {  	s2 =	sld [smem:$0x3F95];
	s0 =	simm.s32 @p1 $0x1  }
0x15: {  	[smem:$0x3FB2] =	sst s0;
	s0 =	simm.s32 @!p2 $0x0  }
0x16: {  	s3 =	sld [smem:$0x3FDB];
	s0 =	simm.s32 @p2 $0x1  }
0x17: {  	s4 =	simm.s32 $0x1BF5;
	[smem:$0x3FB4] =	sst s0  }
0x18: {  	s0 =	sld [smem:$0x3F97];
	_ =	swait.ge [sflag:s4], $0x0  }
0x19: {  	s7 =	sld [smem:$0x3F98]  }
0x1a: {  	s8 =	sadd.s32 $0xFFFFE003, lr  }
0x1b: {  	s9 =	sadd.s32 $0xFFFFFEF7, lr;
	s5 =	simm.s32 $0xFFFFFFFF;
	p2 =	slt.u32 s8, $0xFFFFF086  }
0x1c: {  	p1 =	slt.u32 s9, $0xF7A;
	s5 =	simm.s32 @!p2 $0x0  }
0x1d: {  	s5 =	simm.s32 @p1 $0x1;
	p0 =	seq.s32 s7, s2  }
0x1e: {  	s7 =	smul.u32 @!p0 $0xF7A, s2;
	p2 =	seq.s32 @!p0 s5, $0x0  }
0x1f: {  	s9 =	smul.u32 $0xF7A, s1;
	s8 =	simm.s32 @!p0 $0x1BF5;
	p2 =	por !p2, p0  }
0x20: {  	[sflag:s8] =	ssyncset.s32 @!p0 $0xFFFFF086;
	s6 =	sadd.s32 @!p0 s3, s7;
	s7 =	simm.s32 @!p0 $0x108  }
0x21: {  	s3 =	sadd.s32 s3, s9;
	s6 =	sadd.s32 @!p0 $0x88, s6;
	s7 =	simm.s32 @p2 $0x1082  }
0x22: {  	[simem:s7], [sflag:s8] =	dma.local @!p0 [hbm:s6], $0xF7A  }
0x23: {  	s9 =	sor.u32 $0xD0000000, s2;
	s6 =	simm.s32 $0x108;
	_ =	swait.ge @!p0 [sflag:s8], $0x0  }
0x24: {  	s3 =	sadd.s32 $0x88, s3;
	s6 =	simm.s32 @!p1 $0x1082;
	[sflag:s4] =	ssyncset.s32 $0xFFFFF086  }
0x25: {  	[simem:s6], [sflag:s4] =	dma.local [hbm:s3], $0xF7A  }
0x26: {  	[smem:$0x3F98] =	sst s1;
	(tag) =	ssettag s2;
	_ =	strace s9  }
0x27: {  	s1 =	sld [smem:$0x3FA8]  }
0x28: {  	s2 =	sld [smem:$0x3FA9]  }
0x29: {  	s4 =	sld [smem:$0x3FAB]  }
0x2a: {  	p0 =	seq.s32 s5, $0x0;
	s5 =	sld [smem:$0x3FAC]  }
0x2b: {  	s6 =	sld [smem:$0x3FAD]  }
0x2c: {  	s7 =	sld [smem:$0x3FAE]  }
0x2d: {  	s3 =	simm.s32 $0x108;
	s8 =	sld [smem:$0x3FAF]  }
0x2e: {  	s3 =	simm.s32 @!p0 $0x1082;
	s9 =	sld [smem:$0x3FB0]  }
0x2f: {  	lr =	sadd.s32 s0, s3;
	s0 =	sld [smem:$0x3FA7]  }
0x30: {  	s3 =	sld [smem:$0x3FAA]  }
0x31: {  	[smem:$0x3FB3] =	sst s10  }
0x32: {  	s10 =	sld [smem:$0x3FB1];
	_ =	sdelay $0x3  }
0x33: {  	p0 =	seq.s32 s10, $0x1;
	s10 =	sld [smem:$0x3FB3];
	_ =	sdelay $0x3  }
0x34: {  	[smem:$0x3FB3] =	sst s10  }
0x35: {  	s10 =	sld [smem:$0x3FB2];
	_ =	sdelay $0x3  }
0x36: {  	p1 =	seq.s32 s10, $0x1;
	s10 =	sld [smem:$0x3FB3];
	_ =	sdelay $0x3  }
0x37: {  	[smem:$0x3FB3] =	sst s10  }
0x38: {  	s10 =	sld [smem:$0x3FB4]  }
0x39: {  	_ = 	snop;
	(pc) =	sbr.ind lr, $3  }
0x3a: {  	_ = 	snop  }
0x3b: {  	_ = 	snop  }
0x3c: {  	p2 =	seq.s32 s10, $0x1;
	s10 =	sld [smem:$0x3FB3]  }
0x3d: {  	_ =	shalt  }
0x3e: {  	_ =	shalt  }
0x3f: {  	_ =	shalt  }
0x40: {  	_ =	shalt  }
0x41: {  	_ =	shalt  }
0x42: {  	_ =	shalt  }
0x43: {  	_ =	shalt  }
0x44: {  	_ =	shalt  }
0x45: {  	_ =	shalt  }
0x46: {  	_ =	shalt  }
0x47: {  	_ =	shalt  }
0x48: {  	_ =	shalt  }
0x49: {  	_ =	shalt  }
0x4a: {  	_ =	shalt  }
0x4b: {  	_ =	shalt  }
0x4c: {  	_ =	shalt  }
0x4d: {  	_ =	shalt  }
0x4e: {  	_ =	shalt  }
0x4f: {  	_ =	shalt  }
0x50: {  	_ =	shalt  }
0x51: {  	_ =	shalt  }
0x52: {  	_ =	shalt  }
0x53: {  	_ =	shalt  }
0x54: {  	_ =	shalt  }
0x55: {  	_ =	shalt  }
0x56: {  	_ =	shalt  }
0x57: {  	_ =	shalt  }
0x58: {  	_ =	shalt  }
0x59: {  	_ =	shalt  }
0x5a: {  	_ =	shalt  }
0x5b: {  	_ =	shalt  }
0x5c: {  	_ =	shalt  }
0x5d: {  	_ =	shalt  }
0x5e: {  	_ =	shalt  }
0x5f: {  	_ =	shalt  }
0x60: {  	_ =	shalt  }
0x61: {  	_ =	shalt  }
0x62: {  	_ =	shalt  }
0x63: {  	_ =	shalt  }
0x64: {  	_ =	shalt  }
0x65: {  	_ =	shalt  }
0x66: {  	_ =	shalt  }
0x67: {  	_ =	shalt  }
0x68: {  	_ =	shalt  }
0x69: {  	_ =	shalt  }
0x6a: {  	_ =	shalt  }
0x6b: {  	_ =	shalt  }
0x6c: {  	_ =	shalt  }
0x6d: {  	_ =	shalt  }
0x6e: {  	_ =	shalt  }
0x6f: {  	_ =	shalt  }
0x70: {  	_ =	shalt  }
0x71: {  	_ =	shalt  }
0x72: {  	_ =	shalt  }
0x73: {  	_ =	shalt  }
0x74: {  	_ =	shalt  }
0x75: {  	_ =	shalt  }
0x76: {  	_ =	shalt  }
0x77: {  	_ =	shalt  }
0x78: {  	_ =	shalt  }
0x79: {  	_ =	shalt  }
0x7a: {  	_ =	shalt  }
0x7b: {  	_ =	shalt  }
0x7c: {  	_ =	shalt  }
0x7d: {  	_ =	shalt  }
0x7e: {  	_ =	shalt  }
0x7f: {  	_ =	shalt  }
0x80: {  	_ =	shalt  }
0x81: {  	_ =	shalt  }
0x82: {  	_ =	shalt  }
0x83: {  	_ =	shalt  }
0x84: {  	_ =	shalt  }
0x85: {  	_ =	shalt  }
0x86: {  	_ =	shalt  }
0x87: {  	_ =	shalt  }
.Lfunc_end0:
.L_simem_size_0:
called_computation_lowered:
.L_overlay_start_0:
0x88: {  	s2 =	sld [smem:$0x3FD9]  }
0x89: {  	s3 =	sld [smem:$0x3FFE];
	_ =	sdelay $0x1  }
0x8a: {  	s1 =	srdreg.scid  }
0x8b: {  	s0 =	sand.u32 $0x1, s1  }
0x8c: {  	s16 =	sshll.u32 s0, $0xA;
	s2 =	sadd.s32 s3, s2  }
0x8d: {  	s2 =	sadd.s32 s2, s16  }
0x8e: {  	[smem:$0x3FBF] =	sst s2  }
0x8f: {  	_ = 	snop  }
0x90: {  	(tm) =	ssettm $0x1  }
0x91: {  	s17 =	sld [smem:$0x3FFB];
	_ =	sdelay $0x3  }
0x92: {  	_ =	strace s17  }
0x93: {  	s2 =	sld [smem:$0x3FFC];
	_ =	sdelay $0x3  }
0x94: {  	_ =	strace s2  }
0x95: {  	s2 =	sld [smem:$0x3FFD];
	_ =	sdelay $0x3  }
0x96: {  	_ =	strace s2  }
0x97: {  	_ =	strace $0x8FFFFFFF  }
0x98: {  	s18 =	sld [smem:$0x3FDB];
	_ =	sdelay $0x1  }
0x99: {  	s19 =	simm.s32 $_scs_section_size  }
0x9a: {  	s4 =	simm.s32 $_size__tile_overlayer_lowered;
	s5 =	simm.s32 $_tile_overlayer_lowered  }
0x9b: {  	s22 =	simm.s32 $0x1BFF;
	s21 =	sshll.u32 s5, $0x1;
	s2 =	sadd.s32 s19, s18  }
0x9c: {  	s6 =	simm.s32 $0x0;
	s20 =	sshll.u32 s4, $0x1;
	s4 =	sadd.s32 s21, s2  }
0x9d: {  	[timem:s6], [sflag:s22] =	dma.local [hbm:s4], s20  }
0x9e: {  	_ =	swait.ge [sflag:s22], s20  }
0x9f: {  	s3 =	ssub.s32 $0x0, s20;
	[sflag:s22] =	ssyncset.done $0x0  }
0xa0: {  	[sflag:s22] =	ssyncadd.s32 s3;
	_ =	sdelay $0x1  }
0xa1: {  	s23 =	simm.s32 $0x1B8B  }
0xa2: {  	_ =	swait.ge [sflag:s23], $0x1  }
0xa3: {  	[sflag:s23] =	ssyncset.done $0x0  }
0xa4: {  	s25 =	simm.s32 $0x1B8E;
	s24 =	sld [smem:$0x3FFE];
	[sflag:s23] =	ssyncadd.s32 $0xFFFFFFFF  }
0xa5: {  	s26 =	simm.s32 $execute0_lowered;
	[smem:$0x3FD2] =	sst s25  }
0xa6: {  	s4 =	sshll.u32 s26, $0x1;
	_ =	strace $0x80000046;
	[dreg:$0x1] =	wrdreg $0xFFFFFFFF  }
0xa7: {  	s28 =	simm.s32 $_size_execute0_lowered;
	s2 =	sadd.s32 s2, s4;
	[dreg:$0x0] =	wrdreg $0x0  }
0xa8: {  	s4 =	sshll.u32 s28, $0x1;
	[dreg:$0x2] =	wrdreg s2  }
0xa9: {  	[dreg:$0x3] =	wrdreg s4  }
0xaa: {  	[dreg:$0x4] =	wrdreg $0xC0  }
0xab: {  	_ =	task [dreg:s6], $0x5FFFF  }
0xac: {  	[dreg:$0x1] =	wrdreg $0xFFFFFFFF  }
0xad: {  	[dreg:$0x0] =	wrdreg $0x60  }
0xae: {  	[dreg:$0x2] =	wrdreg s24  }
0xaf: {  	[dreg:$0x3] =	wrdreg $0xAC000  }
0xb0: {  	[dreg:$0x4] =	wrdreg $0x9  }
0xb1: {  	_ =	task.clear_ibuf [dreg:s6], $0x5FFFF;
	_ =	strace $0x90000046  }
0xb2: {  	s29 =	simm.s32 $0x9;
	_ =	strace $0x80000048  }
0xb3: {  	_ =	swait.ge [sflag:s29], $0x1  }
0xb4: {  	[sflag:s29] =	ssyncadd.s32 $0xFFFFFFFF  }
0xb5: {  	_ =	strace $0x90000048  }
0xb6: {  	_ =	sfence  }
0xb7: {  	s30 =	sld [smem:$0x0];
	_ =	sdelay $0x2  }
0xb8: {  	s31 =	sshll.u32 s1, $0xD;
	s1 =	sshrl.u32 s1, $0x2  }
0xb9: {  	s3 =	sand.u32 $0x4000, s31;
	s1 =	sadd.s32 s1, s30  }
0xba: {  	s0 =	sor.u32 s3, s0;
	s1 =	sshll.u32 s1, $0x11  }
0xbb: {  	s0 =	sor.u32 s1, s0  }
0xbc: {  	s0 =	sadd.s32 $0x8F2B, s0  }
0xbd: {  	[sflag:s0] =	ssyncadd.remote.s32 $0x1  }
0xbe: {  	_ =	sfence.sel $0xFFFF  }
0xbf: {  	[dreg:$0x0] =	wrdreg $0xFFFFFFFF;
	(pc) =	sbr.abs _section_cstart, $3  }
0xc0: {  	[dreg:$0x1] =	wrdreg $0xFFFFFFFF  }
0xc1: {  	_ =	task.clear_ibuf [dreg:s6], $0x2FFFF;
	_ =	strace $0x9FFFFFFF  }
0xc2: {  	(tm) =	ssettm $0x7FFFFFFF  }
0xc3: {  	_ =	shalt  }
tec
execute0_lowered:
.L_overlay_start_1:
0x0: {  	(tag) =	ssettag $0x1  }
0x1: {  	s6 =	rddreg [dreg:$0x0]  }
0x2: {  	s0 =	srdreg.scid;
	s2 =	rddreg [dreg:$0x1];
	s3 =	simm.s32 $0x0  }
0x3: {  	s14 =	simm.s32 $0x1;
	s15 =	simm.s32 $0x2800;
	s16 =	simm.s32 $0x2C00  }
0x4: {  	s17 =	simm.s32 $0x6C00;
	s18 =	simm.s32 $0x80;
	s19 =	simm.s32 $0x2880  }
0x5: {  	s20 =	simm.s32 $0x2900;
	s21 =	simm.s32 $0x2980;
	s22 =	simm.s32 $0x2A00  }
0x6: {  	s23 =	simm.s32 $0x0;
	s4 =	sand.u32 $0x1, s0;
	s0 =	stileid.u32  }
0x7: {  	[smem:$0x7FF] =	sst s3;
	s1 =	sshll.u32 s4, $0x4;
	s7 =	smul.u32 $0x2800, s4  }
0x8: {  	s8 =	smul.u32 $0x280, s0;
	s29 =	sshll.u32 s0, $0x7;
	s31 =	ssub.s32 $0x2, s4  }
0x9: {  	s4 =	sadd.s32 $0xDC00, s6;
	s1 =	sor.u32 s0, s1;
	s10 =	sadd.s32 s29, s6  }
0xa: {  	s11 =	sshrl.u32 s31, $0x1;
	s5 =	smul.u32 $0x500, s1;
	s1 =	rddreg [dreg:$0x2]  }
0xb: {  	_ =	strace $0x80000047;
	s30 =	sadd.s32 s8, s7;
	s13 =	ssub.s32 s31, s11  }
0xc: {  	s7 =	sadd.s32 $0x3400, s10;
	s8 =	sshll.u32 s30, $0x4;
	s13 =	smax.u32 s13, $0x1  }
0xd: {  	s9 =	sadd.s32 s5, s6;
	s5 =	sadd.s32 $0xE400, s6;
	s12 =	sadd.s32 s8, s6  }
0xe: {  	s6 =	sadd.s32 $0x3C00, s9;
	s8 =	sadd.s32 $0xEC00, s12;
	s9 =	sadd.s32 $0xF400, s12  }
0xf: {  	s10 =	sadd.s32 $0xFC00, s12;
	s11 =	sadd.s32 $0x10400, s12;
	s12 =	sadd.s32 $0x10C00, s12  }
.LBB2_1:
0x10: {  	[tilespmem:s3], [sflag:$0x1] =	stream.linear.gather [hbm4b:s6+s3], $0x2800, $0x38;
	[tilespmem:$0x1EC00] =	vst v63  }
0x11: {  	_ =	swait.ge [sflag:s14], $0x2800  }
0x12: {  	[sflag:s14] =	ssyncset.done $0x0  }
0x13: {  	[sflag:s14] =	ssyncadd.s32 $0xFFFFD800  }
0x14: {  	[tilespmem:s15], [sflag:$0x1] =	stream.linear.gather [hbm4b:s7+s3], $0x280, $0x38;
	[tilespmem:$0x1EC00] =	vst v63  }
0x15: {  	_ =	swait.ge [sflag:s14], $0x280  }
0x16: {  	[sflag:s14] =	ssyncset.done $0x0  }
0x17: {  	[sflag:s14] =	ssyncadd.s32 $0xFFFFFD80  }
0x18: {  	[tilespmem:s16], [sflag:$0x1] =	stream.linear.gather [hbm4b:s4+s3], $0x4000, $0x38;
	[tilespmem:$0x1EC00] =	vst v63  }
0x19: {  	_ =	swait.ge [sflag:s14], $0x4000  }
0x1a: {  	[sflag:s14] =	ssyncset.done $0x0  }
0x1b: {  	[sflag:s14] =	ssyncadd.s32 $0xFFFFC000  }
0x1c: {  	[tilespmem:s17], [sflag:$0x1] =	stream.linear.gather [hbm4b:s5+s3], $0x4000, $0x38;
	[tilespmem:$0x1EC00] =	vst v63  }
0x1d: {  	_ =	swait.ge [sflag:s14], $0x4000  }
0x1e: {  	[sflag:s14] =	ssyncset.done $0x0  }
0x1f: {  	[sflag:s14] =	ssyncadd.s32 $0xFFFFC000  }
0x20: {  	[spmem:s2] =	stream.indirect.scatter [tilespmem:s16], [sflag:$0x1], $0x80, s15, s18, $0xb8;
	[tilespmem:$0x1EC00] =	vst v63  }
0x21: {  	_ =	swait.ge [sflag:s14], $0x4000  }
0x22: {  	[sflag:s14] =	ssyncset.done $0x0  }
0x23: {  	[sflag:s14] =	ssyncadd.s32 $0xFFFFC000  }
0x24: {  	[spmem:s2] =	stream.indirect.scatter [tilespmem:s16], [sflag:$0x1], $0x80, s19, s18, $0xb8;
	[tilespmem:$0x1EC00] =	vst v63  }
0x25: {  	_ =	swait.ge [sflag:s14], $0x4000  }
0x26: {  	[sflag:s14] =	ssyncset.done $0x0  }
0x27: {  	[sflag:s14] =	ssyncadd.s32 $0xFFFFC000  }
0x28: {  	[spmem:s2] =	stream.indirect.scatter [tilespmem:s16], [sflag:$0x1], $0x80, s20, s18, $0xb8;
	[tilespmem:$0x1EC00] =	vst v63  }
0x29: {  	_ =	swait.ge [sflag:s14], $0x4000  }
0x2a: {  	[sflag:s14] =	ssyncset.done $0x0  }
0x2b: {  	[sflag:s14] =	ssyncadd.s32 $0xFFFFC000  }
0x2c: {  	[spmem:s2] =	stream.indirect.scatter [tilespmem:s16], [sflag:$0x1], $0x80, s21, s18, $0xb8;
	[tilespmem:$0x1EC00] =	vst v63  }
0x2d: {  	_ =	swait.ge [sflag:s14], $0x4000  }
0x2e: {  	[sflag:s14] =	ssyncset.done $0x0  }
0x2f: {  	[sflag:s14] =	ssyncadd.s32 $0xFFFFC000  }
0x30: {  	[spmem:s2] =	stream.indirect.scatter [tilespmem:s16], [sflag:$0x1], $0x80, s22, s18, $0xb8;
	[tilespmem:$0x1EC00] =	vst v63  }
0x31: {  	_ =	swait.ge [sflag:s14], $0x4000  }
0x32: {  	[sflag:s14] =	ssyncset.done $0x0  }
0x33: {  	[sflag:s14] =	ssyncadd.s32 $0xFFFFC000  }
0x34: {  	s24 =	simm.s32 $0x0;
	[bflag:$0x0] =	sbarrier.arrive $0xFFFF  }
0x35: {  	[spmem:s2] =	stream.indirect.scatter.add.f32 [tilespmem:s17], [sflag:$0x1], $0x80, s24, s18, $0xb8;
	[tilespmem:$0x1EC00] =	vst v63  }
0x36: {  	_ =	swait.ge [sflag:s14], $0x4000  }
0x37: {  	s24 =	simm.s32 $0x200;
	[sflag:s14] =	ssyncset.done $0x0  }
.LBB2_2:
0x38: {  	s25 =	sshra.s32 s24, $0x2;
	[sflag:s14] =	ssyncadd.s32 $0xFFFFC000;
	p0 =	sne.s32 s24, $0x9E00  }
0x39: {  	[spmem:s2] =	stream.indirect.scatter.add.f32 [tilespmem:s17], [sflag:$0x1], $0x80, s25, s18, $0xb8;
	[tilespmem:$0x1EC00] =	vst v63  }
.Ltmp0:
0x3a: {  	_ = 	snop;
	(pc) =	sbr.rel @p0 .LBB2_2-.Ltmp0, $4  }
0x3b: {  	_ = 	snop  }
0x3c: {  	s24 =	sadd.s32 $0x200, s24  }
0x3d: {  	_ =	swait.ge [sflag:s14], $0x4000  }
0x3e: {  	[sflag:s14] =	ssyncset.done $0x0  }
0x3f: {  	[sflag:s14] =	ssyncadd.s32 $0xFFFFC000  }
0x40: {  	[bflag:$0x0] =	sbarrier.arrive $0xFFFF  }
0x41: {  	[tilespmem:s16], [sflag:$0x1] =	stream.indirect.gather [spmem:s2], $0x80, s15, s18, $0xb8;
	[tilespmem:$0x1EC00] =	vst v63  }
0x42: {  	_ =	swait.ge [sflag:s14], $0x4000  }
0x43: {  	[sflag:s14] =	ssyncset.done $0x0  }
0x44: {  	[sflag:s14] =	ssyncadd.s32 $0xFFFFC000  }
0x45: {  	[hbm4b:s8+s3] =	stream.linear.scatter [tilespmem:s16], [sflag:$0x1], $0x4000, $0x38;
	[tilespmem:$0x1EC00] =	vst v63  }
0x46: {  	_ =	swait.ge [sflag:s14], $0x4000  }
0x47: {  	[sflag:s14] =	ssyncset.done $0x0  }
0x48: {  	[sflag:s14] =	ssyncadd.s32 $0xFFFFC000  }
0x49: {  	[tilespmem:s16], [sflag:$0x1] =	stream.indirect.gather [spmem:s2], $0x80, s19, s18, $0xb8;
	[tilespmem:$0x1EC00] =	vst v63  }
0x4a: {  	_ =	swait.ge [sflag:s14], $0x4000  }
0x4b: {  	[sflag:s14] =	ssyncset.done $0x0  }
0x4c: {  	[sflag:s14] =	ssyncadd.s32 $0xFFFFC000  }
0x4d: {  	[hbm4b:s9+s3] =	stream.linear.scatter [tilespmem:s16], [sflag:$0x1], $0x4000, $0x38;
	[tilespmem:$0x1EC00] =	vst v63  }
0x4e: {  	_ =	swait.ge [sflag:s14], $0x4000  }
0x4f: {  	[sflag:s14] =	ssyncset.done $0x0  }
0x50: {  	[sflag:s14] =	ssyncadd.s32 $0xFFFFC000  }
0x51: {  	[tilespmem:s16], [sflag:$0x1] =	stream.indirect.gather [spmem:s2], $0x80, s20, s18, $0xb8;
	[tilespmem:$0x1EC00] =	vst v63  }
0x52: {  	_ =	swait.ge [sflag:s14], $0x4000  }
0x53: {  	[sflag:s14] =	ssyncset.done $0x0  }
0x54: {  	[sflag:s14] =	ssyncadd.s32 $0xFFFFC000  }
0x55: {  	[hbm4b:s10+s3] =	stream.linear.scatter [tilespmem:s16], [sflag:$0x1], $0x4000, $0x38;
	[tilespmem:$0x1EC00] =	vst v63  }
0x56: {  	_ =	swait.ge [sflag:s14], $0x4000  }
0x57: {  	[sflag:s14] =	ssyncset.done $0x0  }
0x58: {  	[sflag:s14] =	ssyncadd.s32 $0xFFFFC000  }
0x59: {  	[tilespmem:s16], [sflag:$0x1] =	stream.indirect.gather [spmem:s2], $0x80, s21, s18, $0xb8;
	[tilespmem:$0x1EC00] =	vst v63  }
0x5a: {  	_ =	swait.ge [sflag:s14], $0x4000  }
0x5b: {  	[sflag:s14] =	ssyncset.done $0x0  }
0x5c: {  	[sflag:s14] =	ssyncadd.s32 $0xFFFFC000  }
0x5d: {  	[hbm4b:s11+s3] =	stream.linear.scatter [tilespmem:s16], [sflag:$0x1], $0x4000, $0x38;
	[tilespmem:$0x1EC00] =	vst v63  }
0x5e: {  	_ =	swait.ge [sflag:s14], $0x4000  }
0x5f: {  	[sflag:s14] =	ssyncset.done $0x0  }
0x60: {  	[sflag:s14] =	ssyncadd.s32 $0xFFFFC000  }
0x61: {  	[tilespmem:s16], [sflag:$0x1] =	stream.indirect.gather [spmem:s2], $0x80, s22, s18, $0xb8;
	[tilespmem:$0x1EC00] =	vst v63  }
0x62: {  	s23 =	sadd.s32 $0x1, s23;
	_ =	swait.ge [sflag:s14], $0x4000  }
0x63: {  	p0 =	sne.s32 s23, s13;
	[sflag:s14] =	ssyncset.done $0x0  }
.Ltmp1:
0x64: {  	[sflag:s14] =	ssyncadd.s32 $0xFFFFC000;
	(pc) =	sbr.rel @p0 .LBB2_1-.Ltmp1, $4  }
0x65: {  	[hbm4b:s12+s3] =	stream.linear.scatter [tilespmem:s16], [sflag:$0x1], $0x4000, $0x38;
	[tilespmem:$0x1EC00] =	vst v63  }
0x66: {  	_ =	swait.ge [sflag:s14], $0x4000  }
0x67: {  	[sflag:s14] =	ssyncset.done $0x0  }
0x68: {  	[sflag:s14] =	ssyncadd.s32 $0xFFFFC000  }
0x69: {  	_ =	sfence.sel $0x180000  }
0x6a: {  	[bflag:$0x0] =	sbarrier.arrive $0xFFFF  }
0x6b: {  	p0 =	sne.s32 s0, $0x0;
	_ =	strace $0x90000047  }
0x6c: {  	s0 =	sadd.s32 @!p0 $0x100000, s1;
	[bflag:$0x2] =	sbarrier.arrive $0xFFFF  }
0x6d: {  	[sflag:s0] =	ssyncadd.tile.s32 @!p0 $0x1;
	_ =	shalt  }
.Lfunc_end2:
_tile_overlayer_lowered:
.L_overlay_start_2:
0x6e: {  	(tag) =	ssettag $0x2  }
0x6f: {  	s0 =	rddreg [dreg:$0x0];
	s2 =	stileid.u32  }
0x70: {  	s1 =	rddreg [dreg:$0x1];
	p0 =	sne.s32 s2, $0x0  }
0x71: {  	s3 =	rddreg [dreg:$0x2];
	[bflag:$0x3] =	sbarrier.arrive $0xFFFF;
	s2 =	simm.s32 @!p0 $0x1C01  }
0x72: {  	[timem:s3], [sflag:s2] =	dma.local @!p0 [hbm:s0], s1  }
0x73: {  	s0 =	simm.s32 @!p0 $0x1  }
0x74: {  	_ =	swait.ge @!p0 [sflag:s0], s1  }
0x75: {  	s1 =	ssub.s32 @!p0 $0x0, s1;
	[sflag:s0] =	ssyncset.done @!p0 $0x0  }
0x76: {  	[sflag:s0] =	ssyncadd.s32 @!p0 s1  }
0x77: {  	[bflag:$0x3] =	sbarrier.arrive $0xFFFF  }
0x78: {  	_ =	shalt  }

</sc_bundles>
